<compile_context>
chip_gen: v7x
topology: tpu7x:2x2x1
jax: 0.10.2.dev20260603
libtpu: 0.0.44.dev20260713+nightly
codegen_flags: <defaults>
</compile_context>

<pallas_src>
import functools

import jax
import jax.numpy as jnp
from jax import lax
from jax.experimental import pallas as pl
from jax.experimental.pallas import tpu as pltpu
from jax.experimental.pallas import tpu_sc as plsc

N = 10000
E = 160000
C = 80
NCHUNK = E // C
NSUB = 16
KPT = NCHUNK // NSUB
HKPT = (KPT + 1) // 2
ROWS_PER_TILE = N // NSUB

R = 2000
G = N // R


@functools.lru_cache(maxsize=None)
def _make_seg_sum(width):
    mesh = plsc.VectorSubcoreMesh(core_axis_name="c", subcore_axis_name="s")

    @functools.partial(
        pl.kernel,
        out_type=(jax.ShapeDtypeStruct((N, width), jnp.float32),
                  jax.ShapeDtypeStruct((N, width), jnp.float32)),
        mesh=mesh,
        scratch_types=[
            pltpu.VMEM((HKPT, C), jnp.int32),
            pltpu.VMEM((HKPT, C), jnp.int32),
            pltpu.VMEM((C, width), jnp.float32),
            pltpu.VMEM((C, width), jnp.float32),
            pltpu.VMEM_SHARED((N, width), jnp.float32),
            pltpu.SemaphoreType.DMA,
        ],
        compiler_params=pltpu.CompilerParams(use_tc_tiling_on_sc=False),
    )
    def seg(y_a, ei_a, y_b, ei_b, zeros, out_a, out_b,
            src_buf, dst_buf, rows0, rows1, acc, sem):
        cid = lax.axis_index("c")
        sid = lax.axis_index("s")
        r0 = sid * ROWS_PER_TILE
        pltpu.sync_copy(zeros.at[pl.ds(r0, ROWS_PER_TILE)], acc.at[pl.ds(r0, ROWS_PER_TILE)])
        plsc.subcore_barrier()

        def edge_loop(y, ei):
            def run_range(cbase, cnt):
                base = sid * KPT + cbase
                pltpu.sync_copy(ei.at[0, pl.ds(base, cnt)], src_buf.at[pl.ds(0, cnt)])
                pltpu.sync_copy(ei.at[1, pl.ds(base, cnt)], dst_buf.at[pl.ds(0, cnt)])

                def stepper(cur, nxt, i):
                    pltpu.make_async_copy(y.at[src_buf.at[i]], cur, sem).wait()

                    @pl.when(i < cnt - 1)
                    def _():
                        pltpu.async_copy(y.at[src_buf.at[i + 1]], nxt, sem)

                    pltpu.sync_copy(cur, acc.at[dst_buf.at[i]], add=True)

                pltpu.async_copy(y.at[src_buf.at[0]], rows0, sem)

                def body(i, carry):
                    @pl.when(i % 2 == 0)
                    def _():
                        stepper(rows0, rows1, i)

                    @pl.when(i % 2 == 1)
                    def _():
                        stepper(rows1, rows0, i)

                    return carry

                lax.fori_loop(0, cnt, body, 0)

            run_range(0, HKPT)
            run_range(HKPT, KPT - HKPT)

        @pl.when(cid == 0)
        def _():
            edge_loop(y_a, ei_a)

        @pl.when(cid == 1)
        def _():
            edge_loop(y_b, ei_b)

        plsc.subcore_barrier()

        @pl.when(cid == 0)
        def _():
            pltpu.sync_copy(acc.at[pl.ds(r0, ROWS_PER_TILE)], out_a.at[pl.ds(r0, ROWS_PER_TILE)])

        @pl.when(cid == 1)
        def _():
            pltpu.sync_copy(acc.at[pl.ds(r0, ROWS_PER_TILE)], out_b.at[pl.ds(r0, ROWS_PER_TILE)])

    return seg



def _full(a):
    return pl.BlockSpec(a.shape, lambda b: (0,) * a.ndim)


def _rows(a):
    return pl.BlockSpec((R,) + a.shape[1:], lambda b: (b,) + (0,) * (a.ndim - 1))


def _pos_mlp_body(pos, W1, b1, W2, b2, W3, b3, W4, b4, o_ref):
    h = jax.nn.relu(pos[...] @ W1[...] + b1[...])
    h = jax.nn.relu(h @ W2[...] + b2[...])
    h = jax.nn.relu(h @ W3[...] + b3[...])
    o_ref[...] = h @ W4[...] + b4[...]


def _pos_mlp(pos, args):
    return pl.pallas_call(
        _pos_mlp_body,
        grid=(G,),
        in_specs=[_rows(pos)] + [_full(a) for a in args],
        out_specs=pl.BlockSpec((R, 32), lambda b: (b, 0)),
        out_shape=jax.ShapeDtypeStruct((N, 32), jnp.float32),
    )(pos, *args)


def _mm1_body(x, W, b, o_ref):
    o_ref[...] = x[...] @ W[...] + b[...]


def _mm1(x, Wt, b):
    dout = Wt.shape[1]
    return pl.pallas_call(
        _mm1_body,
        grid=(G,),
        in_specs=[_rows(x), _full(Wt), _full(b)],
        out_specs=pl.BlockSpec((R, dout), lambda blk: (blk, 0)),
        out_shape=jax.ShapeDtypeStruct((N, dout), jnp.float32),
    )(x, Wt, b)


def _edge_mats_body(x, Wla, Wlb, Wrs, bls, ya_ref, yb_ref, s_ref):
    xv = x[...]
    if ya_ref.shape[1] == 144:
        ones = jnp.ones((xv.shape[0], 16), jnp.float32)
        ya_ref[...] = jnp.concatenate([xv @ Wla[...], ones], axis=1)
        yb_ref[...] = jnp.concatenate([xv @ Wlb[...], ones], axis=1)
    else:
        ya_ref[...] = xv @ Wla[...]
        yb_ref[...] = xv @ Wlb[...]
    s_ref[...] = xv @ Wrs[...] + bls[...]


def _edge_mats(x, Wla, Wlb, Wrs, bls, ywidth):
    outs = (jax.ShapeDtypeStruct((N, ywidth), jnp.float32),
            jax.ShapeDtypeStruct((N, ywidth), jnp.float32),
            jax.ShapeDtypeStruct((N, 128), jnp.float32))
    return pl.pallas_call(
        _edge_mats_body,
        grid=(G,),
        in_specs=[_rows(x), _full(Wla), _full(Wlb), _full(Wrs), _full(bls)],
        out_specs=(pl.BlockSpec((R, ywidth), lambda b: (b, 0)),
                   pl.BlockSpec((R, ywidth), lambda b: (b, 0)),
                   pl.BlockSpec((R, 128), lambda b: (b, 0))),
        out_shape=outs,
    )(x, Wla, Wlb, Wrs, bls)


def _tanh_mm_body(x, W, b, o_ref):
    o_ref[...] = jnp.tanh(x[...] @ W[...] + b[...])


def _tanh_mm(x, Wt, b):
    return pl.pallas_call(
        _tanh_mm_body,
        grid=(G,),
        in_specs=[_rows(x), _full(Wt), _full(b)],
        out_specs=pl.BlockSpec((R, 32), lambda blk: (blk, 0)),
        out_shape=jax.ShapeDtypeStruct((N, 32), jnp.float32),
    )(x, Wt, b)


def _vq_body(xq, c, cbT, cbsq, cb, zq_ref, loss_ref):
    blk = pl.program_id(0)
    x = xq[...]
    d = c[...] + cbsq[...] - 2.0 * (x @ cbT[...])
    idx = jnp.argmin(d, axis=1, keepdims=True).astype(jnp.int32)
    onehot = (idx == lax.broadcasted_iota(jnp.int32, (1, 1024), 1)).astype(jnp.float32)
    q = jnp.matmul(onehot, cb[...], precision=lax.Precision.HIGHEST)
    zq_ref[...] = x + (q - x)

    @pl.when(blk == 0)
    def _():
        loss_ref[...] = jnp.zeros_like(loss_ref)

    loss_ref[...] += jnp.sum((q - x) ** 2)

    @pl.when(blk == G - 1)
    def _():
        loss_ref[...] = loss_ref[...] * (1.25 / (N * 32))


def _vq(xq, c, cbT, cbsq, cb):
    outs = (jax.ShapeDtypeStruct((N, 32), jnp.float32),
            jax.ShapeDtypeStruct((1, 1), jnp.float32))
    return pl.pallas_call(
        _vq_body,
        grid=(G,),
        in_specs=[_rows(xq), _rows(c), _full(cbT), _full(cbsq), _full(cb)],
        out_specs=(pl.BlockSpec((R, 32), lambda b: (b, 0)),
                   pl.BlockSpec((1, 1), lambda b: (0, 0))),
        out_shape=outs,
    )(xq, c, cbT, cbsq, cb)


def _ln(x, g, b, eps):
    m = x.mean(axis=-1, keepdims=True)
    v = ((x - m) ** 2).mean(axis=-1, keepdims=True)
    return g * (x - m) / jnp.sqrt(v + eps) + b


def _gnorm(x, w, b, a, eps=1e-5):
    mean = x.mean(axis=0, keepdims=True)
    out = x - a * mean
    var = (out * out).mean(axis=0, keepdims=True)
    return w * out / jnp.sqrt(var + eps) + b


def kernel(x_res, positions, AA, edge_index_bb, edge_index_knn, params):
    p = params
    ei_a, ei_b = edge_index_bb, edge_index_knn
    g = lambda t: jax.nn.gelu(t, approximate=False)
    r1 = lambda a: a.reshape(1, -1)

    x0 = _ln(x_res, p['ln_g'], p['ln_b'], 1e-6)
    pos_enc = _pos_mlp(positions, (p['pW1'].T, r1(p['pb1']), p['pW2'].T, r1(p['pb2']),
                                   p['pW3'].T, r1(p['pb3']), p['pW4'].T, r1(p['pb4'])))
    xin = jnp.concatenate([x0, pos_enc], axis=1)
    x = _ln(xin, p['ln2_g'], p['ln2_b'], 1e-6)
    x = g(_mm1(x, p['iW1'].T, r1(p['ib1'])))
    x = g(_mm1(x, p['iW2'].T, r1(p['ib2'])))

    y_a, y_b, s1 = _edge_mats(x, p['Wl_a1'].T, p['Wl_b1'].T,
                              (p['Wr_a1'] + p['Wr_b1']).T, r1(p['bl_a1'] + p['bl_b1']), 144)

    zeros144 = jnp.zeros((N, 144), jnp.float32)
    zeros128 = jnp.zeros((N, 128), jnp.float32)
    eia_r = ei_a.reshape(2, NCHUNK, C)
    eib_r = ei_b.reshape(2, NCHUNK, C)
    agg_a, agg_b = _make_seg_sum(144)(y_a, eia_r, y_b, eib_r, zeros144)
    cnt_a = jnp.clip(agg_a[:, 128:129], 1.0)
    cnt_b = jnp.clip(agg_b[:, 128:129], 1.0)
    x = g(0.5 * (agg_a[:, :128] / cnt_a + agg_b[:, :128] / cnt_b + s1))
    x = _gnorm(x, p['g1_w'], p['g1_b'], p['g1_a'])
    x1 = x

    y_a2, y_b2, s2 = _edge_mats(x, p['Wl_a2'].T, p['Wl_b2'].T,
                                (p['Wr_a2'] + p['Wr_b2']).T, r1(p['bl_a2'] + p['bl_b2']), 128)
    agg_a2, agg_b2 = _make_seg_sum(128)(y_a2, eia_r, y_b2, eib_r, zeros128)
    x = g(0.5 * (agg_a2 / cnt_a + agg_b2 / cnt_b + s2))
    x = _gnorm(x, p['g2_w'], p['g2_b'], p['g2_a'])
    x2 = x

    x = jnp.concatenate([x1, x2], axis=1)
    x = g(_mm1(x, p['hW1'].T, r1(p['hb1'])))
    x = g(_mm1(x, p['hW2'].T, r1(p['hb2'])))
    x = jnp.concatenate([x, AA], axis=1)
    x = g(_mm1(x, p['oW1'].T, r1(p['ob1'])))
    x = g(_mm1(x, p['oW2'].T, r1(p['ob2'])))
    x = _tanh_mm(x, p['oW3'].T, r1(p['ob3']))

    cb = p['codebook']
    c = jnp.sum(x * x, axis=1, keepdims=True)
    cbsq = jnp.sum(cb * cb, axis=1)[None, :]
    z_q, vq_loss = _vq(x, c, cb.T, cbsq, cb)
    return z_q, vq_loss[0, 0]

# --- scband reference (transcript-rebuilt; emitter-appended) ---
"""Pipeline reference for scband-mk1-encoder-54288386621901 (READ-ONLY COPY).

The authoritative reference and input builder live on the scoring server;
editing this copy changes nothing except your own understanding.
"""

import jax, jax.numpy as jnp
import numpy as np

N = 10000
E = 160000
IN_C = 128

def _lin_init(key, din, dout, bias=True):
    k1, k2 = jax.random.split(key)
    s = 1.0 / np.sqrt(din)
    W = jax.random.uniform(k1, (dout, din), minval=-s, maxval=s, dtype=jnp.float32)
    if bias:
        b = jax.random.uniform(k2, (dout,), minval=-s, maxval=s, dtype=jnp.float32)
        return W, b
    return W

def setup_inputs(seed: int = 0):
    key = jax.random.key(seed)
    ks = jax.random.split(key, 32)
    x_res = jax.random.normal(ks[0], (N, IN_C), dtype=jnp.float32)
    positions = jax.random.normal(ks[1], (N, 256), dtype=jnp.float32)
    AA = jax.random.uniform(ks[2], (N, 20), dtype=jnp.float32)
    edge_index_bb = jax.random.randint(ks[3], (2, E), 0, N, dtype=jnp.int32)
    edge_index_knn = jax.random.randint(ks[4], (2, E), 0, N, dtype=jnp.int32)
    p = {}
    p['ln_g'] = jnp.ones((IN_C,), jnp.float32); p['ln_b'] = jnp.zeros((IN_C,), jnp.float32)
    dims = [256, 128, 128, 64, 32]
    for i in range(4):
        W, b = _lin_init(ks[5 + i], dims[i], dims[i + 1])
        p['pW%d' % (i + 1)] = W; p['pb%d' % (i + 1)] = b
    p['ln2_g'] = jnp.ones((160,), jnp.float32); p['ln2_b'] = jnp.zeros((160,), jnp.float32)
    p['iW1'], p['ib1'] = _lin_init(ks[10], 160, 512)
    p['iW2'], p['ib2'] = _lin_init(ks[11], 512, 256)
    p['Wl_a1'], p['bl_a1'] = _lin_init(ks[12], 256, 128)
    p['Wr_a1'] = _lin_init(ks[13], 256, 128, bias=False)
    p['Wl_b1'], p['bl_b1'] = _lin_init(ks[14], 256, 128)
    p['Wr_b1'] = _lin_init(ks[15], 256, 128, bias=False)
    p['g1_w'] = jnp.ones((128,), jnp.float32); p['g1_b'] = jnp.zeros((128,), jnp.float32); p['g1_a'] = jnp.ones((128,), jnp.float32)
    p['Wl_a2'], p['bl_a2'] = _lin_init(ks[16], 128, 128)
    p['Wr_a2'] = _lin_init(ks[17], 128, 128, bias=False)
    p['Wl_b2'], p['bl_b2'] = _lin_init(ks[18], 128, 128)
    p['Wr_b2'] = _lin_init(ks[19], 128, 128, bias=False)
    p['g2_w'] = jnp.ones((128,), jnp.float32); p['g2_b'] = jnp.zeros((128,), jnp.float32); p['g2_a'] = jnp.ones((128,), jnp.float32)
    p['hW1'], p['hb1'] = _lin_init(ks[20], 256, 100)
    p['hW2'], p['hb2'] = _lin_init(ks[21], 100, 100)
    p['oW1'], p['ob1'] = _lin_init(ks[22], 120, 100)
    p['oW2'], p['ob2'] = _lin_init(ks[23], 100, 100)
    p['oW3'], p['ob3'] = _lin_init(ks[24], 100, 32)
    p['codebook'] = jax.random.normal(ks[25], (1024, 32), dtype=jnp.float32)
    return {'x_res': x_res, 'positions': positions, 'AA': AA, 'edge_index_bb': edge_index_bb, 'edge_index_knn': edge_index_knn, 'params': p}

def _ln(x, g, b, eps):
    m = x.mean(axis=-1, keepdims=True)
    v = ((x - m) ** 2).mean(axis=-1, keepdims=True)
    return g * (x - m) / jnp.sqrt(v + eps) + b

def _sage(x, ei, Wl, bl, Wr):
    src, dst = ei[0], ei[1]
    agg = jax.ops.segment_sum(x[src], dst, num_segments=N)
    cnt = jax.ops.segment_sum(jnp.ones((ei.shape[1],), jnp.float32), dst, num_segments=N)
    agg = agg / jnp.clip(cnt, 1.0)[:, None]
    return agg @ Wl.T + bl + x @ Wr.T

def _gnorm(x, w, b, a, eps=1e-5):
    mean = x.mean(axis=0, keepdims=True)
    out = x - a * mean
    var = (out * out).mean(axis=0, keepdims=True)
    return w * out / jnp.sqrt(var + eps) + b

def _forward(x_res, positions, AA, params, ei_a, ei_b):
    p = params
    g = lambda t: jax.nn.gelu(t, approximate=False)
    x0 = _ln(x_res, p['ln_g'], p['ln_b'], 1e-6)
    h = jax.nn.relu(positions @ p['pW1'].T + p['pb1'])
    h = jax.nn.relu(h @ p['pW2'].T + p['pb2'])
    h = jax.nn.relu(h @ p['pW3'].T + p['pb3'])
    pos_enc = h @ p['pW4'].T + p['pb4']
    xin = jnp.concatenate([x0, pos_enc], axis=1)
    x = _ln(xin, p['ln2_g'], p['ln2_b'], 1e-6)
    x = g(x @ p['iW1'].T + p['ib1'])
    x = g(x @ p['iW2'].T + p['ib2'])
    xa = _sage(x, ei_a, p['Wl_a1'], p['bl_a1'], p['Wr_a1'])
    xb = _sage(x, ei_b, p['Wl_b1'], p['bl_b1'], p['Wr_b1'])
    x = g(0.5 * (xa + xb))
    x = _gnorm(x, p['g1_w'], p['g1_b'], p['g1_a'])
    x1 = x
    xa = _sage(x, ei_a, p['Wl_a2'], p['bl_a2'], p['Wr_a2'])
    xb = _sage(x, ei_b, p['Wl_b2'], p['bl_b2'], p['Wr_b2'])
    x = g(0.5 * (xa + xb))
    x = _gnorm(x, p['g2_w'], p['g2_b'], p['g2_a'])
    x2 = x
    x = jnp.concatenate([x1, x2], axis=1)
    x = g(x @ p['hW1'].T + p['hb1'])
    x = g(x @ p['hW2'].T + p['hb2'])
    x = jnp.concatenate([x, AA], axis=1)
    x = g(x @ p['oW1'].T + p['ob1'])
    x = g(x @ p['oW2'].T + p['ob2'])
    x = jnp.tanh(x @ p['oW3'].T + p['ob3'])
    cb = p['codebook']
    d = jnp.sum(x * x, axis=1, keepdims=True) + jnp.sum(cb * cb, axis=1)[None, :] - 2.0 * (x @ cb.T)
    idx = jnp.argmin(d, axis=1)
    q = jnp.take(cb, idx, axis=0)
    e_loss = jnp.mean((jax.lax.stop_gradient(q) - x) ** 2)
    q_loss = jnp.mean((q - jax.lax.stop_gradient(x)) ** 2)
    vq_loss = q_loss + 0.25 * e_loss
    z_q = x + jax.lax.stop_gradient(q - x)
    return z_q, vq_loss

def reference(x_res, positions, AA, edge_index_bb, edge_index_knn, params):
    return _forward(x_res, positions, AA, params, edge_index_bb, edge_index_knn)

if __name__ == "__main__":
    import jax
    _d = setup_inputs()
    print(jax.jit(kernel)(*tuple(_d.values())))

</pallas_src>

<mosaic_0001>
#map = affine_map<(d0, d1) -> (0, 0)>
#map1 = affine_map<(d0, d1) -> (0, 0, 0)>
module attributes {stable_mosaic.version = 14 : i64} {
  func.func @seg(%arg0: i32, %arg1: i32, %arg2: memref<10000x144xf32, #tpu.memory_space<hbm>>, %arg3: memref<2x2000x80xi32, #tpu.memory_space<hbm>>, %arg4: memref<10000x144xf32, #tpu.memory_space<hbm>>, %arg5: memref<2x2000x80xi32, #tpu.memory_space<hbm>>, %arg6: memref<10000x144xf32, #tpu.memory_space<hbm>>, %arg7: memref<10000x144xf32, #tpu.memory_space<hbm>>, %arg8: memref<10000x144xf32, #tpu.memory_space<hbm>>, %arg9: memref<63x80xi32, #tpu.memory_space<vmem>>, %arg10: memref<63x80xi32, #tpu.memory_space<vmem>>, %arg11: memref<80x144xf32, #tpu.memory_space<vmem>>, %arg12: memref<80x144xf32, #tpu.memory_space<vmem>>, %arg13: memref<10000x144xf32, #tpu.memory_space<vmem_shared>>, %arg14: memref<!tpu.dma_semaphore, #tpu.memory_space<semaphore_mem>>) attributes {dimension_semantics = [#tpu.dimension_semantics<core_parallel>, #tpu.dimension_semantics<subcore_parallel>], iteration_bounds = array<i64: 2, 16>, scalar_prefetch = 0 : i64, scratch_operands = 6 : i64, tpu.core_type = #tpu.core_type<sc_vector_subcore>, window_params = [{transform_indices = #map}, {transform_indices = #map1}, {transform_indices = #map}, {transform_indices = #map1}, {transform_indices = #map}, {transform_indices = #map}, {transform_indices = #map}]} {
    %mul3A = arith.constant 625 : i32
    %mul3A_0 = arith.muli %arg1, %mul3A : i32
    "tpu.region"() ({
      %run_scoped3A = tpu.sem_alloc : memref<!tpu.dma_semaphore, #tpu.memory_space<semaphore_mem>>
      %dma_start3A = arith.constant 0 : i32
      %dma_start3A_19 = tpu.memref_slice %arg13[%mul3A_0, %dma_start3A] : memref<10000x144xf32, #tpu.memory_space<vmem_shared>> -> memref<625x144xf32, #tpu.memory_space<vmem_shared>>
      %dma_start3A_20 = arith.constant 0 : i32
      %dma_start3A_21 = tpu.memref_slice %arg6[%mul3A_0, %dma_start3A_20] : memref<10000x144xf32, #tpu.memory_space<hbm>> -> memref<625x144xf32, #tpu.memory_space<hbm>>
      tpu.enqueue_dma source(%dma_start3A_21 : memref<625x144xf32, #tpu.memory_space<hbm>>) target(%dma_start3A_19 : memref<625x144xf32, #tpu.memory_space<vmem_shared>>) target_semaphore(%run_scoped3A : memref<!tpu.dma_semaphore, #tpu.memory_space<semaphore_mem>>)
      %dma_wait3A = arith.constant 0 : i32
      %dma_wait3A_22 = tpu.memref_slice %arg13[%mul3A_0, %dma_wait3A] : memref<10000x144xf32, #tpu.memory_space<vmem_shared>> -> memref<625x144xf32, #tpu.memory_space<vmem_shared>>
      %dma_wait3A_23 = arith.constant 0 : i32
      %dma_wait3A_24 = tpu.memref_slice %arg6[%mul3A_0, %dma_wait3A_23] : memref<10000x144xf32, #tpu.memory_space<hbm>> -> memref<625x144xf32, #tpu.memory_space<hbm>>
      tpu.wait_dma2 semaphore(%run_scoped3A : memref<!tpu.dma_semaphore, #tpu.memory_space<semaphore_mem>>) src(%dma_wait3A_24 : memref<625x144xf32, #tpu.memory_space<hbm>>) dst(%dma_wait3A_22 : memref<625x144xf32, #tpu.memory_space<vmem_shared>>)
      tpu.yield
    }) : () -> ()
    %barrier3A = arith.constant 0 : index
    tpu.barrier barrier_id(%barrier3A)
    %eq3A = arith.constant 0 : i32
    %eq3A_1 = arith.cmpi eq, %arg0, %eq3A : i32
    %convert_element_type3A = arith.extui %eq3A_1 : i1 to i32
    %cond3A = arith.constant 0 : i32
    %cond3A_2 = arith.cmpi ne, %convert_element_type3A, %cond3A : i32
    scf.if %cond3A_2 {
      %mul3A_19 = arith.constant 125 : i32
      %mul3A_20 = arith.muli %arg1, %mul3A_19 : i32
      %add3A = arith.constant 0 : i32
      %add3A_21 = arith.addi %mul3A_20, %add3A : i32
      %run_scoped3A = arith.constant 0 : i32
      "tpu.region"() ({
        %run_scoped3A_53 = tpu.sem_alloc : memref<!tpu.dma_semaphore, #tpu.memory_space<semaphore_mem>>
        %dma_start3A_54 = arith.constant 0 : i32
        %dma_start3A_55 = arith.constant 0 : i32
        %dma_start3A_56 = tpu.memref_slice %arg9[%dma_start3A_54, %dma_start3A_55] : memref<63x80xi32, #tpu.memory_space<vmem>> -> memref<63x80xi32, #tpu.memory_space<vmem>>
        %dma_start3A_57 = arith.constant 0 : i32
        %dma_start3A_58 = tpu.memref_slice %arg3[%run_scoped3A, %add3A_21, %dma_start3A_57] : memref<2x2000x80xi32, #tpu.memory_space<hbm>> -> memref<1x63x80xi32, #tpu.memory_space<hbm>>
        %dma_start3A_59 = tpu.memref_squeeze %dma_start3A_58 : memref<1x63x80xi32, #tpu.memory_space<hbm>> -> memref<63x80xi32, #tpu.memory_space<hbm>>
        %dma_start3A_60 = arith.constant 0 : i32
        %dma_start3A_61 = arith.constant 0 : i32
        %dma_start3A_62 = tpu.memref_slice %arg9[%dma_start3A_60, %dma_start3A_61] : memref<63x80xi32, #tpu.memory_space<vmem>> -> memref<63x80xi32, #tpu.memory_space<vmem>>
        %dma_start3A_63 = arith.constant 0 : i32
        %dma_start3A_64 = tpu.memref_slice %arg3[%run_scoped3A, %add3A_21, %dma_start3A_63] : memref<2x2000x80xi32, #tpu.memory_space<hbm>> -> memref<1x63x80xi32, #tpu.memory_space<hbm>>
        %dma_start3A_65 = tpu.memref_squeeze %dma_start3A_64 : memref<1x63x80xi32, #tpu.memory_space<hbm>> -> memref<63x80xi32, #tpu.memory_space<hbm>>
        tpu.enqueue_dma source(%dma_start3A_65 : memref<63x80xi32, #tpu.memory_space<hbm>>) target(%dma_start3A_62 : memref<63x80xi32, #tpu.memory_space<vmem>>) target_semaphore(%run_scoped3A_53 : memref<!tpu.dma_semaphore, #tpu.memory_space<semaphore_mem>>)
        %dma_wait3A = arith.constant 0 : i32
        %dma_wait3A_66 = arith.constant 0 : i32
        %dma_wait3A_67 = tpu.memref_slice %arg9[%dma_wait3A, %dma_wait3A_66] : memref<63x80xi32, #tpu.memory_space<vmem>> -> memref<63x80xi32, #tpu.memory_space<vmem>>
        %dma_wait3A_68 = arith.constant 0 : i32
        %dma_wait3A_69 = tpu.memref_slice %arg3[%run_scoped3A, %add3A_21, %dma_wait3A_68] : memref<2x2000x80xi32, #tpu.memory_space<hbm>> -> memref<1x63x80xi32, #tpu.memory_space<hbm>>
        %dma_wait3A_70 = tpu.memref_squeeze %dma_wait3A_69 : memref<1x63x80xi32, #tpu.memory_space<hbm>> -> memref<63x80xi32, #tpu.memory_space<hbm>>
        %dma_wait3A_71 = arith.constant 0 : i32
        %dma_wait3A_72 = arith.constant 0 : i32
        %dma_wait3A_73 = tpu.memref_slice %arg9[%dma_wait3A_71, %dma_wait3A_72] : memref<63x80xi32, #tpu.memory_space<vmem>> -> memref<63x80xi32, #tpu.memory_space<vmem>>
        %dma_wait3A_74 = arith.constant 0 : i32
        %dma_wait3A_75 = tpu.memref_slice %arg3[%run_scoped3A, %add3A_21, %dma_wait3A_74] : memref<2x2000x80xi32, #tpu.memory_space<hbm>> -> memref<1x63x80xi32, #tpu.memory_space<hbm>>
        %dma_wait3A_76 = tpu.memref_squeeze %dma_wait3A_75 : memref<1x63x80xi32, #tpu.memory_space<hbm>> -> memref<63x80xi32, #tpu.memory_space<hbm>>
        tpu.wait_dma2 semaphore(%run_scoped3A_53 : memref<!tpu.dma_semaphore, #tpu.memory_space<semaphore_mem>>) src(%dma_wait3A_76 : memref<63x80xi32, #tpu.memory_space<hbm>>) dst(%dma_wait3A_73 : memref<63x80xi32, #tpu.memory_space<vmem>>)
        tpu.yield
      }) : () -> ()
      %run_scoped3A_22 = arith.constant 1 : i32
      "tpu.region"() ({
        %run_scoped3A_53 = tpu.sem_alloc : memref<!tpu.dma_semaphore, #tpu.memory_space<semaphore_mem>>
        %dma_start3A_54 = arith.constant 0 : i32
        %dma_start3A_55 = arith.constant 0 : i32
        %dma_start3A_56 = tpu.memref_slice %arg10[%dma_start3A_54, %dma_start3A_55] : memref<63x80xi32, #tpu.memory_space<vmem>> -> memref<63x80xi32, #tpu.memory_space<vmem>>
        %dma_start3A_57 = arith.constant 0 : i32
        %dma_start3A_58 = tpu.memref_slice %arg3[%run_scoped3A_22, %add3A_21, %dma_start3A_57] : memref<2x2000x80xi32, #tpu.memory_space<hbm>> -> memref<1x63x80xi32, #tpu.memory_space<hbm>>
        %dma_start3A_59 = tpu.memref_squeeze %dma_start3A_58 : memref<1x63x80xi32, #tpu.memory_space<hbm>> -> memref<63x80xi32, #tpu.memory_space<hbm>>
        %dma_start3A_60 = arith.constant 0 : i32
        %dma_start3A_61 = arith.constant 0 : i32
        %dma_start3A_62 = tpu.memref_slice %arg10[%dma_start3A_60, %dma_start3A_61] : memref<63x80xi32, #tpu.memory_space<vmem>> -> memref<63x80xi32, #tpu.memory_space<vmem>>
        %dma_start3A_63 = arith.constant 0 : i32
        %dma_start3A_64 = tpu.memref_slice %arg3[%run_scoped3A_22, %add3A_21, %dma_start3A_63] : memref<2x2000x80xi32, #tpu.memory_space<hbm>> -> memref<1x63x80xi32, #tpu.memory_space<hbm>>
        %dma_start3A_65 = tpu.memref_squeeze %dma_start3A_64 : memref<1x63x80xi32, #tpu.memory_space<hbm>> -> memref<63x80xi32, #tpu.memory_space<hbm>>
        tpu.enqueue_dma source(%dma_start3A_65 : memref<63x80xi32, #tpu.memory_space<hbm>>) target(%dma_start3A_62 : memref<63x80xi32, #tpu.memory_space<vmem>>) target_semaphore(%run_scoped3A_53 : memref<!tpu.dma_semaphore, #tpu.memory_space<semaphore_mem>>)
        %dma_wait3A = arith.constant 0 : i32
        %dma_wait3A_66 = arith.constant 0 : i32
        %dma_wait3A_67 = tpu.memref_slice %arg10[%dma_wait3A, %dma_wait3A_66] : memref<63x80xi32, #tpu.memory_space<vmem>> -> memref<63x80xi32, #tpu.memory_space<vmem>>
        %dma_wait3A_68 = arith.constant 0 : i32
        %dma_wait3A_69 = tpu.memref_slice %arg3[%run_scoped3A_22, %add3A_21, %dma_wait3A_68] : memref<2x2000x80xi32, #tpu.memory_space<hbm>> -> memref<1x63x80xi32, #tpu.memory_space<hbm>>
        %dma_wait3A_70 = tpu.memref_squeeze %dma_wait3A_69 : memref<1x63x80xi32, #tpu.memory_space<hbm>> -> memref<63x80xi32, #tpu.memory_space<hbm>>
        %dma_wait3A_71 = arith.constant 0 : i32
        %dma_wait3A_72 = arith.constant 0 : i32
        %dma_wait3A_73 = tpu.memref_slice %arg10[%dma_wait3A_71, %dma_wait3A_72] : memref<63x80xi32, #tpu.memory_space<vmem>> -> memref<63x80xi32, #tpu.memory_space<vmem>>
        %dma_wait3A_74 = arith.constant 0 : i32
        %dma_wait3A_75 = tpu.memref_slice %arg3[%run_scoped3A_22, %add3A_21, %dma_wait3A_74] : memref<2x2000x80xi32, #tpu.memory_space<hbm>> -> memref<1x63x80xi32, #tpu.memory_space<hbm>>
        %dma_wait3A_76 = tpu.memref_squeeze %dma_wait3A_75 : memref<1x63x80xi32, #tpu.memory_space<hbm>> -> memref<63x80xi32, #tpu.memory_space<hbm>>
        tpu.wait_dma2 semaphore(%run_scoped3A_53 : memref<!tpu.dma_semaphore, #tpu.memory_space<semaphore_mem>>) src(%dma_wait3A_76 : memref<63x80xi32, #tpu.memory_space<hbm>>) dst(%dma_wait3A_73 : memref<63x80xi32, #tpu.memory_space<vmem>>)
        tpu.yield
      }) : () -> ()
      %dma_start3A = arith.constant 0 : i32
      %dma_start3A_23 = arith.constant 0 : i32
      %dma_start3A_24 = tpu.memref_slice %arg9[%dma_start3A, %dma_start3A_23] : memref<63x80xi32, #tpu.memory_space<vmem>> -> memref<1x80xi32, #tpu.memory_space<vmem>>
      %dma_start3A_25 = tpu.memref_squeeze %dma_start3A_24 : memref<1x80xi32, #tpu.memory_space<vmem>> -> memref<80xi32, #tpu.memory_space<vmem>>
      %dma_start3A_26 = arith.constant 0 : i32
      %dma_start3A_27 = arith.constant 0 : i32
      %dma_start3A_28 = tpu.memref_slice %arg2[%dma_start3A_26, %dma_start3A_27] : memref<10000x144xf32, #tpu.memory_space<hbm>> -> memref<10000x144xf32, #tpu.memory_space<hbm>>
      tpu.enqueue_indirect_dma source(%dma_start3A_28 : memref<10000x144xf32, #tpu.memory_space<hbm>>) target(%arg11 : memref<80x144xf32, #tpu.memory_space<vmem>>) offsets(%dma_start3A_25 : memref<80xi32, #tpu.memory_space<vmem>>) semaphore(%arg14 : memref<!tpu.dma_semaphore, #tpu.memory_space<semaphore_mem>>)
      %scan3A = arith.constant 0 : i32
      %scan3A_29 = arith.constant 0 : i32
      %scan3A_30 = arith.constant 63 : i32
      %scan3A_31 = arith.addi %scan3A_29, %scan3A_30 : i32
      %scan3A_32 = arith.constant 1 : i32
      scf.for %scan3A_53 = %scan3A_29 to %scan3A_31 step %scan3A_32  : i32 {
        %jit3A = arith.constant 2 : i32
        %eq3A_54 = arith.constant 0 : i32
        %eq3A_55 = arith.cmpi eq, %jit3A, %eq3A_54 : i32
        %jit3A_56 = arith.constant 1 : i32
        %select_n3A = arith.select %eq3A_55, %jit3A_56, %jit3A : i32
        %rem3A = arith.remsi %scan3A_53, %select_n3A : i32
        %ne3A = arith.constant 0 : i32
        %ne3A_57 = arith.cmpi ne, %rem3A, %ne3A : i32
        %lt3A = arith.constant 0 : i32
        %lt3A_58 = arith.cmpi slt, %rem3A, %lt3A : i32
        %lt3A_59 = arith.constant 0 : i32
        %lt3A_60 = arith.cmpi slt, %select_n3A, %lt3A_59 : i32
        %ne3A_61 = arith.xori %lt3A_58, %lt3A_60 : i1
        %and3A = arith.andi %ne3A_61, %ne3A_57 : i1
        %add3A_62 = arith.addi %rem3A, %select_n3A : i32
        %select_n3A_63 = arith.select %and3A, %add3A_62, %rem3A : i32
        %eq3A_64 = arith.constant 0 : i32
        %eq3A_65 = arith.cmpi eq, %select_n3A_63, %eq3A_64 : i32
        %convert_element_type3A_66 = arith.extui %eq3A_65 : i1 to i32
        %cond3A_67 = arith.constant 0 : i32
        %cond3A_68 = arith.cmpi ne, %convert_element_type3A_66, %cond3A_67 : i32
        scf.if %cond3A_68 {
          %dma_wait3A = arith.constant 0 : i32
          %dma_wait3A_90 = tpu.memref_slice %arg9[%scan3A_53, %dma_wait3A] : memref<63x80xi32, #tpu.memory_space<vmem>> -> memref<1x80xi32, #tpu.memory_space<vmem>>
          %dma_wait3A_91 = tpu.memref_squeeze %dma_wait3A_90 : memref<1x80xi32, #tpu.memory_space<vmem>> -> memref<80xi32, #tpu.memory_space<vmem>>
          %dma_wait3A_92 = arith.constant 0 : i32
          %dma_wait3A_93 = arith.constant 0 : i32
          %dma_wait3A_94 = tpu.memref_slice %arg2[%dma_wait3A_92, %dma_wait3A_93] : memref<10000x144xf32, #tpu.memory_space<hbm>> -> memref<10000x144xf32, #tpu.memory_space<hbm>>
          tpu.wait_indirect_dma semaphore(%arg14 : memref<!tpu.dma_semaphore, #tpu.memory_space<semaphore_mem>>) src(%dma_wait3A_94 : memref<10000x144xf32, #tpu.memory_space<hbm>>) dst(%arg11 : memref<80x144xf32, #tpu.memory_space<vmem>>)
          %lt3A_95 = arith.constant 62 : i32
          %lt3A_96 = arith.cmpi slt, %scan3A_53, %lt3A_95 : i32
          %convert_element_type3A_97 = arith.extui %lt3A_96 : i1 to i32
          %cond3A_98 = arith.constant 0 : i32
          %cond3A_99 = arith.cmpi ne, %convert_element_type3A_97, %cond3A_98 : i32
          scf.if %cond3A_99 {
            %add3A_100 = arith.constant 1 : i32
            %add3A_101 = arith.addi %scan3A_53, %add3A_100 : i32
            %dma_start3A_102 = arith.constant 0 : i32
            %dma_start3A_103 = tpu.memref_slice %arg9[%add3A_101, %dma_start3A_102] : memref<63x80xi32, #tpu.memory_space<vmem>> -> memref<1x80xi32, #tpu.memory_space<vmem>>
            %dma_start3A_104 = tpu.memref_squeeze %dma_start3A_103 : memref<1x80xi32, #tpu.memory_space<vmem>> -> memref<80xi32, #tpu.memory_space<vmem>>
            %dma_start3A_105 = arith.constant 0 : i32
            %dma_start3A_106 = arith.constant 0 : i32
            %dma_start3A_107 = tpu.memref_slice %arg2[%dma_start3A_105, %dma_start3A_106] : memref<10000x144xf32, #tpu.memory_space<hbm>> -> memref<10000x144xf32, #tpu.memory_space<hbm>>
            tpu.enqueue_indirect_dma source(%dma_start3A_107 : memref<10000x144xf32, #tpu.memory_space<hbm>>) target(%arg12 : memref<80x144xf32, #tpu.memory_space<vmem>>) offsets(%dma_start3A_104 : memref<80xi32, #tpu.memory_space<vmem>>) semaphore(%arg14 : memref<!tpu.dma_semaphore, #tpu.memory_space<semaphore_mem>>)
          } else {
          }
          "tpu.region"() ({
            %run_scoped3A_100 = tpu.sem_alloc : memref<!tpu.dma_semaphore, #tpu.memory_space<semaphore_mem>>
            %dma_start3A_101 = arith.constant 0 : i32
            %dma_start3A_102 = tpu.memref_slice %arg10[%scan3A_53, %dma_start3A_101] : memref<63x80xi32, #tpu.memory_space<vmem>> -> memref<1x80xi32, #tpu.memory_space<vmem>>
            %dma_start3A_103 = tpu.memref_squeeze %dma_start3A_102 : memref<1x80xi32, #tpu.memory_space<vmem>> -> memref<80xi32, #tpu.memory_space<vmem>>
            %dma_start3A_104 = arith.constant 0 : i32
            %dma_start3A_105 = arith.constant 0 : i32
            %dma_start3A_106 = tpu.memref_slice %arg13[%dma_start3A_104, %dma_start3A_105] : memref<10000x144xf32, #tpu.memory_space<vmem_shared>> -> memref<10000x144xf32, #tpu.memory_space<vmem_shared>>
            tpu.enqueue_indirect_dma source(%arg11 : memref<80x144xf32, #tpu.memory_space<vmem>>) target(%dma_start3A_106 : memref<10000x144xf32, #tpu.memory_space<vmem_shared>>) offsets(%dma_start3A_103 : memref<80xi32, #tpu.memory_space<vmem>>) semaphore(%run_scoped3A_100 : memref<!tpu.dma_semaphore, #tpu.memory_space<semaphore_mem>>) {add = true}
            %dma_wait3A_107 = arith.constant 0 : i32
            %dma_wait3A_108 = tpu.memref_slice %arg10[%scan3A_53, %dma_wait3A_107] : memref<63x80xi32, #tpu.memory_space<vmem>> -> memref<1x80xi32, #tpu.memory_space<vmem>>
            %dma_wait3A_109 = tpu.memref_squeeze %dma_wait3A_108 : memref<1x80xi32, #tpu.memory_space<vmem>> -> memref<80xi32, #tpu.memory_space<vmem>>
            %dma_wait3A_110 = arith.constant 0 : i32
            %dma_wait3A_111 = arith.constant 0 : i32
            %dma_wait3A_112 = tpu.memref_slice %arg13[%dma_wait3A_110, %dma_wait3A_111] : memref<10000x144xf32, #tpu.memory_space<vmem_shared>> -> memref<10000x144xf32, #tpu.memory_space<vmem_shared>>
            tpu.wait_indirect_dma semaphore(%run_scoped3A_100 : memref<!tpu.dma_semaphore, #tpu.memory_space<semaphore_mem>>) src(%arg11 : memref<80x144xf32, #tpu.memory_space<vmem>>) dst(%dma_wait3A_112 : memref<10000x144xf32, #tpu.memory_space<vmem_shared>>)
            tpu.yield
          }) : () -> ()
        } else {
        }
        %jit3A_69 = arith.constant 2 : i32
        %eq3A_70 = arith.constant 0 : i32
        %eq3A_71 = arith.cmpi eq, %jit3A_69, %eq3A_70 : i32
        %jit3A_72 = arith.constant 1 : i32
        %select_n3A_73 = arith.select %eq3A_71, %jit3A_72, %jit3A_69 : i32
        %rem3A_74 = arith.remsi %scan3A_53, %select_n3A_73 : i32
        %ne3A_75 = arith.constant 0 : i32
        %ne3A_76 = arith.cmpi ne, %rem3A_74, %ne3A_75 : i32
        %lt3A_77 = arith.constant 0 : i32
        %lt3A_78 = arith.cmpi slt, %rem3A_74, %lt3A_77 : i32
        %lt3A_79 = arith.constant 0 : i32
        %lt3A_80 = arith.cmpi slt, %select_n3A_73, %lt3A_79 : i32
        %ne3A_81 = arith.xori %lt3A_78, %lt3A_80 : i1
        %and3A_82 = arith.andi %ne3A_81, %ne3A_76 : i1
        %add3A_83 = arith.addi %rem3A_74, %select_n3A_73 : i32
        %select_n3A_84 = arith.select %and3A_82, %add3A_83, %rem3A_74 : i32
        %eq3A_85 = arith.constant 1 : i32
        %eq3A_86 = arith.cmpi eq, %select_n3A_84, %eq3A_85 : i32
        %convert_element_type3A_87 = arith.extui %eq3A_86 : i1 to i32
        %cond3A_88 = arith.constant 0 : i32
        %cond3A_89 = arith.cmpi ne, %convert_element_type3A_87, %cond3A_88 : i32
        scf.if %cond3A_89 {
          %dma_wait3A = arith.constant 0 : i32
          %dma_wait3A_90 = tpu.memref_slice %arg9[%scan3A_53, %dma_wait3A] : memref<63x80xi32, #tpu.memory_space<vmem>> -> memref<1x80xi32, #tpu.memory_space<vmem>>
          %dma_wait3A_91 = tpu.memref_squeeze %dma_wait3A_90 : memref<1x80xi32, #tpu.memory_space<vmem>> -> memref<80xi32, #tpu.memory_space<vmem>>
          %dma_wait3A_92 = arith.constant 0 : i32
          %dma_wait3A_93 = arith.constant 0 : i32
          %dma_wait3A_94 = tpu.memref_slice %arg2[%dma_wait3A_92, %dma_wait3A_93] : memref<10000x144xf32, #tpu.memory_space<hbm>> -> memref<10000x144xf32, #tpu.memory_space<hbm>>
          tpu.wait_indirect_dma semaphore(%arg14 : memref<!tpu.dma_semaphore, #tpu.memory_space<semaphore_mem>>) src(%dma_wait3A_94 : memref<10000x144xf32, #tpu.memory_space<hbm>>) dst(%arg12 : memref<80x144xf32, #tpu.memory_space<vmem>>)
          %lt3A_95 = arith.constant 62 : i32
          %lt3A_96 = arith.cmpi slt, %scan3A_53, %lt3A_95 : i32
          %convert_element_type3A_97 = arith.extui %lt3A_96 : i1 to i32
          %cond3A_98 = arith.constant 0 : i32
          %cond3A_99 = arith.cmpi ne, %convert_element_type3A_97, %cond3A_98 : i32
          scf.if %cond3A_99 {
            %add3A_100 = arith.constant 1 : i32
            %add3A_101 = arith.addi %scan3A_53, %add3A_100 : i32
            %dma_start3A_102 = arith.constant 0 : i32
            %dma_start3A_103 = tpu.memref_slice %arg9[%add3A_101, %dma_start3A_102] : memref<63x80xi32, #tpu.memory_space<vmem>> -> memref<1x80xi32, #tpu.memory_space<vmem>>
            %dma_start3A_104 = tpu.memref_squeeze %dma_start3A_103 : memref<1x80xi32, #tpu.memory_space<vmem>> -> memref<80xi32, #tpu.memory_space<vmem>>
            %dma_start3A_105 = arith.constant 0 : i32
            %dma_start3A_106 = arith.constant 0 : i32
            %dma_start3A_107 = tpu.memref_slice %arg2[%dma_start3A_105, %dma_start3A_106] : memref<10000x144xf32, #tpu.memory_space<hbm>> -> memref<10000x144xf32, #tpu.memory_space<hbm>>
            tpu.enqueue_indirect_dma source(%dma_start3A_107 : memref<10000x144xf32, #tpu.memory_space<hbm>>) target(%arg11 : memref<80x144xf32, #tpu.memory_space<vmem>>) offsets(%dma_start3A_104 : memref<80xi32, #tpu.memory_space<vmem>>) semaphore(%arg14 : memref<!tpu.dma_semaphore, #tpu.memory_space<semaphore_mem>>)
          } else {
          }
          "tpu.region"() ({
            %run_scoped3A_100 = tpu.sem_alloc : memref<!tpu.dma_semaphore, #tpu.memory_space<semaphore_mem>>
            %dma_start3A_101 = arith.constant 0 : i32
            %dma_start3A_102 = tpu.memref_slice %arg10[%scan3A_53, %dma_start3A_101] : memref<63x80xi32, #tpu.memory_space<vmem>> -> memref<1x80xi32, #tpu.memory_space<vmem>>
            %dma_start3A_103 = tpu.memref_squeeze %dma_start3A_102 : memref<1x80xi32, #tpu.memory_space<vmem>> -> memref<80xi32, #tpu.memory_space<vmem>>
            %dma_start3A_104 = arith.constant 0 : i32
            %dma_start3A_105 = arith.constant 0 : i32
            %dma_start3A_106 = tpu.memref_slice %arg13[%dma_start3A_104, %dma_start3A_105] : memref<10000x144xf32, #tpu.memory_space<vmem_shared>> -> memref<10000x144xf32, #tpu.memory_space<vmem_shared>>
            tpu.enqueue_indirect_dma source(%arg12 : memref<80x144xf32, #tpu.memory_space<vmem>>) target(%dma_start3A_106 : memref<10000x144xf32, #tpu.memory_space<vmem_shared>>) offsets(%dma_start3A_103 : memref<80xi32, #tpu.memory_space<vmem>>) semaphore(%run_scoped3A_100 : memref<!tpu.dma_semaphore, #tpu.memory_space<semaphore_mem>>) {add = true}
            %dma_wait3A_107 = arith.constant 0 : i32
            %dma_wait3A_108 = tpu.memref_slice %arg10[%scan3A_53, %dma_wait3A_107] : memref<63x80xi32, #tpu.memory_space<vmem>> -> memref<1x80xi32, #tpu.memory_space<vmem>>
            %dma_wait3A_109 = tpu.memref_squeeze %dma_wait3A_108 : memref<1x80xi32, #tpu.memory_space<vmem>> -> memref<80xi32, #tpu.memory_space<vmem>>
            %dma_wait3A_110 = arith.constant 0 : i32
            %dma_wait3A_111 = arith.constant 0 : i32
            %dma_wait3A_112 = tpu.memref_slice %arg13[%dma_wait3A_110, %dma_wait3A_111] : memref<10000x144xf32, #tpu.memory_space<vmem_shared>> -> memref<10000x144xf32, #tpu.memory_space<vmem_shared>>
            tpu.wait_indirect_dma semaphore(%run_scoped3A_100 : memref<!tpu.dma_semaphore, #tpu.memory_space<semaphore_mem>>) src(%arg12 : memref<80x144xf32, #tpu.memory_space<vmem>>) dst(%dma_wait3A_112 : memref<10000x144xf32, #tpu.memory_space<vmem_shared>>)
            tpu.yield
          }) : () -> ()
        } else {
        }
      }
      %scan3A_33 = arith.constant 63 : i32
      %mul3A_34 = arith.constant 125 : i32
      %mul3A_35 = arith.muli %arg1, %mul3A_34 : i32
      %add3A_36 = arith.constant 63 : i32
      %add3A_37 = arith.addi %mul3A_35, %add3A_36 : i32
      %run_scoped3A_38 = arith.constant 0 : i32
      "tpu.region"() ({
        %run_scoped3A_53 = tpu.sem_alloc : memref<!tpu.dma_semaphore, #tpu.memory_space<semaphore_mem>>
        %dma_start3A_54 = arith.constant 0 : i32
        %dma_start3A_55 = arith.constant 0 : i32
        %dma_start3A_56 = tpu.memref_slice %arg9[%dma_start3A_54, %dma_start3A_55] : memref<63x80xi32, #tpu.memory_space<vmem>> -> memref<62x80xi32, #tpu.memory_space<vmem>>
        %dma_start3A_57 = arith.constant 0 : i32
        %dma_start3A_58 = tpu.memref_slice %arg3[%run_scoped3A_38, %add3A_37, %dma_start3A_57] : memref<2x2000x80xi32, #tpu.memory_space<hbm>> -> memref<1x62x80xi32, #tpu.memory_space<hbm>>
        %dma_start3A_59 = tpu.memref_squeeze %dma_start3A_58 : memref<1x62x80xi32, #tpu.memory_space<hbm>> -> memref<62x80xi32, #tpu.memory_space<hbm>>
        %dma_start3A_60 = arith.constant 0 : i32
        %dma_start3A_61 = arith.constant 0 : i32
        %dma_start3A_62 = tpu.memref_slice %arg9[%dma_start3A_60, %dma_start3A_61] : memref<63x80xi32, #tpu.memory_space<vmem>> -> memref<62x80xi32, #tpu.memory_space<vmem>>
        %dma_start3A_63 = arith.constant 0 : i32
        %dma_start3A_64 = tpu.memref_slice %arg3[%run_scoped3A_38, %add3A_37, %dma_start3A_63] : memref<2x2000x80xi32, #tpu.memory_space<hbm>> -> memref<1x62x80xi32, #tpu.memory_space<hbm>>
        %dma_start3A_65 = tpu.memref_squeeze %dma_start3A_64 : memref<1x62x80xi32, #tpu.memory_space<hbm>> -> memref<62x80xi32, #tpu.memory_space<hbm>>
        tpu.enqueue_dma source(%dma_start3A_65 : memref<62x80xi32, #tpu.memory_space<hbm>>) target(%dma_start3A_62 : memref<62x80xi32, #tpu.memory_space<vmem>>) target_semaphore(%run_scoped3A_53 : memref<!tpu.dma_semaphore, #tpu.memory_space<semaphore_mem>>)
        %dma_wait3A = arith.constant 0 : i32
        %dma_wait3A_66 = arith.constant 0 : i32
        %dma_wait3A_67 = tpu.memref_slice %arg9[%dma_wait3A, %dma_wait3A_66] : memref<63x80xi32, #tpu.memory_space<vmem>> -> memref<62x80xi32, #tpu.memory_space<vmem>>
        %dma_wait3A_68 = arith.constant 0 : i32
        %dma_wait3A_69 = tpu.memref_slice %arg3[%run_scoped3A_38, %add3A_37, %dma_wait3A_68] : memref<2x2000x80xi32, #tpu.memory_space<hbm>> -> memref<1x62x80xi32, #tpu.memory_space<hbm>>
        %dma_wait3A_70 = tpu.memref_squeeze %dma_wait3A_69 : memref<1x62x80xi32, #tpu.memory_space<hbm>> -> memref<62x80xi32, #tpu.memory_space<hbm>>
        %dma_wait3A_71 = arith.constant 0 : i32
        %dma_wait3A_72 = arith.constant 0 : i32
        %dma_wait3A_73 = tpu.memref_slice %arg9[%dma_wait3A_71, %dma_wait3A_72] : memref<63x80xi32, #tpu.memory_space<vmem>> -> memref<62x80xi32, #tpu.memory_space<vmem>>
        %dma_wait3A_74 = arith.constant 0 : i32
        %dma_wait3A_75 = tpu.memref_slice %arg3[%run_scoped3A_38, %add3A_37, %dma_wait3A_74] : memref<2x2000x80xi32, #tpu.memory_space<hbm>> -> memref<1x62x80xi32, #tpu.memory_space<hbm>>
        %dma_wait3A_76 = tpu.memref_squeeze %dma_wait3A_75 : memref<1x62x80xi32, #tpu.memory_space<hbm>> -> memref<62x80xi32, #tpu.memory_space<hbm>>
        tpu.wait_dma2 semaphore(%run_scoped3A_53 : memref<!tpu.dma_semaphore, #tpu.memory_space<semaphore_mem>>) src(%dma_wait3A_76 : memref<62x80xi32, #tpu.memory_space<hbm>>) dst(%dma_wait3A_73 : memref<62x80xi32, #tpu.memory_space<vmem>>)
        tpu.yield
      }) : () -> ()
      %run_scoped3A_39 = arith.constant 1 : i32
      "tpu.region"() ({
        %run_scoped3A_53 = tpu.sem_alloc : memref<!tpu.dma_semaphore, #tpu.memory_space<semaphore_mem>>
        %dma_start3A_54 = arith.constant 0 : i32
        %dma_start3A_55 = arith.constant 0 : i32
        %dma_start3A_56 = tpu.memref_slice %arg10[%dma_start3A_54, %dma_start3A_55] : memref<63x80xi32, #tpu.memory_space<vmem>> -> memref<62x80xi32, #tpu.memory_space<vmem>>
        %dma_start3A_57 = arith.constant 0 : i32
        %dma_start3A_58 = tpu.memref_slice %arg3[%run_scoped3A_39, %add3A_37, %dma_start3A_57] : memref<2x2000x80xi32, #tpu.memory_space<hbm>> -> memref<1x62x80xi32, #tpu.memory_space<hbm>>
        %dma_start3A_59 = tpu.memref_squeeze %dma_start3A_58 : memref<1x62x80xi32, #tpu.memory_space<hbm>> -> memref<62x80xi32, #tpu.memory_space<hbm>>
        %dma_start3A_60 = arith.constant 0 : i32
        %dma_start3A_61 = arith.constant 0 : i32
        %dma_start3A_62 = tpu.memref_slice %arg10[%dma_start3A_60, %dma_start3A_61] : memref<63x80xi32, #tpu.memory_space<vmem>> -> memref<62x80xi32, #tpu.memory_space<vmem>>
        %dma_start3A_63 = arith.constant 0 : i32
        %dma_start3A_64 = tpu.memref_slice %arg3[%run_scoped3A_39, %add3A_37, %dma_start3A_63] : memref<2x2000x80xi32, #tpu.memory_space<hbm>> -> memref<1x62x80xi32, #tpu.memory_space<hbm>>
        %dma_start3A_65 = tpu.memref_squeeze %dma_start3A_64 : memref<1x62x80xi32, #tpu.memory_space<hbm>> -> memref<62x80xi32, #tpu.memory_space<hbm>>
        tpu.enqueue_dma source(%dma_start3A_65 : memref<62x80xi32, #tpu.memory_space<hbm>>) target(%dma_start3A_62 : memref<62x80xi32, #tpu.memory_space<vmem>>) target_semaphore(%run_scoped3A_53 : memref<!tpu.dma_semaphore, #tpu.memory_space<semaphore_mem>>)
        %dma_wait3A = arith.constant 0 : i32
        %dma_wait3A_66 = arith.constant 0 : i32
        %dma_wait3A_67 = tpu.memref_slice %arg10[%dma_wait3A, %dma_wait3A_66] : memref<63x80xi32, #tpu.memory_space<vmem>> -> memref<62x80xi32, #tpu.memory_space<vmem>>
        %dma_wait3A_68 = arith.constant 0 : i32
        %dma_wait3A_69 = tpu.memref_slice %arg3[%run_scoped3A_39, %add3A_37, %dma_wait3A_68] : memref<2x2000x80xi32, #tpu.memory_space<hbm>> -> memref<1x62x80xi32, #tpu.memory_space<hbm>>
        %dma_wait3A_70 = tpu.memref_squeeze %dma_wait3A_69 : memref<1x62x80xi32, #tpu.memory_space<hbm>> -> memref<62x80xi32, #tpu.memory_space<hbm>>
        %dma_wait3A_71 = arith.constant 0 : i32
        %dma_wait3A_72 = arith.constant 0 : i32
        %dma_wait3A_73 = tpu.memref_slice %arg10[%dma_wait3A_71, %dma_wait3A_72] : memref<63x80xi32, #tpu.memory_space<vmem>> -> memref<62x80xi32, #tpu.memory_space<vmem>>
        %dma_wait3A_74 = arith.constant 0 : i32
        %dma_wait3A_75 = tpu.memref_slice %arg3[%run_scoped3A_39, %add3A_37, %dma_wait3A_74] : memref<2x2000x80xi32, #tpu.memory_space<hbm>> -> memref<1x62x80xi32, #tpu.memory_space<hbm>>
        %dma_wait3A_76 = tpu.memref_squeeze %dma_wait3A_75 : memref<1x62x80xi32, #tpu.memory_space<hbm>> -> memref<62x80xi32, #tpu.memory_space<hbm>>
        tpu.wait_dma2 semaphore(%run_scoped3A_53 : memref<!tpu.dma_semaphore, #tpu.memory_space<semaphore_mem>>) src(%dma_wait3A_76 : memref<62x80xi32, #tpu.memory_space<hbm>>) dst(%dma_wait3A_73 : memref<62x80xi32, #tpu.memory_space<vmem>>)
        tpu.yield
      }) : () -> ()
      %dma_start3A_40 = arith.constant 0 : i32
      %dma_start3A_41 = arith.constant 0 : i32
      %dma_start3A_42 = tpu.memref_slice %arg9[%dma_start3A_40, %dma_start3A_41] : memref<63x80xi32, #tpu.memory_space<vmem>> -> memref<1x80xi32, #tpu.memory_space<vmem>>
      %dma_start3A_43 = tpu.memref_squeeze %dma_start3A_42 : memref<1x80xi32, #tpu.memory_space<vmem>> -> memref<80xi32, #tpu.memory_space<vmem>>
      %dma_start3A_44 = arith.constant 0 : i32
      %dma_start3A_45 = arith.constant 0 : i32
      %dma_start3A_46 = tpu.memref_slice %arg2[%dma_start3A_44, %dma_start3A_45] : memref<10000x144xf32, #tpu.memory_space<hbm>> -> memref<10000x144xf32, #tpu.memory_space<hbm>>
      tpu.enqueue_indirect_dma source(%dma_start3A_46 : memref<10000x144xf32, #tpu.memory_space<hbm>>) target(%arg11 : memref<80x144xf32, #tpu.memory_space<vmem>>) offsets(%dma_start3A_43 : memref<80xi32, #tpu.memory_space<vmem>>) semaphore(%arg14 : memref<!tpu.dma_semaphore, #tpu.memory_space<semaphore_mem>>)
      %scan3A_47 = arith.constant 0 : i32
      %scan3A_48 = arith.constant 0 : i32
      %scan3A_49 = arith.constant 62 : i32
      %scan3A_50 = arith.addi %scan3A_48, %scan3A_49 : i32
      %scan3A_51 = arith.constant 1 : i32
      scf.for %scan3A_53 = %scan3A_48 to %scan3A_50 step %scan3A_51  : i32 {
        %jit3A = arith.constant 2 : i32
        %eq3A_54 = arith.constant 0 : i32
        %eq3A_55 = arith.cmpi eq, %jit3A, %eq3A_54 : i32
        %jit3A_56 = arith.constant 1 : i32
        %select_n3A = arith.select %eq3A_55, %jit3A_56, %jit3A : i32
        %rem3A = arith.remsi %scan3A_53, %select_n3A : i32
        %ne3A = arith.constant 0 : i32
        %ne3A_57 = arith.cmpi ne, %rem3A, %ne3A : i32
        %lt3A = arith.constant 0 : i32
        %lt3A_58 = arith.cmpi slt, %rem3A, %lt3A : i32
        %lt3A_59 = arith.constant 0 : i32
        %lt3A_60 = arith.cmpi slt, %select_n3A, %lt3A_59 : i32
        %ne3A_61 = arith.xori %lt3A_58, %lt3A_60 : i1
        %and3A = arith.andi %ne3A_61, %ne3A_57 : i1
        %add3A_62 = arith.addi %rem3A, %select_n3A : i32
        %select_n3A_63 = arith.select %and3A, %add3A_62, %rem3A : i32
        %eq3A_64 = arith.constant 0 : i32
        %eq3A_65 = arith.cmpi eq, %select_n3A_63, %eq3A_64 : i32
        %convert_element_type3A_66 = arith.extui %eq3A_65 : i1 to i32
        %cond3A_67 = arith.constant 0 : i32
        %cond3A_68 = arith.cmpi ne, %convert_element_type3A_66, %cond3A_67 : i32
        scf.if %cond3A_68 {
          %dma_wait3A = arith.constant 0 : i32
          %dma_wait3A_90 = tpu.memref_slice %arg9[%scan3A_53, %dma_wait3A] : memref<63x80xi32, #tpu.memory_space<vmem>> -> memref<1x80xi32, #tpu.memory_space<vmem>>
          %dma_wait3A_91 = tpu.memref_squeeze %dma_wait3A_90 : memref<1x80xi32, #tpu.memory_space<vmem>> -> memref<80xi32, #tpu.memory_space<vmem>>
          %dma_wait3A_92 = arith.constant 0 : i32
          %dma_wait3A_93 = arith.constant 0 : i32
          %dma_wait3A_94 = tpu.memref_slice %arg2[%dma_wait3A_92, %dma_wait3A_93] : memref<10000x144xf32, #tpu.memory_space<hbm>> -> memref<10000x144xf32, #tpu.memory_space<hbm>>
          tpu.wait_indirect_dma semaphore(%arg14 : memref<!tpu.dma_semaphore, #tpu.memory_space<semaphore_mem>>) src(%dma_wait3A_94 : memref<10000x144xf32, #tpu.memory_space<hbm>>) dst(%arg11 : memref<80x144xf32, #tpu.memory_space<vmem>>)
          %lt3A_95 = arith.constant 61 : i32
          %lt3A_96 = arith.cmpi slt, %scan3A_53, %lt3A_95 : i32
          %convert_element_type3A_97 = arith.extui %lt3A_96 : i1 to i32
          %cond3A_98 = arith.constant 0 : i32
          %cond3A_99 = arith.cmpi ne, %convert_element_type3A_97, %cond3A_98 : i32
          scf.if %cond3A_99 {
            %add3A_100 = arith.constant 1 : i32
            %add3A_101 = arith.addi %scan3A_53, %add3A_100 : i32
            %dma_start3A_102 = arith.constant 0 : i32
            %dma_start3A_103 = tpu.memref_slice %arg9[%add3A_101, %dma_start3A_102] : memref<63x80xi32, #tpu.memory_space<vmem>> -> memref<1x80xi32, #tpu.memory_space<vmem>>
            %dma_start3A_104 = tpu.memref_squeeze %dma_start3A_103 : memref<1x80xi32, #tpu.memory_space<vmem>> -> memref<80xi32, #tpu.memory_space<vmem>>
            %dma_start3A_105 = arith.constant 0 : i32
            %dma_start3A_106 = arith.constant 0 : i32
            %dma_start3A_107 = tpu.memref_slice %arg2[%dma_start3A_105, %dma_start3A_106] : memref<10000x144xf32, #tpu.memory_space<hbm>> -> memref<10000x144xf32, #tpu.memory_space<hbm>>
            tpu.enqueue_indirect_dma source(%dma_start3A_107 : memref<10000x144xf32, #tpu.memory_space<hbm>>) target(%arg12 : memref<80x144xf32, #tpu.memory_space<vmem>>) offsets(%dma_start3A_104 : memref<80xi32, #tpu.memory_space<vmem>>) semaphore(%arg14 : memref<!tpu.dma_semaphore, #tpu.memory_space<semaphore_mem>>)
          } else {
          }
          "tpu.region"() ({
            %run_scoped3A_100 = tpu.sem_alloc : memref<!tpu.dma_semaphore, #tpu.memory_space<semaphore_mem>>
            %dma_start3A_101 = arith.constant 0 : i32
            %dma_start3A_102 = tpu.memref_slice %arg10[%scan3A_53, %dma_start3A_101] : memref<63x80xi32, #tpu.memory_space<vmem>> -> memref<1x80xi32, #tpu.memory_space<vmem>>
            %dma_start3A_103 = tpu.memref_squeeze %dma_start3A_102 : memref<1x80xi32, #tpu.memory_space<vmem>> -> memref<80xi32, #tpu.memory_space<vmem>>
            %dma_start3A_104 = arith.constant 0 : i32
            %dma_start3A_105 = arith.constant 0 : i32
            %dma_start3A_106 = tpu.memref_slice %arg13[%dma_start3A_104, %dma_start3A_105] : memref<10000x144xf32, #tpu.memory_space<vmem_shared>> -> memref<10000x144xf32, #tpu.memory_space<vmem_shared>>
            tpu.enqueue_indirect_dma source(%arg11 : memref<80x144xf32, #tpu.memory_space<vmem>>) target(%dma_start3A_106 : memref<10000x144xf32, #tpu.memory_space<vmem_shared>>) offsets(%dma_start3A_103 : memref<80xi32, #tpu.memory_space<vmem>>) semaphore(%run_scoped3A_100 : memref<!tpu.dma_semaphore, #tpu.memory_space<semaphore_mem>>) {add = true}
            %dma_wait3A_107 = arith.constant 0 : i32
            %dma_wait3A_108 = tpu.memref_slice %arg10[%scan3A_53, %dma_wait3A_107] : memref<63x80xi32, #tpu.memory_space<vmem>> -> memref<1x80xi32, #tpu.memory_space<vmem>>
            %dma_wait3A_109 = tpu.memref_squeeze %dma_wait3A_108 : memref<1x80xi32, #tpu.memory_space<vmem>> -> memref<80xi32, #tpu.memory_space<vmem>>
            %dma_wait3A_110 = arith.constant 0 : i32
            %dma_wait3A_111 = arith.constant 0 : i32
            %dma_wait3A_112 = tpu.memref_slice %arg13[%dma_wait3A_110, %dma_wait3A_111] : memref<10000x144xf32, #tpu.memory_space<vmem_shared>> -> memref<10000x144xf32, #tpu.memory_space<vmem_shared>>
            tpu.wait_indirect_dma semaphore(%run_scoped3A_100 : memref<!tpu.dma_semaphore, #tpu.memory_space<semaphore_mem>>) src(%arg11 : memref<80x144xf32, #tpu.memory_space<vmem>>) dst(%dma_wait3A_112 : memref<10000x144xf32, #tpu.memory_space<vmem_shared>>)
            tpu.yield
          }) : () -> ()
        } else {
        }
        %jit3A_69 = arith.constant 2 : i32
        %eq3A_70 = arith.constant 0 : i32
        %eq3A_71 = arith.cmpi eq, %jit3A_69, %eq3A_70 : i32
        %jit3A_72 = arith.constant 1 : i32
        %select_n3A_73 = arith.select %eq3A_71, %jit3A_72, %jit3A_69 : i32
        %rem3A_74 = arith.remsi %scan3A_53, %select_n3A_73 : i32
        %ne3A_75 = arith.constant 0 : i32
        %ne3A_76 = arith.cmpi ne, %rem3A_74, %ne3A_75 : i32
        %lt3A_77 = arith.constant 0 : i32
        %lt3A_78 = arith.cmpi slt, %rem3A_74, %lt3A_77 : i32
        %lt3A_79 = arith.constant 0 : i32
        %lt3A_80 = arith.cmpi slt, %select_n3A_73, %lt3A_79 : i32
        %ne3A_81 = arith.xori %lt3A_78, %lt3A_80 : i1
        %and3A_82 = arith.andi %ne3A_81, %ne3A_76 : i1
        %add3A_83 = arith.addi %rem3A_74, %select_n3A_73 : i32
        %select_n3A_84 = arith.select %and3A_82, %add3A_83, %rem3A_74 : i32
        %eq3A_85 = arith.constant 1 : i32
        %eq3A_86 = arith.cmpi eq, %select_n3A_84, %eq3A_85 : i32
        %convert_element_type3A_87 = arith.extui %eq3A_86 : i1 to i32
        %cond3A_88 = arith.constant 0 : i32
        %cond3A_89 = arith.cmpi ne, %convert_element_type3A_87, %cond3A_88 : i32
        scf.if %cond3A_89 {
          %dma_wait3A = arith.constant 0 : i32
          %dma_wait3A_90 = tpu.memref_slice %arg9[%scan3A_53, %dma_wait3A] : memref<63x80xi32, #tpu.memory_space<vmem>> -> memref<1x80xi32, #tpu.memory_space<vmem>>
          %dma_wait3A_91 = tpu.memref_squeeze %dma_wait3A_90 : memref<1x80xi32, #tpu.memory_space<vmem>> -> memref<80xi32, #tpu.memory_space<vmem>>
          %dma_wait3A_92 = arith.constant 0 : i32
          %dma_wait3A_93 = arith.constant 0 : i32
          %dma_wait3A_94 = tpu.memref_slice %arg2[%dma_wait3A_92, %dma_wait3A_93] : memref<10000x144xf32, #tpu.memory_space<hbm>> -> memref<10000x144xf32, #tpu.memory_space<hbm>>
          tpu.wait_indirect_dma semaphore(%arg14 : memref<!tpu.dma_semaphore, #tpu.memory_space<semaphore_mem>>) src(%dma_wait3A_94 : memref<10000x144xf32, #tpu.memory_space<hbm>>) dst(%arg12 : memref<80x144xf32, #tpu.memory_space<vmem>>)
          %lt3A_95 = arith.constant 61 : i32
          %lt3A_96 = arith.cmpi slt, %scan3A_53, %lt3A_95 : i32
          %convert_element_type3A_97 = arith.extui %lt3A_96 : i1 to i32
          %cond3A_98 = arith.constant 0 : i32
          %cond3A_99 = arith.cmpi ne, %convert_element_type3A_97, %cond3A_98 : i32
          scf.if %cond3A_99 {
            %add3A_100 = arith.constant 1 : i32
            %add3A_101 = arith.addi %scan3A_53, %add3A_100 : i32
            %dma_start3A_102 = arith.constant 0 : i32
            %dma_start3A_103 = tpu.memref_slice %arg9[%add3A_101, %dma_start3A_102] : memref<63x80xi32, #tpu.memory_space<vmem>> -> memref<1x80xi32, #tpu.memory_space<vmem>>
            %dma_start3A_104 = tpu.memref_squeeze %dma_start3A_103 : memref<1x80xi32, #tpu.memory_space<vmem>> -> memref<80xi32, #tpu.memory_space<vmem>>
            %dma_start3A_105 = arith.constant 0 : i32
            %dma_start3A_106 = arith.constant 0 : i32
            %dma_start3A_107 = tpu.memref_slice %arg2[%dma_start3A_105, %dma_start3A_106] : memref<10000x144xf32, #tpu.memory_space<hbm>> -> memref<10000x144xf32, #tpu.memory_space<hbm>>
            tpu.enqueue_indirect_dma source(%dma_start3A_107 : memref<10000x144xf32, #tpu.memory_space<hbm>>) target(%arg11 : memref<80x144xf32, #tpu.memory_space<vmem>>) offsets(%dma_start3A_104 : memref<80xi32, #tpu.memory_space<vmem>>) semaphore(%arg14 : memref<!tpu.dma_semaphore, #tpu.memory_space<semaphore_mem>>)
          } else {
          }
          "tpu.region"() ({
            %run_scoped3A_100 = tpu.sem_alloc : memref<!tpu.dma_semaphore, #tpu.memory_space<semaphore_mem>>
            %dma_start3A_101 = arith.constant 0 : i32
            %dma_start3A_102 = tpu.memref_slice %arg10[%scan3A_53, %dma_start3A_101] : memref<63x80xi32, #tpu.memory_space<vmem>> -> memref<1x80xi32, #tpu.memory_space<vmem>>
            %dma_start3A_103 = tpu.memref_squeeze %dma_start3A_102 : memref<1x80xi32, #tpu.memory_space<vmem>> -> memref<80xi32, #tpu.memory_space<vmem>>
            %dma_start3A_104 = arith.constant 0 : i32
            %dma_start3A_105 = arith.constant 0 : i32
            %dma_start3A_106 = tpu.memref_slice %arg13[%dma_start3A_104, %dma_start3A_105] : memref<10000x144xf32, #tpu.memory_space<vmem_shared>> -> memref<10000x144xf32, #tpu.memory_space<vmem_shared>>
            tpu.enqueue_indirect_dma source(%arg12 : memref<80x144xf32, #tpu.memory_space<vmem>>) target(%dma_start3A_106 : memref<10000x144xf32, #tpu.memory_space<vmem_shared>>) offsets(%dma_start3A_103 : memref<80xi32, #tpu.memory_space<vmem>>) semaphore(%run_scoped3A_100 : memref<!tpu.dma_semaphore, #tpu.memory_space<semaphore_mem>>) {add = true}
            %dma_wait3A_107 = arith.constant 0 : i32
            %dma_wait3A_108 = tpu.memref_slice %arg10[%scan3A_53, %dma_wait3A_107] : memref<63x80xi32, #tpu.memory_space<vmem>> -> memref<1x80xi32, #tpu.memory_space<vmem>>
            %dma_wait3A_109 = tpu.memref_squeeze %dma_wait3A_108 : memref<1x80xi32, #tpu.memory_space<vmem>> -> memref<80xi32, #tpu.memory_space<vmem>>
            %dma_wait3A_110 = arith.constant 0 : i32
            %dma_wait3A_111 = arith.constant 0 : i32
            %dma_wait3A_112 = tpu.memref_slice %arg13[%dma_wait3A_110, %dma_wait3A_111] : memref<10000x144xf32, #tpu.memory_space<vmem_shared>> -> memref<10000x144xf32, #tpu.memory_space<vmem_shared>>
            tpu.wait_indirect_dma semaphore(%run_scoped3A_100 : memref<!tpu.dma_semaphore, #tpu.memory_space<semaphore_mem>>) src(%arg12 : memref<80x144xf32, #tpu.memory_space<vmem>>) dst(%dma_wait3A_112 : memref<10000x144xf32, #tpu.memory_space<vmem_shared>>)
            tpu.yield
          }) : () -> ()
        } else {
        }
      }
      %scan3A_52 = arith.constant 62 : i32
    } else {
    }
    %eq3A_3 = arith.constant 1 : i32
    %eq3A_4 = arith.cmpi eq, %arg0, %eq3A_3 : i32
    %convert_element_type3A_5 = arith.extui %eq3A_4 : i1 to i32
    %cond3A_6 = arith.constant 0 : i32
    %cond3A_7 = arith.cmpi ne, %convert_element_type3A_5, %cond3A_6 : i32
    scf.if %cond3A_7 {
      %mul3A_19 = arith.constant 125 : i32
      %mul3A_20 = arith.muli %arg1, %mul3A_19 : i32
      %add3A = arith.constant 0 : i32
      %add3A_21 = arith.addi %mul3A_20, %add3A : i32
      %run_scoped3A = arith.constant 0 : i32
      "tpu.region"() ({
        %run_scoped3A_53 = tpu.sem_alloc : memref<!tpu.dma_semaphore, #tpu.memory_space<semaphore_mem>>
        %dma_start3A_54 = arith.constant 0 : i32
        %dma_start3A_55 = arith.constant 0 : i32
        %dma_start3A_56 = tpu.memref_slice %arg9[%dma_start3A_54, %dma_start3A_55] : memref<63x80xi32, #tpu.memory_space<vmem>> -> memref<63x80xi32, #tpu.memory_space<vmem>>
        %dma_start3A_57 = arith.constant 0 : i32
        %dma_start3A_58 = tpu.memref_slice %arg5[%run_scoped3A, %add3A_21, %dma_start3A_57] : memref<2x2000x80xi32, #tpu.memory_space<hbm>> -> memref<1x63x80xi32, #tpu.memory_space<hbm>>
        %dma_start3A_59 = tpu.memref_squeeze %dma_start3A_58 : memref<1x63x80xi32, #tpu.memory_space<hbm>> -> memref<63x80xi32, #tpu.memory_space<hbm>>
        %dma_start3A_60 = arith.constant 0 : i32
        %dma_start3A_61 = arith.constant 0 : i32
        %dma_start3A_62 = tpu.memref_slice %arg9[%dma_start3A_60, %dma_start3A_61] : memref<63x80xi32, #tpu.memory_space<vmem>> -> memref<63x80xi32, #tpu.memory_space<vmem>>
        %dma_start3A_63 = arith.constant 0 : i32
        %dma_start3A_64 = tpu.memref_slice %arg5[%run_scoped3A, %add3A_21, %dma_start3A_63] : memref<2x2000x80xi32, #tpu.memory_space<hbm>> -> memref<1x63x80xi32, #tpu.memory_space<hbm>>
        %dma_start3A_65 = tpu.memref_squeeze %dma_start3A_64 : memref<1x63x80xi32, #tpu.memory_space<hbm>> -> memref<63x80xi32, #tpu.memory_space<hbm>>
        tpu.enqueue_dma source(%dma_start3A_65 : memref<63x80xi32, #tpu.memory_space<hbm>>) target(%dma_start3A_62 : memref<63x80xi32, #tpu.memory_space<vmem>>) target_semaphore(%run_scoped3A_53 : memref<!tpu.dma_semaphore, #tpu.memory_space<semaphore_mem>>)
        %dma_wait3A = arith.constant 0 : i32
        %dma_wait3A_66 = arith.constant 0 : i32
        %dma_wait3A_67 = tpu.memref_slice %arg9[%dma_wait3A, %dma_wait3A_66] : memref<63x80xi32, #tpu.memory_space<vmem>> -> memref<63x80xi32, #tpu.memory_space<vmem>>
        %dma_wait3A_68 = arith.constant 0 : i32
        %dma_wait3A_69 = tpu.memref_slice %arg5[%run_scoped3A, %add3A_21, %dma_wait3A_68] : memref<2x2000x80xi32, #tpu.memory_space<hbm>> -> memref<1x63x80xi32, #tpu.memory_space<hbm>>
        %dma_wait3A_70 = tpu.memref_squeeze %dma_wait3A_69 : memref<1x63x80xi32, #tpu.memory_space<hbm>> -> memref<63x80xi32, #tpu.memory_space<hbm>>
        %dma_wait3A_71 = arith.constant 0 : i32
        %dma_wait3A_72 = arith.constant 0 : i32
        %dma_wait3A_73 = tpu.memref_slice %arg9[%dma_wait3A_71, %dma_wait3A_72] : memref<63x80xi32, #tpu.memory_space<vmem>> -> memref<63x80xi32, #tpu.memory_space<vmem>>
        %dma_wait3A_74 = arith.constant 0 : i32
        %dma_wait3A_75 = tpu.memref_slice %arg5[%run_scoped3A, %add3A_21, %dma_wait3A_74] : memref<2x2000x80xi32, #tpu.memory_space<hbm>> -> memref<1x63x80xi32, #tpu.memory_space<hbm>>
        %dma_wait3A_76 = tpu.memref_squeeze %dma_wait3A_75 : memref<1x63x80xi32, #tpu.memory_space<hbm>> -> memref<63x80xi32, #tpu.memory_space<hbm>>
        tpu.wait_dma2 semaphore(%run_scoped3A_53 : memref<!tpu.dma_semaphore, #tpu.memory_space<semaphore_mem>>) src(%dma_wait3A_76 : memref<63x80xi32, #tpu.memory_space<hbm>>) dst(%dma_wait3A_73 : memref<63x80xi32, #tpu.memory_space<vmem>>)
        tpu.yield
      }) : () -> ()
      %run_scoped3A_22 = arith.constant 1 : i32
      "tpu.region"() ({
        %run_scoped3A_53 = tpu.sem_alloc : memref<!tpu.dma_semaphore, #tpu.memory_space<semaphore_mem>>
        %dma_start3A_54 = arith.constant 0 : i32
        %dma_start3A_55 = arith.constant 0 : i32
        %dma_start3A_56 = tpu.memref_slice %arg10[%dma_start3A_54, %dma_start3A_55] : memref<63x80xi32, #tpu.memory_space<vmem>> -> memref<63x80xi32, #tpu.memory_space<vmem>>
        %dma_start3A_57 = arith.constant 0 : i32
        %dma_start3A_58 = tpu.memref_slice %arg5[%run_scoped3A_22, %add3A_21, %dma_start3A_57] : memref<2x2000x80xi32, #tpu.memory_space<hbm>> -> memref<1x63x80xi32, #tpu.memory_space<hbm>>
        %dma_start3A_59 = tpu.memref_squeeze %dma_start3A_58 : memref<1x63x80xi32, #tpu.memory_space<hbm>> -> memref<63x80xi32, #tpu.memory_space<hbm>>
        %dma_start3A_60 = arith.constant 0 : i32
        %dma_start3A_61 = arith.constant 0 : i32
        %dma_start3A_62 = tpu.memref_slice %arg10[%dma_start3A_60, %dma_start3A_61] : memref<63x80xi32, #tpu.memory_space<vmem>> -> memref<63x80xi32, #tpu.memory_space<vmem>>
        %dma_start3A_63 = arith.constant 0 : i32
        %dma_start3A_64 = tpu.memref_slice %arg5[%run_scoped3A_22, %add3A_21, %dma_start3A_63] : memref<2x2000x80xi32, #tpu.memory_space<hbm>> -> memref<1x63x80xi32, #tpu.memory_space<hbm>>
        %dma_start3A_65 = tpu.memref_squeeze %dma_start3A_64 : memref<1x63x80xi32, #tpu.memory_space<hbm>> -> memref<63x80xi32, #tpu.memory_space<hbm>>
        tpu.enqueue_dma source(%dma_start3A_65 : memref<63x80xi32, #tpu.memory_space<hbm>>) target(%dma_start3A_62 : memref<63x80xi32, #tpu.memory_space<vmem>>) target_semaphore(%run_scoped3A_53 : memref<!tpu.dma_semaphore, #tpu.memory_space<semaphore_mem>>)
        %dma_wait3A = arith.constant 0 : i32
        %dma_wait3A_66 = arith.constant 0 : i32
        %dma_wait3A_67 = tpu.memref_slice %arg10[%dma_wait3A, %dma_wait3A_66] : memref<63x80xi32, #tpu.memory_space<vmem>> -> memref<63x80xi32, #tpu.memory_space<vmem>>
        %dma_wait3A_68 = arith.constant 0 : i32
        %dma_wait3A_69 = tpu.memref_slice %arg5[%run_scoped3A_22, %add3A_21, %dma_wait3A_68] : memref<2x2000x80xi32, #tpu.memory_space<hbm>> -> memref<1x63x80xi32, #tpu.memory_space<hbm>>
        %dma_wait3A_70 = tpu.memref_squeeze %dma_wait3A_69 : memref<1x63x80xi32, #tpu.memory_space<hbm>> -> memref<63x80xi32, #tpu.memory_space<hbm>>
        %dma_wait3A_71 = arith.constant 0 : i32
        %dma_wait3A_72 = arith.constant 0 : i32
        %dma_wait3A_73 = tpu.memref_slice %arg10[%dma_wait3A_71, %dma_wait3A_72] : memref<63x80xi32, #tpu.memory_space<vmem>> -> memref<63x80xi32, #tpu.memory_space<vmem>>
        %dma_wait3A_74 = arith.constant 0 : i32
        %dma_wait3A_75 = tpu.memref_slice %arg5[%run_scoped3A_22, %add3A_21, %dma_wait3A_74] : memref<2x2000x80xi32, #tpu.memory_space<hbm>> -> memref<1x63x80xi32, #tpu.memory_space<hbm>>
        %dma_wait3A_76 = tpu.memref_squeeze %dma_wait3A_75 : memref<1x63x80xi32, #tpu.memory_space<hbm>> -> memref<63x80xi32, #tpu.memory_space<hbm>>
        tpu.wait_dma2 semaphore(%run_scoped3A_53 : memref<!tpu.dma_semaphore, #tpu.memory_space<semaphore_mem>>) src(%dma_wait3A_76 : memref<63x80xi32, #tpu.memory_space<hbm>>) dst(%dma_wait3A_73 : memref<63x80xi32, #tpu.memory_space<vmem>>)
        tpu.yield
      }) : () -> ()
      %dma_start3A = arith.constant 0 : i32
      %dma_start3A_23 = arith.constant 0 : i32
      %dma_start3A_24 = tpu.memref_slice %arg9[%dma_start3A, %dma_start3A_23] : memref<63x80xi32, #tpu.memory_space<vmem>> -> memref<1x80xi32, #tpu.memory_space<vmem>>
      %dma_start3A_25 = tpu.memref_squeeze %dma_start3A_24 : memref<1x80xi32, #tpu.memory_space<vmem>> -> memref<80xi32, #tpu.memory_space<vmem>>
      %dma_start3A_26 = arith.constant 0 : i32
      %dma_start3A_27 = arith.constant 0 : i32
      %dma_start3A_28 = tpu.memref_slice %arg4[%dma_start3A_26, %dma_start3A_27] : memref<10000x144xf32, #tpu.memory_space<hbm>> -> memref<10000x144xf32, #tpu.memory_space<hbm>>
      tpu.enqueue_indirect_dma source(%dma_start3A_28 : memref<10000x144xf32, #tpu.memory_space<hbm>>) target(%arg11 : memref<80x144xf32, #tpu.memory_space<vmem>>) offsets(%dma_start3A_25 : memref<80xi32, #tpu.memory_space<vmem>>) semaphore(%arg14 : memref<!tpu.dma_semaphore, #tpu.memory_space<semaphore_mem>>)
      %scan3A = arith.constant 0 : i32
      %scan3A_29 = arith.constant 0 : i32
      %scan3A_30 = arith.constant 63 : i32
      %scan3A_31 = arith.addi %scan3A_29, %scan3A_30 : i32
      %scan3A_32 = arith.constant 1 : i32
      scf.for %scan3A_53 = %scan3A_29 to %scan3A_31 step %scan3A_32  : i32 {
        %jit3A = arith.constant 2 : i32
        %eq3A_54 = arith.constant 0 : i32
        %eq3A_55 = arith.cmpi eq, %jit3A, %eq3A_54 : i32
        %jit3A_56 = arith.constant 1 : i32
        %select_n3A = arith.select %eq3A_55, %jit3A_56, %jit3A : i32
        %rem3A = arith.remsi %scan3A_53, %select_n3A : i32
        %ne3A = arith.constant 0 : i32
        %ne3A_57 = arith.cmpi ne, %rem3A, %ne3A : i32
        %lt3A = arith.constant 0 : i32
        %lt3A_58 = arith.cmpi slt, %rem3A, %lt3A : i32
        %lt3A_59 = arith.constant 0 : i32
        %lt3A_60 = arith.cmpi slt, %select_n3A, %lt3A_59 : i32
        %ne3A_61 = arith.xori %lt3A_58, %lt3A_60 : i1
        %and3A = arith.andi %ne3A_61, %ne3A_57 : i1
        %add3A_62 = arith.addi %rem3A, %select_n3A : i32
        %select_n3A_63 = arith.select %and3A, %add3A_62, %rem3A : i32
        %eq3A_64 = arith.constant 0 : i32
        %eq3A_65 = arith.cmpi eq, %select_n3A_63, %eq3A_64 : i32
        %convert_element_type3A_66 = arith.extui %eq3A_65 : i1 to i32
        %cond3A_67 = arith.constant 0 : i32
        %cond3A_68 = arith.cmpi ne, %convert_element_type3A_66, %cond3A_67 : i32
        scf.if %cond3A_68 {
          %dma_wait3A = arith.constant 0 : i32
          %dma_wait3A_90 = tpu.memref_slice %arg9[%scan3A_53, %dma_wait3A] : memref<63x80xi32, #tpu.memory_space<vmem>> -> memref<1x80xi32, #tpu.memory_space<vmem>>
          %dma_wait3A_91 = tpu.memref_squeeze %dma_wait3A_90 : memref<1x80xi32, #tpu.memory_space<vmem>> -> memref<80xi32, #tpu.memory_space<vmem>>
          %dma_wait3A_92 = arith.constant 0 : i32
          %dma_wait3A_93 = arith.constant 0 : i32
          %dma_wait3A_94 = tpu.memref_slice %arg4[%dma_wait3A_92, %dma_wait3A_93] : memref<10000x144xf32, #tpu.memory_space<hbm>> -> memref<10000x144xf32, #tpu.memory_space<hbm>>
          tpu.wait_indirect_dma semaphore(%arg14 : memref<!tpu.dma_semaphore, #tpu.memory_space<semaphore_mem>>) src(%dma_wait3A_94 : memref<10000x144xf32, #tpu.memory_space<hbm>>) dst(%arg11 : memref<80x144xf32, #tpu.memory_space<vmem>>)
          %lt3A_95 = arith.constant 62 : i32
          %lt3A_96 = arith.cmpi slt, %scan3A_53, %lt3A_95 : i32
          %convert_element_type3A_97 = arith.extui %lt3A_96 : i1 to i32
          %cond3A_98 = arith.constant 0 : i32
          %cond3A_99 = arith.cmpi ne, %convert_element_type3A_97, %cond3A_98 : i32
          scf.if %cond3A_99 {
            %add3A_100 = arith.constant 1 : i32
            %add3A_101 = arith.addi %scan3A_53, %add3A_100 : i32
            %dma_start3A_102 = arith.constant 0 : i32
            %dma_start3A_103 = tpu.memref_slice %arg9[%add3A_101, %dma_start3A_102] : memref<63x80xi32, #tpu.memory_space<vmem>> -> memref<1x80xi32, #tpu.memory_space<vmem>>
            %dma_start3A_104 = tpu.memref_squeeze %dma_start3A_103 : memref<1x80xi32, #tpu.memory_space<vmem>> -> memref<80xi32, #tpu.memory_space<vmem>>
            %dma_start3A_105 = arith.constant 0 : i32
            %dma_start3A_106 = arith.constant 0 : i32
            %dma_start3A_107 = tpu.memref_slice %arg4[%dma_start3A_105, %dma_start3A_106] : memref<10000x144xf32, #tpu.memory_space<hbm>> -> memref<10000x144xf32, #tpu.memory_space<hbm>>
            tpu.enqueue_indirect_dma source(%dma_start3A_107 : memref<10000x144xf32, #tpu.memory_space<hbm>>) target(%arg12 : memref<80x144xf32, #tpu.memory_space<vmem>>) offsets(%dma_start3A_104 : memref<80xi32, #tpu.memory_space<vmem>>) semaphore(%arg14 : memref<!tpu.dma_semaphore, #tpu.memory_space<semaphore_mem>>)
          } else {
          }
          "tpu.region"() ({
            %run_scoped3A_100 = tpu.sem_alloc : memref<!tpu.dma_semaphore, #tpu.memory_space<semaphore_mem>>
            %dma_start3A_101 = arith.constant 0 : i32
            %dma_start3A_102 = tpu.memref_slice %arg10[%scan3A_53, %dma_start3A_101] : memref<63x80xi32, #tpu.memory_space<vmem>> -> memref<1x80xi32, #tpu.memory_space<vmem>>
            %dma_start3A_103 = tpu.memref_squeeze %dma_start3A_102 : memref<1x80xi32, #tpu.memory_space<vmem>> -> memref<80xi32, #tpu.memory_space<vmem>>
            %dma_start3A_104 = arith.constant 0 : i32
            %dma_start3A_105 = arith.constant 0 : i32
            %dma_start3A_106 = tpu.memref_slice %arg13[%dma_start3A_104, %dma_start3A_105] : memref<10000x144xf32, #tpu.memory_space<vmem_shared>> -> memref<10000x144xf32, #tpu.memory_space<vmem_shared>>
            tpu.enqueue_indirect_dma source(%arg11 : memref<80x144xf32, #tpu.memory_space<vmem>>) target(%dma_start3A_106 : memref<10000x144xf32, #tpu.memory_space<vmem_shared>>) offsets(%dma_start3A_103 : memref<80xi32, #tpu.memory_space<vmem>>) semaphore(%run_scoped3A_100 : memref<!tpu.dma_semaphore, #tpu.memory_space<semaphore_mem>>) {add = true}
            %dma_wait3A_107 = arith.constant 0 : i32
            %dma_wait3A_108 = tpu.memref_slice %arg10[%scan3A_53, %dma_wait3A_107] : memref<63x80xi32, #tpu.memory_space<vmem>> -> memref<1x80xi32, #tpu.memory_space<vmem>>
            %dma_wait3A_109 = tpu.memref_squeeze %dma_wait3A_108 : memref<1x80xi32, #tpu.memory_space<vmem>> -> memref<80xi32, #tpu.memory_space<vmem>>
            %dma_wait3A_110 = arith.constant 0 : i32
            %dma_wait3A_111 = arith.constant 0 : i32
            %dma_wait3A_112 = tpu.memref_slice %arg13[%dma_wait3A_110, %dma_wait3A_111] : memref<10000x144xf32, #tpu.memory_space<vmem_shared>> -> memref<10000x144xf32, #tpu.memory_space<vmem_shared>>
            tpu.wait_indirect_dma semaphore(%run_scoped3A_100 : memref<!tpu.dma_semaphore, #tpu.memory_space<semaphore_mem>>) src(%arg11 : memref<80x144xf32, #tpu.memory_space<vmem>>) dst(%dma_wait3A_112 : memref<10000x144xf32, #tpu.memory_space<vmem_shared>>)
            tpu.yield
          }) : () -> ()
        } else {
        }
        %jit3A_69 = arith.constant 2 : i32
        %eq3A_70 = arith.constant 0 : i32
        %eq3A_71 = arith.cmpi eq, %jit3A_69, %eq3A_70 : i32
        %jit3A_72 = arith.constant 1 : i32
        %select_n3A_73 = arith.select %eq3A_71, %jit3A_72, %jit3A_69 : i32
        %rem3A_74 = arith.remsi %scan3A_53, %select_n3A_73 : i32
        %ne3A_75 = arith.constant 0 : i32
        %ne3A_76 = arith.cmpi ne, %rem3A_74, %ne3A_75 : i32
        %lt3A_77 = arith.constant 0 : i32
        %lt3A_78 = arith.cmpi slt, %rem3A_74, %lt3A_77 : i32
        %lt3A_79 = arith.constant 0 : i32
        %lt3A_80 = arith.cmpi slt, %select_n3A_73, %lt3A_79 : i32
        %ne3A_81 = arith.xori %lt3A_78, %lt3A_80 : i1
        %and3A_82 = arith.andi %ne3A_81, %ne3A_76 : i1
        %add3A_83 = arith.addi %rem3A_74, %select_n3A_73 : i32
        %select_n3A_84 = arith.select %and3A_82, %add3A_83, %rem3A_74 : i32
        %eq3A_85 = arith.constant 1 : i32
        %eq3A_86 = arith.cmpi eq, %select_n3A_84, %eq3A_85 : i32
        %convert_element_type3A_87 = arith.extui %eq3A_86 : i1 to i32
        %cond3A_88 = arith.constant 0 : i32
        %cond3A_89 = arith.cmpi ne, %convert_element_type3A_87, %cond3A_88 : i32
        scf.if %cond3A_89 {
          %dma_wait3A = arith.constant 0 : i32
          %dma_wait3A_90 = tpu.memref_slice %arg9[%scan3A_53, %dma_wait3A] : memref<63x80xi32, #tpu.memory_space<vmem>> -> memref<1x80xi32, #tpu.memory_space<vmem>>
          %dma_wait3A_91 = tpu.memref_squeeze %dma_wait3A_90 : memref<1x80xi32, #tpu.memory_space<vmem>> -> memref<80xi32, #tpu.memory_space<vmem>>
          %dma_wait3A_92 = arith.constant 0 : i32
          %dma_wait3A_93 = arith.constant 0 : i32
          %dma_wait3A_94 = tpu.memref_slice %arg4[%dma_wait3A_92, %dma_wait3A_93] : memref<10000x144xf32, #tpu.memory_space<hbm>> -> memref<10000x144xf32, #tpu.memory_space<hbm>>
          tpu.wait_indirect_dma semaphore(%arg14 : memref<!tpu.dma_semaphore, #tpu.memory_space<semaphore_mem>>) src(%dma_wait3A_94 : memref<10000x144xf32, #tpu.memory_space<hbm>>) dst(%arg12 : memref<80x144xf32, #tpu.memory_space<vmem>>)
          %lt3A_95 = arith.constant 62 : i32
          %lt3A_96 = arith.cmpi slt, %scan3A_53, %lt3A_95 : i32
          %convert_element_type3A_97 = arith.extui %lt3A_96 : i1 to i32
          %cond3A_98 = arith.constant 0 : i32
          %cond3A_99 = arith.cmpi ne, %convert_element_type3A_97, %cond3A_98 : i32
          scf.if %cond3A_99 {
            %add3A_100 = arith.constant 1 : i32
            %add3A_101 = arith.addi %scan3A_53, %add3A_100 : i32
            %dma_start3A_102 = arith.constant 0 : i32
            %dma_start3A_103 = tpu.memref_slice %arg9[%add3A_101, %dma_start3A_102] : memref<63x80xi32, #tpu.memory_space<vmem>> -> memref<1x80xi32, #tpu.memory_space<vmem>>
            %dma_start3A_104 = tpu.memref_squeeze %dma_start3A_103 : memref<1x80xi32, #tpu.memory_space<vmem>> -> memref<80xi32, #tpu.memory_space<vmem>>
            %dma_start3A_105 = arith.constant 0 : i32
            %dma_start3A_106 = arith.constant 0 : i32
            %dma_start3A_107 = tpu.memref_slice %arg4[%dma_start3A_105, %dma_start3A_106] : memref<10000x144xf32, #tpu.memory_space<hbm>> -> memref<10000x144xf32, #tpu.memory_space<hbm>>
            tpu.enqueue_indirect_dma source(%dma_start3A_107 : memref<10000x144xf32, #tpu.memory_space<hbm>>) target(%arg11 : memref<80x144xf32, #tpu.memory_space<vmem>>) offsets(%dma_start3A_104 : memref<80xi32, #tpu.memory_space<vmem>>) semaphore(%arg14 : memref<!tpu.dma_semaphore, #tpu.memory_space<semaphore_mem>>)
          } else {
          }
          "tpu.region"() ({
            %run_scoped3A_100 = tpu.sem_alloc : memref<!tpu.dma_semaphore, #tpu.memory_space<semaphore_mem>>
            %dma_start3A_101 = arith.constant 0 : i32
            %dma_start3A_102 = tpu.memref_slice %arg10[%scan3A_53, %dma_start3A_101] : memref<63x80xi32, #tpu.memory_space<vmem>> -> memref<1x80xi32, #tpu.memory_space<vmem>>
            %dma_start3A_103 = tpu.memref_squeeze %dma_start3A_102 : memref<1x80xi32, #tpu.memory_space<vmem>> -> memref<80xi32, #tpu.memory_space<vmem>>
            %dma_start3A_104 = arith.constant 0 : i32
            %dma_start3A_105 = arith.constant 0 : i32
            %dma_start3A_106 = tpu.memref_slice %arg13[%dma_start3A_104, %dma_start3A_105] : memref<10000x144xf32, #tpu.memory_space<vmem_shared>> -> memref<10000x144xf32, #tpu.memory_space<vmem_shared>>
            tpu.enqueue_indirect_dma source(%arg12 : memref<80x144xf32, #tpu.memory_space<vmem>>) target(%dma_start3A_106 : memref<10000x144xf32, #tpu.memory_space<vmem_shared>>) offsets(%dma_start3A_103 : memref<80xi32, #tpu.memory_space<vmem>>) semaphore(%run_scoped3A_100 : memref<!tpu.dma_semaphore, #tpu.memory_space<semaphore_mem>>) {add = true}
            %dma_wait3A_107 = arith.constant 0 : i32
            %dma_wait3A_108 = tpu.memref_slice %arg10[%scan3A_53, %dma_wait3A_107] : memref<63x80xi32, #tpu.memory_space<vmem>> -> memref<1x80xi32, #tpu.memory_space<vmem>>
            %dma_wait3A_109 = tpu.memref_squeeze %dma_wait3A_108 : memref<1x80xi32, #tpu.memory_space<vmem>> -> memref<80xi32, #tpu.memory_space<vmem>>
            %dma_wait3A_110 = arith.constant 0 : i32
            %dma_wait3A_111 = arith.constant 0 : i32
            %dma_wait3A_112 = tpu.memref_slice %arg13[%dma_wait3A_110, %dma_wait3A_111] : memref<10000x144xf32, #tpu.memory_space<vmem_shared>> -> memref<10000x144xf32, #tpu.memory_space<vmem_shared>>
            tpu.wait_indirect_dma semaphore(%run_scoped3A_100 : memref<!tpu.dma_semaphore, #tpu.memory_space<semaphore_mem>>) src(%arg12 : memref<80x144xf32, #tpu.memory_space<vmem>>) dst(%dma_wait3A_112 : memref<10000x144xf32, #tpu.memory_space<vmem_shared>>)
            tpu.yield
          }) : () -> ()
        } else {
        }
      }
      %scan3A_33 = arith.constant 63 : i32
      %mul3A_34 = arith.constant 125 : i32
      %mul3A_35 = arith.muli %arg1, %mul3A_34 : i32
      %add3A_36 = arith.constant 63 : i32
      %add3A_37 = arith.addi %mul3A_35, %add3A_36 : i32
      %run_scoped3A_38 = arith.constant 0 : i32
      "tpu.region"() ({
        %run_scoped3A_53 = tpu.sem_alloc : memref<!tpu.dma_semaphore, #tpu.memory_space<semaphore_mem>>
        %dma_start3A_54 = arith.constant 0 : i32
        %dma_start3A_55 = arith.constant 0 : i32
        %dma_start3A_56 = tpu.memref_slice %arg9[%dma_start3A_54, %dma_start3A_55] : memref<63x80xi32, #tpu.memory_space<vmem>> -> memref<62x80xi32, #tpu.memory_space<vmem>>
        %dma_start3A_57 = arith.constant 0 : i32
        %dma_start3A_58 = tpu.memref_slice %arg5[%run_scoped3A_38, %add3A_37, %dma_start3A_57] : memref<2x2000x80xi32, #tpu.memory_space<hbm>> -> memref<1x62x80xi32, #tpu.memory_space<hbm>>
        %dma_start3A_59 = tpu.memref_squeeze %dma_start3A_58 : memref<1x62x80xi32, #tpu.memory_space<hbm>> -> memref<62x80xi32, #tpu.memory_space<hbm>>
        %dma_start3A_60 = arith.constant 0 : i32
        %dma_start3A_61 = arith.constant 0 : i32
        %dma_start3A_62 = tpu.memref_slice %arg9[%dma_start3A_60, %dma_start3A_61] : memref<63x80xi32, #tpu.memory_space<vmem>> -> memref<62x80xi32, #tpu.memory_space<vmem>>
        %dma_start3A_63 = arith.constant 0 : i32
        %dma_start3A_64 = tpu.memref_slice %arg5[%run_scoped3A_38, %add3A_37, %dma_start3A_63] : memref<2x2000x80xi32, #tpu.memory_space<hbm>> -> memref<1x62x80xi32, #tpu.memory_space<hbm>>
        %dma_start3A_65 = tpu.memref_squeeze %dma_start3A_64 : memref<1x62x80xi32, #tpu.memory_space<hbm>> -> memref<62x80xi32, #tpu.memory_space<hbm>>
        tpu.enqueue_dma source(%dma_start3A_65 : memref<62x80xi32, #tpu.memory_space<hbm>>) target(%dma_start3A_62 : memref<62x80xi32, #tpu.memory_space<vmem>>) target_semaphore(%run_scoped3A_53 : memref<!tpu.dma_semaphore, #tpu.memory_space<semaphore_mem>>)
        %dma_wait3A = arith.constant 0 : i32
        %dma_wait3A_66 = arith.constant 0 : i32
        %dma_wait3A_67 = tpu.memref_slice %arg9[%dma_wait3A, %dma_wait3A_66] : memref<63x80xi32, #tpu.memory_space<vmem>> -> memref<62x80xi32, #tpu.memory_space<vmem>>
        %dma_wait3A_68 = arith.constant 0 : i32
        %dma_wait3A_69 = tpu.memref_slice %arg5[%run_scoped3A_38, %add3A_37, %dma_wait3A_68] : memref<2x2000x80xi32, #tpu.memory_space<hbm>> -> memref<1x62x80xi32, #tpu.memory_space<hbm>>
        %dma_wait3A_70 = tpu.memref_squeeze %dma_wait3A_69 : memref<1x62x80xi32, #tpu.memory_space<hbm>> -> memref<62x80xi32, #tpu.memory_space<hbm>>
        %dma_wait3A_71 = arith.constant 0 : i32
        %dma_wait3A_72 = arith.constant 0 : i32
        %dma_wait3A_73 = tpu.memref_slice %arg9[%dma_wait3A_71, %dma_wait3A_72] : memref<63x80xi32, #tpu.memory_space<vmem>> -> memref<62x80xi32, #tpu.memory_space<vmem>>
        %dma_wait3A_74 = arith.constant 0 : i32
        %dma_wait3A_75 = tpu.memref_slice %arg5[%run_scoped3A_38, %add3A_37, %dma_wait3A_74] : memref<2x2000x80xi32, #tpu.memory_space<hbm>> -> memref<1x62x80xi32, #tpu.memory_space<hbm>>
        %dma_wait3A_76 = tpu.memref_squeeze %dma_wait3A_75 : memref<1x62x80xi32, #tpu.memory_space<hbm>> -> memref<62x80xi32, #tpu.memory_space<hbm>>
        tpu.wait_dma2 semaphore(%run_scoped3A_53 : memref<!tpu.dma_semaphore, #tpu.memory_space<semaphore_mem>>) src(%dma_wait3A_76 : memref<62x80xi32, #tpu.memory_space<hbm>>) dst(%dma_wait3A_73 : memref<62x80xi32, #tpu.memory_space<vmem>>)
        tpu.yield
      }) : () -> ()
      %run_scoped3A_39 = arith.constant 1 : i32
      "tpu.region"() ({
        %run_scoped3A_53 = tpu.sem_alloc : memref<!tpu.dma_semaphore, #tpu.memory_space<semaphore_mem>>
        %dma_start3A_54 = arith.constant 0 : i32
        %dma_start3A_55 = arith.constant 0 : i32
        %dma_start3A_56 = tpu.memref_slice %arg10[%dma_start3A_54, %dma_start3A_55] : memref<63x80xi32, #tpu.memory_space<vmem>> -> memref<62x80xi32, #tpu.memory_space<vmem>>
        %dma_start3A_57 = arith.constant 0 : i32
        %dma_start3A_58 = tpu.memref_slice %arg5[%run_scoped3A_39, %add3A_37, %dma_start3A_57] : memref<2x2000x80xi32, #tpu.memory_space<hbm>> -> memref<1x62x80xi32, #tpu.memory_space<hbm>>
        %dma_start3A_59 = tpu.memref_squeeze %dma_start3A_58 : memref<1x62x80xi32, #tpu.memory_space<hbm>> -> memref<62x80xi32, #tpu.memory_space<hbm>>
        %dma_start3A_60 = arith.constant 0 : i32
        %dma_start3A_61 = arith.constant 0 : i32
        %dma_start3A_62 = tpu.memref_slice %arg10[%dma_start3A_60, %dma_start3A_61] : memref<63x80xi32, #tpu.memory_space<vmem>> -> memref<62x80xi32, #tpu.memory_space<vmem>>
        %dma_start3A_63 = arith.constant 0 : i32
        %dma_start3A_64 = tpu.memref_slice %arg5[%run_scoped3A_39, %add3A_37, %dma_start3A_63] : memref<2x2000x80xi32, #tpu.memory_space<hbm>> -> memref<1x62x80xi32, #tpu.memory_space<hbm>>
        %dma_start3A_65 = tpu.memref_squeeze %dma_start3A_64 : memref<1x62x80xi32, #tpu.memory_space<hbm>> -> memref<62x80xi32, #tpu.memory_space<hbm>>
        tpu.enqueue_dma source(%dma_start3A_65 : memref<62x80xi32, #tpu.memory_space<hbm>>) target(%dma_start3A_62 : memref<62x80xi32, #tpu.memory_space<vmem>>) target_semaphore(%run_scoped3A_53 : memref<!tpu.dma_semaphore, #tpu.memory_space<semaphore_mem>>)
        %dma_wait3A = arith.constant 0 : i32
        %dma_wait3A_66 = arith.constant 0 : i32
        %dma_wait3A_67 = tpu.memref_slice %arg10[%dma_wait3A, %dma_wait3A_66] : memref<63x80xi32, #tpu.memory_space<vmem>> -> memref<62x80xi32, #tpu.memory_space<vmem>>
        %dma_wait3A_68 = arith.constant 0 : i32
        %dma_wait3A_69 = tpu.memref_slice %arg5[%run_scoped3A_39, %add3A_37, %dma_wait3A_68] : memref<2x2000x80xi32, #tpu.memory_space<hbm>> -> memref<1x62x80xi32, #tpu.memory_space<hbm>>
        %dma_wait3A_70 = tpu.memref_squeeze %dma_wait3A_69 : memref<1x62x80xi32, #tpu.memory_space<hbm>> -> memref<62x80xi32, #tpu.memory_space<hbm>>
        %dma_wait3A_71 = arith.constant 0 : i32
        %dma_wait3A_72 = arith.constant 0 : i32
        %dma_wait3A_73 = tpu.memref_slice %arg10[%dma_wait3A_71, %dma_wait3A_72] : memref<63x80xi32, #tpu.memory_space<vmem>> -> memref<62x80xi32, #tpu.memory_space<vmem>>
        %dma_wait3A_74 = arith.constant 0 : i32
        %dma_wait3A_75 = tpu.memref_slice %arg5[%run_scoped3A_39, %add3A_37, %dma_wait3A_74] : memref<2x2000x80xi32, #tpu.memory_space<hbm>> -> memref<1x62x80xi32, #tpu.memory_space<hbm>>
        %dma_wait3A_76 = tpu.memref_squeeze %dma_wait3A_75 : memref<1x62x80xi32, #tpu.memory_space<hbm>> -> memref<62x80xi32, #tpu.memory_space<hbm>>
        tpu.wait_dma2 semaphore(%run_scoped3A_53 : memref<!tpu.dma_semaphore, #tpu.memory_space<semaphore_mem>>) src(%dma_wait3A_76 : memref<62x80xi32, #tpu.memory_space<hbm>>) dst(%dma_wait3A_73 : memref<62x80xi32, #tpu.memory_space<vmem>>)
        tpu.yield
      }) : () -> ()
      %dma_start3A_40 = arith.constant 0 : i32
      %dma_start3A_41 = arith.constant 0 : i32
      %dma_start3A_42 = tpu.memref_slice %arg9[%dma_start3A_40, %dma_start3A_41] : memref<63x80xi32, #tpu.memory_space<vmem>> -> memref<1x80xi32, #tpu.memory_space<vmem>>
      %dma_start3A_43 = tpu.memref_squeeze %dma_start3A_42 : memref<1x80xi32, #tpu.memory_space<vmem>> -> memref<80xi32, #tpu.memory_space<vmem>>
      %dma_start3A_44 = arith.constant 0 : i32
      %dma_start3A_45 = arith.constant 0 : i32
      %dma_start3A_46 = tpu.memref_slice %arg4[%dma_start3A_44, %dma_start3A_45] : memref<10000x144xf32, #tpu.memory_space<hbm>> -> memref<10000x144xf32, #tpu.memory_space<hbm>>
      tpu.enqueue_indirect_dma source(%dma_start3A_46 : memref<10000x144xf32, #tpu.memory_space<hbm>>) target(%arg11 : memref<80x144xf32, #tpu.memory_space<vmem>>) offsets(%dma_start3A_43 : memref<80xi32, #tpu.memory_space<vmem>>) semaphore(%arg14 : memref<!tpu.dma_semaphore, #tpu.memory_space<semaphore_mem>>)
      %scan3A_47 = arith.constant 0 : i32
      %scan3A_48 = arith.constant 0 : i32
      %scan3A_49 = arith.constant 62 : i32
      %scan3A_50 = arith.addi %scan3A_48, %scan3A_49 : i32
      %scan3A_51 = arith.constant 1 : i32
      scf.for %scan3A_53 = %scan3A_48 to %scan3A_50 step %scan3A_51  : i32 {
        %jit3A = arith.constant 2 : i32
        %eq3A_54 = arith.constant 0 : i32
        %eq3A_55 = arith.cmpi eq, %jit3A, %eq3A_54 : i32
        %jit3A_56 = arith.constant 1 : i32
        %select_n3A = arith.select %eq3A_55, %jit3A_56, %jit3A : i32
        %rem3A = arith.remsi %scan3A_53, %select_n3A : i32
        %ne3A = arith.constant 0 : i32
        %ne3A_57 = arith.cmpi ne, %rem3A, %ne3A : i32
        %lt3A = arith.constant 0 : i32
        %lt3A_58 = arith.cmpi slt, %rem3A, %lt3A : i32
        %lt3A_59 = arith.constant 0 : i32
        %lt3A_60 = arith.cmpi slt, %select_n3A, %lt3A_59 : i32
        %ne3A_61 = arith.xori %lt3A_58, %lt3A_60 : i1
        %and3A = arith.andi %ne3A_61, %ne3A_57 : i1
        %add3A_62 = arith.addi %rem3A, %select_n3A : i32
        %select_n3A_63 = arith.select %and3A, %add3A_62, %rem3A : i32
        %eq3A_64 = arith.constant 0 : i32
        %eq3A_65 = arith.cmpi eq, %select_n3A_63, %eq3A_64 : i32
        %convert_element_type3A_66 = arith.extui %eq3A_65 : i1 to i32
        %cond3A_67 = arith.constant 0 : i32
        %cond3A_68 = arith.cmpi ne, %convert_element_type3A_66, %cond3A_67 : i32
        scf.if %cond3A_68 {
          %dma_wait3A = arith.constant 0 : i32
          %dma_wait3A_90 = tpu.memref_slice %arg9[%scan3A_53, %dma_wait3A] : memref<63x80xi32, #tpu.memory_space<vmem>> -> memref<1x80xi32, #tpu.memory_space<vmem>>
          %dma_wait3A_91 = tpu.memref_squeeze %dma_wait3A_90 : memref<1x80xi32, #tpu.memory_space<vmem>> -> memref<80xi32, #tpu.memory_space<vmem>>
          %dma_wait3A_92 = arith.constant 0 : i32
          %dma_wait3A_93 = arith.constant 0 : i32
          %dma_wait3A_94 = tpu.memref_slice %arg4[%dma_wait3A_92, %dma_wait3A_93] : memref<10000x144xf32, #tpu.memory_space<hbm>> -> memref<10000x144xf32, #tpu.memory_space<hbm>>
          tpu.wait_indirect_dma semaphore(%arg14 : memref<!tpu.dma_semaphore, #tpu.memory_space<semaphore_mem>>) src(%dma_wait3A_94 : memref<10000x144xf32, #tpu.memory_space<hbm>>) dst(%arg11 : memref<80x144xf32, #tpu.memory_space<vmem>>)
          %lt3A_95 = arith.constant 61 : i32
          %lt3A_96 = arith.cmpi slt, %scan3A_53, %lt3A_95 : i32
          %convert_element_type3A_97 = arith.extui %lt3A_96 : i1 to i32
          %cond3A_98 = arith.constant 0 : i32
          %cond3A_99 = arith.cmpi ne, %convert_element_type3A_97, %cond3A_98 : i32
          scf.if %cond3A_99 {
            %add3A_100 = arith.constant 1 : i32
            %add3A_101 = arith.addi %scan3A_53, %add3A_100 : i32
            %dma_start3A_102 = arith.constant 0 : i32
            %dma_start3A_103 = tpu.memref_slice %arg9[%add3A_101, %dma_start3A_102] : memref<63x80xi32, #tpu.memory_space<vmem>> -> memref<1x80xi32, #tpu.memory_space<vmem>>
            %dma_start3A_104 = tpu.memref_squeeze %dma_start3A_103 : memref<1x80xi32, #tpu.memory_space<vmem>> -> memref<80xi32, #tpu.memory_space<vmem>>
            %dma_start3A_105 = arith.constant 0 : i32
            %dma_start3A_106 = arith.constant 0 : i32
            %dma_start3A_107 = tpu.memref_slice %arg4[%dma_start3A_105, %dma_start3A_106] : memref<10000x144xf32, #tpu.memory_space<hbm>> -> memref<10000x144xf32, #tpu.memory_space<hbm>>
            tpu.enqueue_indirect_dma source(%dma_start3A_107 : memref<10000x144xf32, #tpu.memory_space<hbm>>) target(%arg12 : memref<80x144xf32, #tpu.memory_space<vmem>>) offsets(%dma_start3A_104 : memref<80xi32, #tpu.memory_space<vmem>>) semaphore(%arg14 : memref<!tpu.dma_semaphore, #tpu.memory_space<semaphore_mem>>)
          } else {
          }
          "tpu.region"() ({
            %run_scoped3A_100 = tpu.sem_alloc : memref<!tpu.dma_semaphore, #tpu.memory_space<semaphore_mem>>
            %dma_start3A_101 = arith.constant 0 : i32
            %dma_start3A_102 = tpu.memref_slice %arg10[%scan3A_53, %dma_start3A_101] : memref<63x80xi32, #tpu.memory_space<vmem>> -> memref<1x80xi32, #tpu.memory_space<vmem>>
            %dma_start3A_103 = tpu.memref_squeeze %dma_start3A_102 : memref<1x80xi32, #tpu.memory_space<vmem>> -> memref<80xi32, #tpu.memory_space<vmem>>
            %dma_start3A_104 = arith.constant 0 : i32
            %dma_start3A_105 = arith.constant 0 : i32
            %dma_start3A_106 = tpu.memref_slice %arg13[%dma_start3A_104, %dma_start3A_105] : memref<10000x144xf32, #tpu.memory_space<vmem_shared>> -> memref<10000x144xf32, #tpu.memory_space<vmem_shared>>
            tpu.enqueue_indirect_dma source(%arg11 : memref<80x144xf32, #tpu.memory_space<vmem>>) target(%dma_start3A_106 : memref<10000x144xf32, #tpu.memory_space<vmem_shared>>) offsets(%dma_start3A_103 : memref<80xi32, #tpu.memory_space<vmem>>) semaphore(%run_scoped3A_100 : memref<!tpu.dma_semaphore, #tpu.memory_space<semaphore_mem>>) {add = true}
            %dma_wait3A_107 = arith.constant 0 : i32
            %dma_wait3A_108 = tpu.memref_slice %arg10[%scan3A_53, %dma_wait3A_107] : memref<63x80xi32, #tpu.memory_space<vmem>> -> memref<1x80xi32, #tpu.memory_space<vmem>>
            %dma_wait3A_109 = tpu.memref_squeeze %dma_wait3A_108 : memref<1x80xi32, #tpu.memory_space<vmem>> -> memref<80xi32, #tpu.memory_space<vmem>>
            %dma_wait3A_110 = arith.constant 0 : i32
            %dma_wait3A_111 = arith.constant 0 : i32
            %dma_wait3A_112 = tpu.memref_slice %arg13[%dma_wait3A_110, %dma_wait3A_111] : memref<10000x144xf32, #tpu.memory_space<vmem_shared>> -> memref<10000x144xf32, #tpu.memory_space<vmem_shared>>
            tpu.wait_indirect_dma semaphore(%run_scoped3A_100 : memref<!tpu.dma_semaphore, #tpu.memory_space<semaphore_mem>>) src(%arg11 : memref<80x144xf32, #tpu.memory_space<vmem>>) dst(%dma_wait3A_112 : memref<10000x144xf32, #tpu.memory_space<vmem_shared>>)
            tpu.yield
          }) : () -> ()
        } else {
        }
        %jit3A_69 = arith.constant 2 : i32
        %eq3A_70 = arith.constant 0 : i32
        %eq3A_71 = arith.cmpi eq, %jit3A_69, %eq3A_70 : i32
        %jit3A_72 = arith.constant 1 : i32
        %select_n3A_73 = arith.select %eq3A_71, %jit3A_72, %jit3A_69 : i32
        %rem3A_74 = arith.remsi %scan3A_53, %select_n3A_73 : i32
        %ne3A_75 = arith.constant 0 : i32
        %ne3A_76 = arith.cmpi ne, %rem3A_74, %ne3A_75 : i32
        %lt3A_77 = arith.constant 0 : i32
        %lt3A_78 = arith.cmpi slt, %rem3A_74, %lt3A_77 : i32
        %lt3A_79 = arith.constant 0 : i32
        %lt3A_80 = arith.cmpi slt, %select_n3A_73, %lt3A_79 : i32
        %ne3A_81 = arith.xori %lt3A_78, %lt3A_80 : i1
        %and3A_82 = arith.andi %ne3A_81, %ne3A_76 : i1
        %add3A_83 = arith.addi %rem3A_74, %select_n3A_73 : i32
        %select_n3A_84 = arith.select %and3A_82, %add3A_83, %rem3A_74 : i32
        %eq3A_85 = arith.constant 1 : i32
        %eq3A_86 = arith.cmpi eq, %select_n3A_84, %eq3A_85 : i32
        %convert_element_type3A_87 = arith.extui %eq3A_86 : i1 to i32
        %cond3A_88 = arith.constant 0 : i32
        %cond3A_89 = arith.cmpi ne, %convert_element_type3A_87, %cond3A_88 : i32
        scf.if %cond3A_89 {
          %dma_wait3A = arith.constant 0 : i32
          %dma_wait3A_90 = tpu.memref_slice %arg9[%scan3A_53, %dma_wait3A] : memref<63x80xi32, #tpu.memory_space<vmem>> -> memref<1x80xi32, #tpu.memory_space<vmem>>
          %dma_wait3A_91 = tpu.memref_squeeze %dma_wait3A_90 : memref<1x80xi32, #tpu.memory_space<vmem>> -> memref<80xi32, #tpu.memory_space<vmem>>
          %dma_wait3A_92 = arith.constant 0 : i32
          %dma_wait3A_93 = arith.constant 0 : i32
          %dma_wait3A_94 = tpu.memref_slice %arg4[%dma_wait3A_92, %dma_wait3A_93] : memref<10000x144xf32, #tpu.memory_space<hbm>> -> memref<10000x144xf32, #tpu.memory_space<hbm>>
          tpu.wait_indirect_dma semaphore(%arg14 : memref<!tpu.dma_semaphore, #tpu.memory_space<semaphore_mem>>) src(%dma_wait3A_94 : memref<10000x144xf32, #tpu.memory_space<hbm>>) dst(%arg12 : memref<80x144xf32, #tpu.memory_space<vmem>>)
          %lt3A_95 = arith.constant 61 : i32
          %lt3A_96 = arith.cmpi slt, %scan3A_53, %lt3A_95 : i32
          %convert_element_type3A_97 = arith.extui %lt3A_96 : i1 to i32
          %cond3A_98 = arith.constant 0 : i32
          %cond3A_99 = arith.cmpi ne, %convert_element_type3A_97, %cond3A_98 : i32
          scf.if %cond3A_99 {
            %add3A_100 = arith.constant 1 : i32
            %add3A_101 = arith.addi %scan3A_53, %add3A_100 : i32
            %dma_start3A_102 = arith.constant 0 : i32
            %dma_start3A_103 = tpu.memref_slice %arg9[%add3A_101, %dma_start3A_102] : memref<63x80xi32, #tpu.memory_space<vmem>> -> memref<1x80xi32, #tpu.memory_space<vmem>>
            %dma_start3A_104 = tpu.memref_squeeze %dma_start3A_103 : memref<1x80xi32, #tpu.memory_space<vmem>> -> memref<80xi32, #tpu.memory_space<vmem>>
            %dma_start3A_105 = arith.constant 0 : i32
            %dma_start3A_106 = arith.constant 0 : i32
            %dma_start3A_107 = tpu.memref_slice %arg4[%dma_start3A_105, %dma_start3A_106] : memref<10000x144xf32, #tpu.memory_space<hbm>> -> memref<10000x144xf32, #tpu.memory_space<hbm>>
            tpu.enqueue_indirect_dma source(%dma_start3A_107 : memref<10000x144xf32, #tpu.memory_space<hbm>>) target(%arg11 : memref<80x144xf32, #tpu.memory_space<vmem>>) offsets(%dma_start3A_104 : memref<80xi32, #tpu.memory_space<vmem>>) semaphore(%arg14 : memref<!tpu.dma_semaphore, #tpu.memory_space<semaphore_mem>>)
          } else {
          }
          "tpu.region"() ({
            %run_scoped3A_100 = tpu.sem_alloc : memref<!tpu.dma_semaphore, #tpu.memory_space<semaphore_mem>>
            %dma_start3A_101 = arith.constant 0 : i32
            %dma_start3A_102 = tpu.memref_slice %arg10[%scan3A_53, %dma_start3A_101] : memref<63x80xi32, #tpu.memory_space<vmem>> -> memref<1x80xi32, #tpu.memory_space<vmem>>
            %dma_start3A_103 = tpu.memref_squeeze %dma_start3A_102 : memref<1x80xi32, #tpu.memory_space<vmem>> -> memref<80xi32, #tpu.memory_space<vmem>>
            %dma_start3A_104 = arith.constant 0 : i32
            %dma_start3A_105 = arith.constant 0 : i32
            %dma_start3A_106 = tpu.memref_slice %arg13[%dma_start3A_104, %dma_start3A_105] : memref<10000x144xf32, #tpu.memory_space<vmem_shared>> -> memref<10000x144xf32, #tpu.memory_space<vmem_shared>>
            tpu.enqueue_indirect_dma source(%arg12 : memref<80x144xf32, #tpu.memory_space<vmem>>) target(%dma_start3A_106 : memref<10000x144xf32, #tpu.memory_space<vmem_shared>>) offsets(%dma_start3A_103 : memref<80xi32, #tpu.memory_space<vmem>>) semaphore(%run_scoped3A_100 : memref<!tpu.dma_semaphore, #tpu.memory_space<semaphore_mem>>) {add = true}
            %dma_wait3A_107 = arith.constant 0 : i32
            %dma_wait3A_108 = tpu.memref_slice %arg10[%scan3A_53, %dma_wait3A_107] : memref<63x80xi32, #tpu.memory_space<vmem>> -> memref<1x80xi32, #tpu.memory_space<vmem>>
            %dma_wait3A_109 = tpu.memref_squeeze %dma_wait3A_108 : memref<1x80xi32, #tpu.memory_space<vmem>> -> memref<80xi32, #tpu.memory_space<vmem>>
            %dma_wait3A_110 = arith.constant 0 : i32
            %dma_wait3A_111 = arith.constant 0 : i32
            %dma_wait3A_112 = tpu.memref_slice %arg13[%dma_wait3A_110, %dma_wait3A_111] : memref<10000x144xf32, #tpu.memory_space<vmem_shared>> -> memref<10000x144xf32, #tpu.memory_space<vmem_shared>>
            tpu.wait_indirect_dma semaphore(%run_scoped3A_100 : memref<!tpu.dma_semaphore, #tpu.memory_space<semaphore_mem>>) src(%arg12 : memref<80x144xf32, #tpu.memory_space<vmem>>) dst(%dma_wait3A_112 : memref<10000x144xf32, #tpu.memory_space<vmem_shared>>)
            tpu.yield
          }) : () -> ()
        } else {
        }
      }
      %scan3A_52 = arith.constant 62 : i32
    } else {
    }
    %barrier3A_8 = arith.constant 0 : index
    tpu.barrier barrier_id(%barrier3A_8)
    %eq3A_9 = arith.constant 0 : i32
    %eq3A_10 = arith.cmpi eq, %arg0, %eq3A_9 : i32
    %convert_element_type3A_11 = arith.extui %eq3A_10 : i1 to i32
    %cond3A_12 = arith.constant 0 : i32
    %cond3A_13 = arith.cmpi ne, %convert_element_type3A_11, %cond3A_12 : i32
    scf.if %cond3A_13 {
      "tpu.region"() ({
        %run_scoped3A = tpu.sem_alloc : memref<!tpu.dma_semaphore, #tpu.memory_space<semaphore_mem>>
        %dma_start3A = arith.constant 0 : i32
        %dma_start3A_19 = tpu.memref_slice %arg7[%mul3A_0, %dma_start3A] : memref<10000x144xf32, #tpu.memory_space<hbm>> -> memref<625x144xf32, #tpu.memory_space<hbm>>
        %dma_start3A_20 = arith.constant 0 : i32
        %dma_start3A_21 = tpu.memref_slice %arg13[%mul3A_0, %dma_start3A_20] : memref<10000x144xf32, #tpu.memory_space<vmem_shared>> -> memref<625x144xf32, #tpu.memory_space<vmem_shared>>
        tpu.enqueue_dma source(%dma_start3A_21 : memref<625x144xf32, #tpu.memory_space<vmem_shared>>) target(%dma_start3A_19 : memref<625x144xf32, #tpu.memory_space<hbm>>) target_semaphore(%run_scoped3A : memref<!tpu.dma_semaphore, #tpu.memory_space<semaphore_mem>>)
        %dma_wait3A = arith.constant 0 : i32
        %dma_wait3A_22 = tpu.memref_slice %arg7[%mul3A_0, %dma_wait3A] : memref<10000x144xf32, #tpu.memory_space<hbm>> -> memref<625x144xf32, #tpu.memory_space<hbm>>
        %dma_wait3A_23 = arith.constant 0 : i32
        %dma_wait3A_24 = tpu.memref_slice %arg13[%mul3A_0, %dma_wait3A_23] : memref<10000x144xf32, #tpu.memory_space<vmem_shared>> -> memref<625x144xf32, #tpu.memory_space<vmem_shared>>
        tpu.wait_dma2 semaphore(%run_scoped3A : memref<!tpu.dma_semaphore, #tpu.memory_space<semaphore_mem>>) src(%dma_wait3A_24 : memref<625x144xf32, #tpu.memory_space<vmem_shared>>) dst(%dma_wait3A_22 : memref<625x144xf32, #tpu.memory_space<hbm>>)
        tpu.yield
      }) : () -> ()
    } else {
    }
    %eq3A_14 = arith.constant 1 : i32
    %eq3A_15 = arith.cmpi eq, %arg0, %eq3A_14 : i32
    %convert_element_type3A_16 = arith.extui %eq3A_15 : i1 to i32
    %cond3A_17 = arith.constant 0 : i32
    %cond3A_18 = arith.cmpi ne, %convert_element_type3A_16, %cond3A_17 : i32
    scf.if %cond3A_18 {
      "tpu.region"() ({
        %run_scoped3A = tpu.sem_alloc : memref<!tpu.dma_semaphore, #tpu.memory_space<semaphore_mem>>
        %dma_start3A = arith.constant 0 : i32
        %dma_start3A_19 = tpu.memref_slice %arg8[%mul3A_0, %dma_start3A] : memref<10000x144xf32, #tpu.memory_space<hbm>> -> memref<625x144xf32, #tpu.memory_space<hbm>>
        %dma_start3A_20 = arith.constant 0 : i32
        %dma_start3A_21 = tpu.memref_slice %arg13[%mul3A_0, %dma_start3A_20] : memref<10000x144xf32, #tpu.memory_space<vmem_shared>> -> memref<625x144xf32, #tpu.memory_space<vmem_shared>>
        tpu.enqueue_dma source(%dma_start3A_21 : memref<625x144xf32, #tpu.memory_space<vmem_shared>>) target(%dma_start3A_19 : memref<625x144xf32, #tpu.memory_space<hbm>>) target_semaphore(%run_scoped3A : memref<!tpu.dma_semaphore, #tpu.memory_space<semaphore_mem>>)
        %dma_wait3A = arith.constant 0 : i32
        %dma_wait3A_22 = tpu.memref_slice %arg8[%mul3A_0, %dma_wait3A] : memref<10000x144xf32, #tpu.memory_space<hbm>> -> memref<625x144xf32, #tpu.memory_space<hbm>>
        %dma_wait3A_23 = arith.constant 0 : i32
        %dma_wait3A_24 = tpu.memref_slice %arg13[%mul3A_0, %dma_wait3A_23] : memref<10000x144xf32, #tpu.memory_space<vmem_shared>> -> memref<625x144xf32, #tpu.memory_space<vmem_shared>>
        tpu.wait_dma2 semaphore(%run_scoped3A : memref<!tpu.dma_semaphore, #tpu.memory_space<semaphore_mem>>) src(%dma_wait3A_24 : memref<625x144xf32, #tpu.memory_space<vmem_shared>>) dst(%dma_wait3A_22 : memref<625x144xf32, #tpu.memory_space<hbm>>)
        tpu.yield
      }) : () -> ()
    } else {
    }
    return
  }
}

#map = affine_map<(d0, d1) -> (0, 0)>
#map1 = affine_map<(d0, d1) -> (0, 0, 0)>
module attributes {stable_mosaic.version = 14 : i64} {
  func.func @seg(%arg0: i32, %arg1: i32, %arg2: memref<10000x128xf32, #tpu.memory_space<hbm>>, %arg3: memref<2x2000x80xi32, #tpu.memory_space<hbm>>, %arg4: memref<10000x128xf32, #tpu.memory_space<hbm>>, %arg5: memref<2x2000x80xi32, #tpu.memory_space<hbm>>, %arg6: memref<10000x128xf32, #tpu.memory_space<hbm>>, %arg7: memref<10000x128xf32, #tpu.memory_space<hbm>>, %arg8: memref<10000x128xf32, #tpu.memory_space<hbm>>, %arg9: memref<63x80xi32, #tpu.memory_space<vmem>>, %arg10: memref<63x80xi32, #tpu.memory_space<vmem>>, %arg11: memref<80x128xf32, #tpu.memory_space<vmem>>, %arg12: memref<80x128xf32, #tpu.memory_space<vmem>>, %arg13: memref<10000x128xf32, #tpu.memory_space<vmem_shared>>, %arg14: memref<!tpu.dma_semaphore, #tpu.memory_space<semaphore_mem>>) attributes {dimension_semantics = [#tpu.dimension_semantics<core_parallel>, #tpu.dimension_semantics<subcore_parallel>], iteration_bounds = array<i64: 2, 16>, scalar_prefetch = 0 : i64, scratch_operands = 6 : i64, tpu.core_type = #tpu.core_type<sc_vector_subcore>, window_params = [{transform_indices = #map}, {transform_indices = #map1}, {transform_indices = #map}, {transform_indices = #map1}, {transform_indices = #map}, {transform_indices = #map}, {transform_indices = #map}]} {
    %mul3A = arith.constant 625 : i32
    %mul3A_0 = arith.muli %arg1, %mul3A : i32
    "tpu.region"() ({
      %run_scoped3A = tpu.sem_alloc : memref<!tpu.dma_semaphore, #tpu.memory_space<semaphore_mem>>
      %dma_start3A = arith.constant 0 : i32
      %dma_start3A_19 = tpu.memref_slice %arg13[%mul3A_0, %dma_start3A] : memref<10000x128xf32, #tpu.memory_space<vmem_shared>> -> memref<625x128xf32, #tpu.memory_space<vmem_shared>>
      %dma_start3A_20 = arith.constant 0 : i32
      %dma_start3A_21 = tpu.memref_slice %arg6[%mul3A_0, %dma_start3A_20] : memref<10000x128xf32, #tpu.memory_space<hbm>> -> memref<625x128xf32, #tpu.memory_space<hbm>>
      tpu.enqueue_dma source(%dma_start3A_21 : memref<625x128xf32, #tpu.memory_space<hbm>>) target(%dma_start3A_19 : memref<625x128xf32, #tpu.memory_space<vmem_shared>>) target_semaphore(%run_scoped3A : memref<!tpu.dma_semaphore, #tpu.memory_space<semaphore_mem>>)
      %dma_wait3A = arith.constant 0 : i32
      %dma_wait3A_22 = tpu.memref_slice %arg13[%mul3A_0, %dma_wait3A] : memref<10000x128xf32, #tpu.memory_space<vmem_shared>> -> memref<625x128xf32, #tpu.memory_space<vmem_shared>>
      %dma_wait3A_23 = arith.constant 0 : i32
      %dma_wait3A_24 = tpu.memref_slice %arg6[%mul3A_0, %dma_wait3A_23] : memref<10000x128xf32, #tpu.memory_space<hbm>> -> memref<625x128xf32, #tpu.memory_space<hbm>>
      tpu.wait_dma2 semaphore(%run_scoped3A : memref<!tpu.dma_semaphore, #tpu.memory_space<semaphore_mem>>) src(%dma_wait3A_24 : memref<625x128xf32, #tpu.memory_space<hbm>>) dst(%dma_wait3A_22 : memref<625x128xf32, #tpu.memory_space<vmem_shared>>)
      tpu.yield
    }) : () -> ()
    %barrier3A = arith.constant 0 : index
    tpu.barrier barrier_id(%barrier3A)
    %eq3A = arith.constant 0 : i32
    %eq3A_1 = arith.cmpi eq, %arg0, %eq3A : i32
    %convert_element_type3A = arith.extui %eq3A_1 : i1 to i32
    %cond3A = arith.constant 0 : i32
    %cond3A_2 = arith.cmpi ne, %convert_element_type3A, %cond3A : i32
    scf.if %cond3A_2 {
      %mul3A_19 = arith.constant 125 : i32
      %mul3A_20 = arith.muli %arg1, %mul3A_19 : i32
      %add3A = arith.constant 0 : i32
      %add3A_21 = arith.addi %mul3A_20, %add3A : i32
      %run_scoped3A = arith.constant 0 : i32
      "tpu.region"() ({
        %run_scoped3A_53 = tpu.sem_alloc : memref<!tpu.dma_semaphore, #tpu.memory_space<semaphore_mem>>
        %dma_start3A_54 = arith.constant 0 : i32
        %dma_start3A_55 = arith.constant 0 : i32
        %dma_start3A_56 = tpu.memref_slice %arg9[%dma_start3A_54, %dma_start3A_55] : memref<63x80xi32, #tpu.memory_space<vmem>> -> memref<63x80xi32, #tpu.memory_space<vmem>>
        %dma_start3A_57 = arith.constant 0 : i32
        %dma_start3A_58 = tpu.memref_slice %arg3[%run_scoped3A, %add3A_21, %dma_start3A_57] : memref<2x2000x80xi32, #tpu.memory_space<hbm>> -> memref<1x63x80xi32, #tpu.memory_space<hbm>>
        %dma_start3A_59 = tpu.memref_squeeze %dma_start3A_58 : memref<1x63x80xi32, #tpu.memory_space<hbm>> -> memref<63x80xi32, #tpu.memory_space<hbm>>
        %dma_start3A_60 = arith.constant 0 : i32
        %dma_start3A_61 = arith.constant 0 : i32
        %dma_start3A_62 = tpu.memref_slice %arg9[%dma_start3A_60, %dma_start3A_61] : memref<63x80xi32, #tpu.memory_space<vmem>> -> memref<63x80xi32, #tpu.memory_space<vmem>>
        %dma_start3A_63 = arith.constant 0 : i32
        %dma_start3A_64 = tpu.memref_slice %arg3[%run_scoped3A, %add3A_21, %dma_start3A_63] : memref<2x2000x80xi32, #tpu.memory_space<hbm>> -> memref<1x63x80xi32, #tpu.memory_space<hbm>>
        %dma_start3A_65 = tpu.memref_squeeze %dma_start3A_64 : memref<1x63x80xi32, #tpu.memory_space<hbm>> -> memref<63x80xi32, #tpu.memory_space<hbm>>
        tpu.enqueue_dma source(%dma_start3A_65 : memref<63x80xi32, #tpu.memory_space<hbm>>) target(%dma_start3A_62 : memref<63x80xi32, #tpu.memory_space<vmem>>) target_semaphore(%run_scoped3A_53 : memref<!tpu.dma_semaphore, #tpu.memory_space<semaphore_mem>>)
        %dma_wait3A = arith.constant 0 : i32
        %dma_wait3A_66 = arith.constant 0 : i32
        %dma_wait3A_67 = tpu.memref_slice %arg9[%dma_wait3A, %dma_wait3A_66] : memref<63x80xi32, #tpu.memory_space<vmem>> -> memref<63x80xi32, #tpu.memory_space<vmem>>
        %dma_wait3A_68 = arith.constant 0 : i32
        %dma_wait3A_69 = tpu.memref_slice %arg3[%run_scoped3A, %add3A_21, %dma_wait3A_68] : memref<2x2000x80xi32, #tpu.memory_space<hbm>> -> memref<1x63x80xi32, #tpu.memory_space<hbm>>
        %dma_wait3A_70 = tpu.memref_squeeze %dma_wait3A_69 : memref<1x63x80xi32, #tpu.memory_space<hbm>> -> memref<63x80xi32, #tpu.memory_space<hbm>>
        %dma_wait3A_71 = arith.constant 0 : i32
        %dma_wait3A_72 = arith.constant 0 : i32
        %dma_wait3A_73 = tpu.memref_slice %arg9[%dma_wait3A_71, %dma_wait3A_72] : memref<63x80xi32, #tpu.memory_space<vmem>> -> memref<63x80xi32, #tpu.memory_space<vmem>>
        %dma_wait3A_74 = arith.constant 0 : i32
        %dma_wait3A_75 = tpu.memref_slice %arg3[%run_scoped3A, %add3A_21, %dma_wait3A_74] : memref<2x2000x80xi32, #tpu.memory_space<hbm>> -> memref<1x63x80xi32, #tpu.memory_space<hbm>>
        %dma_wait3A_76 = tpu.memref_squeeze %dma_wait3A_75 : memref<1x63x80xi32, #tpu.memory_space<hbm>> -> memref<63x80xi32, #tpu.memory_space<hbm>>
        tpu.wait_dma2 semaphore(%run_scoped3A_53 : memref<!tpu.dma_semaphore, #tpu.memory_space<semaphore_mem>>) src(%dma_wait3A_76 : memref<63x80xi32, #tpu.memory_space<hbm>>) dst(%dma_wait3A_73 : memref<63x80xi32, #tpu.memory_space<vmem>>)
        tpu.yield
      }) : () -> ()
      %run_scoped3A_22 = arith.constant 1 : i32
      "tpu.region"() ({
        %run_scoped3A_53 = tpu.sem_alloc : memref<!tpu.dma_semaphore, #tpu.memory_space<semaphore_mem>>
        %dma_start3A_54 = arith.constant 0 : i32
        %dma_start3A_55 = arith.constant 0 : i32
        %dma_start3A_56 = tpu.memref_slice %arg10[%dma_start3A_54, %dma_start3A_55] : memref<63x80xi32, #tpu.memory_space<vmem>> -> memref<63x80xi32, #tpu.memory_space<vmem>>
        %dma_start3A_57 = arith.constant 0 : i32
        %dma_start3A_58 = tpu.memref_slice %arg3[%run_scoped3A_22, %add3A_21, %dma_start3A_57] : memref<2x2000x80xi32, #tpu.memory_space<hbm>> -> memref<1x63x80xi32, #tpu.memory_space<hbm>>
        %dma_start3A_59 = tpu.memref_squeeze %dma_start3A_58 : memref<1x63x80xi32, #tpu.memory_space<hbm>> -> memref<63x80xi32, #tpu.memory_space<hbm>>
        %dma_start3A_60 = arith.constant 0 : i32
        %dma_start3A_61 = arith.constant 0 : i32
        %dma_start3A_62 = tpu.memref_slice %arg10[%dma_start3A_60, %dma_start3A_61] : memref<63x80xi32, #tpu.memory_space<vmem>> -> memref<63x80xi32, #tpu.memory_space<vmem>>
        %dma_start3A_63 = arith.constant 0 : i32
        %dma_start3A_64 = tpu.memref_slice %arg3[%run_scoped3A_22, %add3A_21, %dma_start3A_63] : memref<2x2000x80xi32, #tpu.memory_space<hbm>> -> memref<1x63x80xi32, #tpu.memory_space<hbm>>
        %dma_start3A_65 = tpu.memref_squeeze %dma_start3A_64 : memref<1x63x80xi32, #tpu.memory_space<hbm>> -> memref<63x80xi32, #tpu.memory_space<hbm>>
        tpu.enqueue_dma source(%dma_start3A_65 : memref<63x80xi32, #tpu.memory_space<hbm>>) target(%dma_start3A_62 : memref<63x80xi32, #tpu.memory_space<vmem>>) target_semaphore(%run_scoped3A_53 : memref<!tpu.dma_semaphore, #tpu.memory_space<semaphore_mem>>)
        %dma_wait3A = arith.constant 0 : i32
        %dma_wait3A_66 = arith.constant 0 : i32
        %dma_wait3A_67 = tpu.memref_slice %arg10[%dma_wait3A, %dma_wait3A_66] : memref<63x80xi32, #tpu.memory_space<vmem>> -> memref<63x80xi32, #tpu.memory_space<vmem>>
        %dma_wait3A_68 = arith.constant 0 : i32
        %dma_wait3A_69 = tpu.memref_slice %arg3[%run_scoped3A_22, %add3A_21, %dma_wait3A_68] : memref<2x2000x80xi32, #tpu.memory_space<hbm>> -> memref<1x63x80xi32, #tpu.memory_space<hbm>>
        %dma_wait3A_70 = tpu.memref_squeeze %dma_wait3A_69 : memref<1x63x80xi32, #tpu.memory_space<hbm>> -> memref<63x80xi32, #tpu.memory_space<hbm>>
        %dma_wait3A_71 = arith.constant 0 : i32
        %dma_wait3A_72 = arith.constant 0 : i32
        %dma_wait3A_73 = tpu.memref_slice %arg10[%dma_wait3A_71, %dma_wait3A_72] : memref<63x80xi32, #tpu.memory_space<vmem>> -> memref<63x80xi32, #tpu.memory_space<vmem>>
        %dma_wait3A_74 = arith.constant 0 : i32
        %dma_wait3A_75 = tpu.memref_slice %arg3[%run_scoped3A_22, %add3A_21, %dma_wait3A_74] : memref<2x2000x80xi32, #tpu.memory_space<hbm>> -> memref<1x63x80xi32, #tpu.memory_space<hbm>>
        %dma_wait3A_76 = tpu.memref_squeeze %dma_wait3A_75 : memref<1x63x80xi32, #tpu.memory_space<hbm>> -> memref<63x80xi32, #tpu.memory_space<hbm>>
        tpu.wait_dma2 semaphore(%run_scoped3A_53 : memref<!tpu.dma_semaphore, #tpu.memory_space<semaphore_mem>>) src(%dma_wait3A_76 : memref<63x80xi32, #tpu.memory_space<hbm>>) dst(%dma_wait3A_73 : memref<63x80xi32, #tpu.memory_space<vmem>>)
        tpu.yield
      }) : () -> ()
      %dma_start3A = arith.constant 0 : i32
      %dma_start3A_23 = arith.constant 0 : i32
      %dma_start3A_24 = tpu.memref_slice %arg9[%dma_start3A, %dma_start3A_23] : memref<63x80xi32, #tpu.memory_space<vmem>> -> memref<1x80xi32, #tpu.memory_space<vmem>>
      %dma_start3A_25 = tpu.memref_squeeze %dma_start3A_24 : memref<1x80xi32, #tpu.memory_space<vmem>> -> memref<80xi32, #tpu.memory_space<vmem>>
      %dma_start3A_26 = arith.constant 0 : i32
      %dma_start3A_27 = arith.constant 0 : i32
      %dma_start3A_28 = tpu.memref_slice %arg2[%dma_start3A_26, %dma_start3A_27] : memref<10000x128xf32, #tpu.memory_space<hbm>> -> memref<10000x128xf32, #tpu.memory_space<hbm>>
      tpu.enqueue_indirect_dma source(%dma_start3A_28 : memref<10000x128xf32, #tpu.memory_space<hbm>>) target(%arg11 : memref<80x128xf32, #tpu.memory_space<vmem>>) offsets(%dma_start3A_25 : memref<80xi32, #tpu.memory_space<vmem>>) semaphore(%arg14 : memref<!tpu.dma_semaphore, #tpu.memory_space<semaphore_mem>>)
      %scan3A = arith.constant 0 : i32
      %scan3A_29 = arith.constant 0 : i32
      %scan3A_30 = arith.constant 63 : i32
      %scan3A_31 = arith.addi %scan3A_29, %scan3A_30 : i32
      %scan3A_32 = arith.constant 1 : i32
      scf.for %scan3A_53 = %scan3A_29 to %scan3A_31 step %scan3A_32  : i32 {
        %jit3A = arith.constant 2 : i32
        %eq3A_54 = arith.constant 0 : i32
        %eq3A_55 = arith.cmpi eq, %jit3A, %eq3A_54 : i32
        %jit3A_56 = arith.constant 1 : i32
        %select_n3A = arith.select %eq3A_55, %jit3A_56, %jit3A : i32
        %rem3A = arith.remsi %scan3A_53, %select_n3A : i32
        %ne3A = arith.constant 0 : i32
        %ne3A_57 = arith.cmpi ne, %rem3A, %ne3A : i32
        %lt3A = arith.constant 0 : i32
        %lt3A_58 = arith.cmpi slt, %rem3A, %lt3A : i32
        %lt3A_59 = arith.constant 0 : i32
        %lt3A_60 = arith.cmpi slt, %select_n3A, %lt3A_59 : i32
        %ne3A_61 = arith.xori %lt3A_58, %lt3A_60 : i1
        %and3A = arith.andi %ne3A_61, %ne3A_57 : i1
        %add3A_62 = arith.addi %rem3A, %select_n3A : i32
        %select_n3A_63 = arith.select %and3A, %add3A_62, %rem3A : i32
        %eq3A_64 = arith.constant 0 : i32
        %eq3A_65 = arith.cmpi eq, %select_n3A_63, %eq3A_64 : i32
        %convert_element_type3A_66 = arith.extui %eq3A_65 : i1 to i32
        %cond3A_67 = arith.constant 0 : i32
        %cond3A_68 = arith.cmpi ne, %convert_element_type3A_66, %cond3A_67 : i32
        scf.if %cond3A_68 {
          %dma_wait3A = arith.constant 0 : i32
          %dma_wait3A_90 = tpu.memref_slice %arg9[%scan3A_53, %dma_wait3A] : memref<63x80xi32, #tpu.memory_space<vmem>> -> memref<1x80xi32, #tpu.memory_space<vmem>>
          %dma_wait3A_91 = tpu.memref_squeeze %dma_wait3A_90 : memref<1x80xi32, #tpu.memory_space<vmem>> -> memref<80xi32, #tpu.memory_space<vmem>>
          %dma_wait3A_92 = arith.constant 0 : i32
          %dma_wait3A_93 = arith.constant 0 : i32
          %dma_wait3A_94 = tpu.memref_slice %arg2[%dma_wait3A_92, %dma_wait3A_93] : memref<10000x128xf32, #tpu.memory_space<hbm>> -> memref<10000x128xf32, #tpu.memory_space<hbm>>
          tpu.wait_indirect_dma semaphore(%arg14 : memref<!tpu.dma_semaphore, #tpu.memory_space<semaphore_mem>>) src(%dma_wait3A_94 : memref<10000x128xf32, #tpu.memory_space<hbm>>) dst(%arg11 : memref<80x128xf32, #tpu.memory_space<vmem>>)
          %lt3A_95 = arith.constant 62 : i32
          %lt3A_96 = arith.cmpi slt, %scan3A_53, %lt3A_95 : i32
          %convert_element_type3A_97 = arith.extui %lt3A_96 : i1 to i32
          %cond3A_98 = arith.constant 0 : i32
          %cond3A_99 = arith.cmpi ne, %convert_element_type3A_97, %cond3A_98 : i32
          scf.if %cond3A_99 {
            %add3A_100 = arith.constant 1 : i32
            %add3A_101 = arith.addi %scan3A_53, %add3A_100 : i32
            %dma_start3A_102 = arith.constant 0 : i32
            %dma_start3A_103 = tpu.memref_slice %arg9[%add3A_101, %dma_start3A_102] : memref<63x80xi32, #tpu.memory_space<vmem>> -> memref<1x80xi32, #tpu.memory_space<vmem>>
            %dma_start3A_104 = tpu.memref_squeeze %dma_start3A_103 : memref<1x80xi32, #tpu.memory_space<vmem>> -> memref<80xi32, #tpu.memory_space<vmem>>
            %dma_start3A_105 = arith.constant 0 : i32
            %dma_start3A_106 = arith.constant 0 : i32
            %dma_start3A_107 = tpu.memref_slice %arg2[%dma_start3A_105, %dma_start3A_106] : memref<10000x128xf32, #tpu.memory_space<hbm>> -> memref<10000x128xf32, #tpu.memory_space<hbm>>
            tpu.enqueue_indirect_dma source(%dma_start3A_107 : memref<10000x128xf32, #tpu.memory_space<hbm>>) target(%arg12 : memref<80x128xf32, #tpu.memory_space<vmem>>) offsets(%dma_start3A_104 : memref<80xi32, #tpu.memory_space<vmem>>) semaphore(%arg14 : memref<!tpu.dma_semaphore, #tpu.memory_space<semaphore_mem>>)
          } else {
          }
          "tpu.region"() ({
            %run_scoped3A_100 = tpu.sem_alloc : memref<!tpu.dma_semaphore, #tpu.memory_space<semaphore_mem>>
            %dma_start3A_101 = arith.constant 0 : i32
            %dma_start3A_102 = tpu.memref_slice %arg10[%scan3A_53, %dma_start3A_101] : memref<63x80xi32, #tpu.memory_space<vmem>> -> memref<1x80xi32, #tpu.memory_space<vmem>>
            %dma_start3A_103 = tpu.memref_squeeze %dma_start3A_102 : memref<1x80xi32, #tpu.memory_space<vmem>> -> memref<80xi32, #tpu.memory_space<vmem>>
            %dma_start3A_104 = arith.constant 0 : i32
            %dma_start3A_105 = arith.constant 0 : i32
            %dma_start3A_106 = tpu.memref_slice %arg13[%dma_start3A_104, %dma_start3A_105] : memref<10000x128xf32, #tpu.memory_space<vmem_shared>> -> memref<10000x128xf32, #tpu.memory_space<vmem_shared>>
            tpu.enqueue_indirect_dma source(%arg11 : memref<80x128xf32, #tpu.memory_space<vmem>>) target(%dma_start3A_106 : memref<10000x128xf32, #tpu.memory_space<vmem_shared>>) offsets(%dma_start3A_103 : memref<80xi32, #tpu.memory_space<vmem>>) semaphore(%run_scoped3A_100 : memref<!tpu.dma_semaphore, #tpu.memory_space<semaphore_mem>>) {add = true}
            %dma_wait3A_107 = arith.constant 0 : i32
            %dma_wait3A_108 = tpu.memref_slice %arg10[%scan3A_53, %dma_wait3A_107] : memref<63x80xi32, #tpu.memory_space<vmem>> -> memref<1x80xi32, #tpu.memory_space<vmem>>
            %dma_wait3A_109 = tpu.memref_squeeze %dma_wait3A_108 : memref<1x80xi32, #tpu.memory_space<vmem>> -> memref<80xi32, #tpu.memory_space<vmem>>
            %dma_wait3A_110 = arith.constant 0 : i32
            %dma_wait3A_111 = arith.constant 0 : i32
            %dma_wait3A_112 = tpu.memref_slice %arg13[%dma_wait3A_110, %dma_wait3A_111] : memref<10000x128xf32, #tpu.memory_space<vmem_shared>> -> memref<10000x128xf32, #tpu.memory_space<vmem_shared>>
            tpu.wait_indirect_dma semaphore(%run_scoped3A_100 : memref<!tpu.dma_semaphore, #tpu.memory_space<semaphore_mem>>) src(%arg11 : memref<80x128xf32, #tpu.memory_space<vmem>>) dst(%dma_wait3A_112 : memref<10000x128xf32, #tpu.memory_space<vmem_shared>>)
            tpu.yield
          }) : () -> ()
        } else {
        }
        %jit3A_69 = arith.constant 2 : i32
        %eq3A_70 = arith.constant 0 : i32
        %eq3A_71 = arith.cmpi eq, %jit3A_69, %eq3A_70 : i32
        %jit3A_72 = arith.constant 1 : i32
        %select_n3A_73 = arith.select %eq3A_71, %jit3A_72, %jit3A_69 : i32
        %rem3A_74 = arith.remsi %scan3A_53, %select_n3A_73 : i32
        %ne3A_75 = arith.constant 0 : i32
        %ne3A_76 = arith.cmpi ne, %rem3A_74, %ne3A_75 : i32
        %lt3A_77 = arith.constant 0 : i32
        %lt3A_78 = arith.cmpi slt, %rem3A_74, %lt3A_77 : i32
        %lt3A_79 = arith.constant 0 : i32
        %lt3A_80 = arith.cmpi slt, %select_n3A_73, %lt3A_79 : i32
        %ne3A_81 = arith.xori %lt3A_78, %lt3A_80 : i1
        %and3A_82 = arith.andi %ne3A_81, %ne3A_76 : i1
        %add3A_83 = arith.addi %rem3A_74, %select_n3A_73 : i32
        %select_n3A_84 = arith.select %and3A_82, %add3A_83, %rem3A_74 : i32
        %eq3A_85 = arith.constant 1 : i32
        %eq3A_86 = arith.cmpi eq, %select_n3A_84, %eq3A_85 : i32
        %convert_element_type3A_87 = arith.extui %eq3A_86 : i1 to i32
        %cond3A_88 = arith.constant 0 : i32
        %cond3A_89 = arith.cmpi ne, %convert_element_type3A_87, %cond3A_88 : i32
        scf.if %cond3A_89 {
          %dma_wait3A = arith.constant 0 : i32
          %dma_wait3A_90 = tpu.memref_slice %arg9[%scan3A_53, %dma_wait3A] : memref<63x80xi32, #tpu.memory_space<vmem>> -> memref<1x80xi32, #tpu.memory_space<vmem>>
          %dma_wait3A_91 = tpu.memref_squeeze %dma_wait3A_90 : memref<1x80xi32, #tpu.memory_space<vmem>> -> memref<80xi32, #tpu.memory_space<vmem>>
          %dma_wait3A_92 = arith.constant 0 : i32
          %dma_wait3A_93 = arith.constant 0 : i32
          %dma_wait3A_94 = tpu.memref_slice %arg2[%dma_wait3A_92, %dma_wait3A_93] : memref<10000x128xf32, #tpu.memory_space<hbm>> -> memref<10000x128xf32, #tpu.memory_space<hbm>>
          tpu.wait_indirect_dma semaphore(%arg14 : memref<!tpu.dma_semaphore, #tpu.memory_space<semaphore_mem>>) src(%dma_wait3A_94 : memref<10000x128xf32, #tpu.memory_space<hbm>>) dst(%arg12 : memref<80x128xf32, #tpu.memory_space<vmem>>)
          %lt3A_95 = arith.constant 62 : i32
          %lt3A_96 = arith.cmpi slt, %scan3A_53, %lt3A_95 : i32
          %convert_element_type3A_97 = arith.extui %lt3A_96 : i1 to i32
          %cond3A_98 = arith.constant 0 : i32
          %cond3A_99 = arith.cmpi ne, %convert_element_type3A_97, %cond3A_98 : i32
          scf.if %cond3A_99 {
            %add3A_100 = arith.constant 1 : i32
            %add3A_101 = arith.addi %scan3A_53, %add3A_100 : i32
            %dma_start3A_102 = arith.constant 0 : i32
            %dma_start3A_103 = tpu.memref_slice %arg9[%add3A_101, %dma_start3A_102] : memref<63x80xi32, #tpu.memory_space<vmem>> -> memref<1x80xi32, #tpu.memory_space<vmem>>
            %dma_start3A_104 = tpu.memref_squeeze %dma_start3A_103 : memref<1x80xi32, #tpu.memory_space<vmem>> -> memref<80xi32, #tpu.memory_space<vmem>>
            %dma_start3A_105 = arith.constant 0 : i32
            %dma_start3A_106 = arith.constant 0 : i32
            %dma_start3A_107 = tpu.memref_slice %arg2[%dma_start3A_105, %dma_start3A_106] : memref<10000x128xf32, #tpu.memory_space<hbm>> -> memref<10000x128xf32, #tpu.memory_space<hbm>>
            tpu.enqueue_indirect_dma source(%dma_start3A_107 : memref<10000x128xf32, #tpu.memory_space<hbm>>) target(%arg11 : memref<80x128xf32, #tpu.memory_space<vmem>>) offsets(%dma_start3A_104 : memref<80xi32, #tpu.memory_space<vmem>>) semaphore(%arg14 : memref<!tpu.dma_semaphore, #tpu.memory_space<semaphore_mem>>)
          } else {
          }
          "tpu.region"() ({
            %run_scoped3A_100 = tpu.sem_alloc : memref<!tpu.dma_semaphore, #tpu.memory_space<semaphore_mem>>
            %dma_start3A_101 = arith.constant 0 : i32
            %dma_start3A_102 = tpu.memref_slice %arg10[%scan3A_53, %dma_start3A_101] : memref<63x80xi32, #tpu.memory_space<vmem>> -> memref<1x80xi32, #tpu.memory_space<vmem>>
            %dma_start3A_103 = tpu.memref_squeeze %dma_start3A_102 : memref<1x80xi32, #tpu.memory_space<vmem>> -> memref<80xi32, #tpu.memory_space<vmem>>
            %dma_start3A_104 = arith.constant 0 : i32
            %dma_start3A_105 = arith.constant 0 : i32
            %dma_start3A_106 = tpu.memref_slice %arg13[%dma_start3A_104, %dma_start3A_105] : memref<10000x128xf32, #tpu.memory_space<vmem_shared>> -> memref<10000x128xf32, #tpu.memory_space<vmem_shared>>
            tpu.enqueue_indirect_dma source(%arg12 : memref<80x128xf32, #tpu.memory_space<vmem>>) target(%dma_start3A_106 : memref<10000x128xf32, #tpu.memory_space<vmem_shared>>) offsets(%dma_start3A_103 : memref<80xi32, #tpu.memory_space<vmem>>) semaphore(%run_scoped3A_100 : memref<!tpu.dma_semaphore, #tpu.memory_space<semaphore_mem>>) {add = true}
            %dma_wait3A_107 = arith.constant 0 : i32
            %dma_wait3A_108 = tpu.memref_slice %arg10[%scan3A_53, %dma_wait3A_107] : memref<63x80xi32, #tpu.memory_space<vmem>> -> memref<1x80xi32, #tpu.memory_space<vmem>>
            %dma_wait3A_109 = tpu.memref_squeeze %dma_wait3A_108 : memref<1x80xi32, #tpu.memory_space<vmem>> -> memref<80xi32, #tpu.memory_space<vmem>>
            %dma_wait3A_110 = arith.constant 0 : i32
            %dma_wait3A_111 = arith.constant 0 : i32
            %dma_wait3A_112 = tpu.memref_slice %arg13[%dma_wait3A_110, %dma_wait3A_111] : memref<10000x128xf32, #tpu.memory_space<vmem_shared>> -> memref<10000x128xf32, #tpu.memory_space<vmem_shared>>
            tpu.wait_indirect_dma semaphore(%run_scoped3A_100 : memref<!tpu.dma_semaphore, #tpu.memory_space<semaphore_mem>>) src(%arg12 : memref<80x128xf32, #tpu.memory_space<vmem>>) dst(%dma_wait3A_112 : memref<10000x128xf32, #tpu.memory_space<vmem_shared>>)
            tpu.yield
          }) : () -> ()
        } else {
        }
      }
      %scan3A_33 = arith.constant 63 : i32
      %mul3A_34 = arith.constant 125 : i32
      %mul3A_35 = arith.muli %arg1, %mul3A_34 : i32
      %add3A_36 = arith.constant 63 : i32
      %add3A_37 = arith.addi %mul3A_35, %add3A_36 : i32
      %run_scoped3A_38 = arith.constant 0 : i32
      "tpu.region"() ({
        %run_scoped3A_53 = tpu.sem_alloc : memref<!tpu.dma_semaphore, #tpu.memory_space<semaphore_mem>>
        %dma_start3A_54 = arith.constant 0 : i32
        %dma_start3A_55 = arith.constant 0 : i32
        %dma_start3A_56 = tpu.memref_slice %arg9[%dma_start3A_54, %dma_start3A_55] : memref<63x80xi32, #tpu.memory_space<vmem>> -> memref<62x80xi32, #tpu.memory_space<vmem>>
        %dma_start3A_57 = arith.constant 0 : i32
        %dma_start3A_58 = tpu.memref_slice %arg3[%run_scoped3A_38, %add3A_37, %dma_start3A_57] : memref<2x2000x80xi32, #tpu.memory_space<hbm>> -> memref<1x62x80xi32, #tpu.memory_space<hbm>>
        %dma_start3A_59 = tpu.memref_squeeze %dma_start3A_58 : memref<1x62x80xi32, #tpu.memory_space<hbm>> -> memref<62x80xi32, #tpu.memory_space<hbm>>
        %dma_start3A_60 = arith.constant 0 : i32
        %dma_start3A_61 = arith.constant 0 : i32
        %dma_start3A_62 = tpu.memref_slice %arg9[%dma_start3A_60, %dma_start3A_61] : memref<63x80xi32, #tpu.memory_space<vmem>> -> memref<62x80xi32, #tpu.memory_space<vmem>>
        %dma_start3A_63 = arith.constant 0 : i32
        %dma_start3A_64 = tpu.memref_slice %arg3[%run_scoped3A_38, %add3A_37, %dma_start3A_63] : memref<2x2000x80xi32, #tpu.memory_space<hbm>> -> memref<1x62x80xi32, #tpu.memory_space<hbm>>
        %dma_start3A_65 = tpu.memref_squeeze %dma_start3A_64 : memref<1x62x80xi32, #tpu.memory_space<hbm>> -> memref<62x80xi32, #tpu.memory_space<hbm>>
        tpu.enqueue_dma source(%dma_start3A_65 : memref<62x80xi32, #tpu.memory_space<hbm>>) target(%dma_start3A_62 : memref<62x80xi32, #tpu.memory_space<vmem>>) target_semaphore(%run_scoped3A_53 : memref<!tpu.dma_semaphore, #tpu.memory_space<semaphore_mem>>)
        %dma_wait3A = arith.constant 0 : i32
        %dma_wait3A_66 = arith.constant 0 : i32
        %dma_wait3A_67 = tpu.memref_slice %arg9[%dma_wait3A, %dma_wait3A_66] : memref<63x80xi32, #tpu.memory_space<vmem>> -> memref<62x80xi32, #tpu.memory_space<vmem>>
        %dma_wait3A_68 = arith.constant 0 : i32
        %dma_wait3A_69 = tpu.memref_slice %arg3[%run_scoped3A_38, %add3A_37, %dma_wait3A_68] : memref<2x2000x80xi32, #tpu.memory_space<hbm>> -> memref<1x62x80xi32, #tpu.memory_space<hbm>>
        %dma_wait3A_70 = tpu.memref_squeeze %dma_wait3A_69 : memref<1x62x80xi32, #tpu.memory_space<hbm>> -> memref<62x80xi32, #tpu.memory_space<hbm>>
        %dma_wait3A_71 = arith.constant 0 : i32
        %dma_wait3A_72 = arith.constant 0 : i32
        %dma_wait3A_73 = tpu.memref_slice %arg9[%dma_wait3A_71, %dma_wait3A_72] : memref<63x80xi32, #tpu.memory_space<vmem>> -> memref<62x80xi32, #tpu.memory_space<vmem>>
        %dma_wait3A_74 = arith.constant 0 : i32
        %dma_wait3A_75 = tpu.memref_slice %arg3[%run_scoped3A_38, %add3A_37, %dma_wait3A_74] : memref<2x2000x80xi32, #tpu.memory_space<hbm>> -> memref<1x62x80xi32, #tpu.memory_space<hbm>>
        %dma_wait3A_76 = tpu.memref_squeeze %dma_wait3A_75 : memref<1x62x80xi32, #tpu.memory_space<hbm>> -> memref<62x80xi32, #tpu.memory_space<hbm>>
        tpu.wait_dma2 semaphore(%run_scoped3A_53 : memref<!tpu.dma_semaphore, #tpu.memory_space<semaphore_mem>>) src(%dma_wait3A_76 : memref<62x80xi32, #tpu.memory_space<hbm>>) dst(%dma_wait3A_73 : memref<62x80xi32, #tpu.memory_space<vmem>>)
        tpu.yield
      }) : () -> ()
      %run_scoped3A_39 = arith.constant 1 : i32
      "tpu.region"() ({
        %run_scoped3A_53 = tpu.sem_alloc : memref<!tpu.dma_semaphore, #tpu.memory_space<semaphore_mem>>
        %dma_start3A_54 = arith.constant 0 : i32
        %dma_start3A_55 = arith.constant 0 : i32
        %dma_start3A_56 = tpu.memref_slice %arg10[%dma_start3A_54, %dma_start3A_55] : memref<63x80xi32, #tpu.memory_space<vmem>> -> memref<62x80xi32, #tpu.memory_space<vmem>>
        %dma_start3A_57 = arith.constant 0 : i32
        %dma_start3A_58 = tpu.memref_slice %arg3[%run_scoped3A_39, %add3A_37, %dma_start3A_57] : memref<2x2000x80xi32, #tpu.memory_space<hbm>> -> memref<1x62x80xi32, #tpu.memory_space<hbm>>
        %dma_start3A_59 = tpu.memref_squeeze %dma_start3A_58 : memref<1x62x80xi32, #tpu.memory_space<hbm>> -> memref<62x80xi32, #tpu.memory_space<hbm>>
        %dma_start3A_60 = arith.constant 0 : i32
        %dma_start3A_61 = arith.constant 0 : i32
        %dma_start3A_62 = tpu.memref_slice %arg10[%dma_start3A_60, %dma_start3A_61] : memref<63x80xi32, #tpu.memory_space<vmem>> -> memref<62x80xi32, #tpu.memory_space<vmem>>
        %dma_start3A_63 = arith.constant 0 : i32
        %dma_start3A_64 = tpu.memref_slice %arg3[%run_scoped3A_39, %add3A_37, %dma_start3A_63] : memref<2x2000x80xi32, #tpu.memory_space<hbm>> -> memref<1x62x80xi32, #tpu.memory_space<hbm>>
        %dma_start3A_65 = tpu.memref_squeeze %dma_start3A_64 : memref<1x62x80xi32, #tpu.memory_space<hbm>> -> memref<62x80xi32, #tpu.memory_space<hbm>>
        tpu.enqueue_dma source(%dma_start3A_65 : memref<62x80xi32, #tpu.memory_space<hbm>>) target(%dma_start3A_62 : memref<62x80xi32, #tpu.memory_space<vmem>>) target_semaphore(%run_scoped3A_53 : memref<!tpu.dma_semaphore, #tpu.memory_space<semaphore_mem>>)
        %dma_wait3A = arith.constant 0 : i32
        %dma_wait3A_66 = arith.constant 0 : i32
        %dma_wait3A_67 = tpu.memref_slice %arg10[%dma_wait3A, %dma_wait3A_66] : memref<63x80xi32, #tpu.memory_space<vmem>> -> memref<62x80xi32, #tpu.memory_space<vmem>>
        %dma_wait3A_68 = arith.constant 0 : i32
        %dma_wait3A_69 = tpu.memref_slice %arg3[%run_scoped3A_39, %add3A_37, %dma_wait3A_68] : memref<2x2000x80xi32, #tpu.memory_space<hbm>> -> memref<1x62x80xi32, #tpu.memory_space<hbm>>
        %dma_wait3A_70 = tpu.memref_squeeze %dma_wait3A_69 : memref<1x62x80xi32, #tpu.memory_space<hbm>> -> memref<62x80xi32, #tpu.memory_space<hbm>>
        %dma_wait3A_71 = arith.constant 0 : i32
        %dma_wait3A_72 = arith.constant 0 : i32
        %dma_wait3A_73 = tpu.memref_slice %arg10[%dma_wait3A_71, %dma_wait3A_72] : memref<63x80xi32, #tpu.memory_space<vmem>> -> memref<62x80xi32, #tpu.memory_space<vmem>>
        %dma_wait3A_74 = arith.constant 0 : i32
        %dma_wait3A_75 = tpu.memref_slice %arg3[%run_scoped3A_39, %add3A_37, %dma_wait3A_74] : memref<2x2000x80xi32, #tpu.memory_space<hbm>> -> memref<1x62x80xi32, #tpu.memory_space<hbm>>
        %dma_wait3A_76 = tpu.memref_squeeze %dma_wait3A_75 : memref<1x62x80xi32, #tpu.memory_space<hbm>> -> memref<62x80xi32, #tpu.memory_space<hbm>>
        tpu.wait_dma2 semaphore(%run_scoped3A_53 : memref<!tpu.dma_semaphore, #tpu.memory_space<semaphore_mem>>) src(%dma_wait3A_76 : memref<62x80xi32, #tpu.memory_space<hbm>>) dst(%dma_wait3A_73 : memref<62x80xi32, #tpu.memory_space<vmem>>)
        tpu.yield
      }) : () -> ()
      %dma_start3A_40 = arith.constant 0 : i32
      %dma_start3A_41 = arith.constant 0 : i32
      %dma_start3A_42 = tpu.memref_slice %arg9[%dma_start3A_40, %dma_start3A_41] : memref<63x80xi32, #tpu.memory_space<vmem>> -> memref<1x80xi32, #tpu.memory_space<vmem>>
      %dma_start3A_43 = tpu.memref_squeeze %dma_start3A_42 : memref<1x80xi32, #tpu.memory_space<vmem>> -> memref<80xi32, #tpu.memory_space<vmem>>
      %dma_start3A_44 = arith.constant 0 : i32
      %dma_start3A_45 = arith.constant 0 : i32
      %dma_start3A_46 = tpu.memref_slice %arg2[%dma_start3A_44, %dma_start3A_45] : memref<10000x128xf32, #tpu.memory_space<hbm>> -> memref<10000x128xf32, #tpu.memory_space<hbm>>
      tpu.enqueue_indirect_dma source(%dma_start3A_46 : memref<10000x128xf32, #tpu.memory_space<hbm>>) target(%arg11 : memref<80x128xf32, #tpu.memory_space<vmem>>) offsets(%dma_start3A_43 : memref<80xi32, #tpu.memory_space<vmem>>) semaphore(%arg14 : memref<!tpu.dma_semaphore, #tpu.memory_space<semaphore_mem>>)
      %scan3A_47 = arith.constant 0 : i32
      %scan3A_48 = arith.constant 0 : i32
      %scan3A_49 = arith.constant 62 : i32
      %scan3A_50 = arith.addi %scan3A_48, %scan3A_49 : i32
      %scan3A_51 = arith.constant 1 : i32
      scf.for %scan3A_53 = %scan3A_48 to %scan3A_50 step %scan3A_51  : i32 {
        %jit3A = arith.constant 2 : i32
        %eq3A_54 = arith.constant 0 : i32
        %eq3A_55 = arith.cmpi eq, %jit3A, %eq3A_54 : i32
        %jit3A_56 = arith.constant 1 : i32
        %select_n3A = arith.select %eq3A_55, %jit3A_56, %jit3A : i32
        %rem3A = arith.remsi %scan3A_53, %select_n3A : i32
        %ne3A = arith.constant 0 : i32
        %ne3A_57 = arith.cmpi ne, %rem3A, %ne3A : i32
        %lt3A = arith.constant 0 : i32
        %lt3A_58 = arith.cmpi slt, %rem3A, %lt3A : i32
        %lt3A_59 = arith.constant 0 : i32
        %lt3A_60 = arith.cmpi slt, %select_n3A, %lt3A_59 : i32
        %ne3A_61 = arith.xori %lt3A_58, %lt3A_60 : i1
        %and3A = arith.andi %ne3A_61, %ne3A_57 : i1
        %add3A_62 = arith.addi %rem3A, %select_n3A : i32
        %select_n3A_63 = arith.select %and3A, %add3A_62, %rem3A : i32
        %eq3A_64 = arith.constant 0 : i32
        %eq3A_65 = arith.cmpi eq, %select_n3A_63, %eq3A_64 : i32
        %convert_element_type3A_66 = arith.extui %eq3A_65 : i1 to i32
        %cond3A_67 = arith.constant 0 : i32
        %cond3A_68 = arith.cmpi ne, %convert_element_type3A_66, %cond3A_67 : i32
        scf.if %cond3A_68 {
          %dma_wait3A = arith.constant 0 : i32
          %dma_wait3A_90 = tpu.memref_slice %arg9[%scan3A_53, %dma_wait3A] : memref<63x80xi32, #tpu.memory_space<vmem>> -> memref<1x80xi32, #tpu.memory_space<vmem>>
          %dma_wait3A_91 = tpu.memref_squeeze %dma_wait3A_90 : memref<1x80xi32, #tpu.memory_space<vmem>> -> memref<80xi32, #tpu.memory_space<vmem>>
          %dma_wait3A_92 = arith.constant 0 : i32
          %dma_wait3A_93 = arith.constant 0 : i32
          %dma_wait3A_94 = tpu.memref_slice %arg2[%dma_wait3A_92, %dma_wait3A_93] : memref<10000x128xf32, #tpu.memory_space<hbm>> -> memref<10000x128xf32, #tpu.memory_space<hbm>>
          tpu.wait_indirect_dma semaphore(%arg14 : memref<!tpu.dma_semaphore, #tpu.memory_space<semaphore_mem>>) src(%dma_wait3A_94 : memref<10000x128xf32, #tpu.memory_space<hbm>>) dst(%arg11 : memref<80x128xf32, #tpu.memory_space<vmem>>)
          %lt3A_95 = arith.constant 61 : i32
          %lt3A_96 = arith.cmpi slt, %scan3A_53, %lt3A_95 : i32
          %convert_element_type3A_97 = arith.extui %lt3A_96 : i1 to i32
          %cond3A_98 = arith.constant 0 : i32
          %cond3A_99 = arith.cmpi ne, %convert_element_type3A_97, %cond3A_98 : i32
          scf.if %cond3A_99 {
            %add3A_100 = arith.constant 1 : i32
            %add3A_101 = arith.addi %scan3A_53, %add3A_100 : i32
            %dma_start3A_102 = arith.constant 0 : i32
            %dma_start3A_103 = tpu.memref_slice %arg9[%add3A_101, %dma_start3A_102] : memref<63x80xi32, #tpu.memory_space<vmem>> -> memref<1x80xi32, #tpu.memory_space<vmem>>
            %dma_start3A_104 = tpu.memref_squeeze %dma_start3A_103 : memref<1x80xi32, #tpu.memory_space<vmem>> -> memref<80xi32, #tpu.memory_space<vmem>>
            %dma_start3A_105 = arith.constant 0 : i32
            %dma_start3A_106 = arith.constant 0 : i32
            %dma_start3A_107 = tpu.memref_slice %arg2[%dma_start3A_105, %dma_start3A_106] : memref<10000x128xf32, #tpu.memory_space<hbm>> -> memref<10000x128xf32, #tpu.memory_space<hbm>>
            tpu.enqueue_indirect_dma source(%dma_start3A_107 : memref<10000x128xf32, #tpu.memory_space<hbm>>) target(%arg12 : memref<80x128xf32, #tpu.memory_space<vmem>>) offsets(%dma_start3A_104 : memref<80xi32, #tpu.memory_space<vmem>>) semaphore(%arg14 : memref<!tpu.dma_semaphore, #tpu.memory_space<semaphore_mem>>)
          } else {
          }
          "tpu.region"() ({
            %run_scoped3A_100 = tpu.sem_alloc : memref<!tpu.dma_semaphore, #tpu.memory_space<semaphore_mem>>
            %dma_start3A_101 = arith.constant 0 : i32
            %dma_start3A_102 = tpu.memref_slice %arg10[%scan3A_53, %dma_start3A_101] : memref<63x80xi32, #tpu.memory_space<vmem>> -> memref<1x80xi32, #tpu.memory_space<vmem>>
            %dma_start3A_103 = tpu.memref_squeeze %dma_start3A_102 : memref<1x80xi32, #tpu.memory_space<vmem>> -> memref<80xi32, #tpu.memory_space<vmem>>
            %dma_start3A_104 = arith.constant 0 : i32
            %dma_start3A_105 = arith.constant 0 : i32
            %dma_start3A_106 = tpu.memref_slice %arg13[%dma_start3A_104, %dma_start3A_105] : memref<10000x128xf32, #tpu.memory_space<vmem_shared>> -> memref<10000x128xf32, #tpu.memory_space<vmem_shared>>
            tpu.enqueue_indirect_dma source(%arg11 : memref<80x128xf32, #tpu.memory_space<vmem>>) target(%dma_start3A_106 : memref<10000x128xf32, #tpu.memory_space<vmem_shared>>) offsets(%dma_start3A_103 : memref<80xi32, #tpu.memory_space<vmem>>) semaphore(%run_scoped3A_100 : memref<!tpu.dma_semaphore, #tpu.memory_space<semaphore_mem>>) {add = true}
            %dma_wait3A_107 = arith.constant 0 : i32
            %dma_wait3A_108 = tpu.memref_slice %arg10[%scan3A_53, %dma_wait3A_107] : memref<63x80xi32, #tpu.memory_space<vmem>> -> memref<1x80xi32, #tpu.memory_space<vmem>>
            %dma_wait3A_109 = tpu.memref_squeeze %dma_wait3A_108 : memref<1x80xi32, #tpu.memory_space<vmem>> -> memref<80xi32, #tpu.memory_space<vmem>>
            %dma_wait3A_110 = arith.constant 0 : i32
            %dma_wait3A_111 = arith.constant 0 : i32
            %dma_wait3A_112 = tpu.memref_slice %arg13[%dma_wait3A_110, %dma_wait3A_111] : memref<10000x128xf32, #tpu.memory_space<vmem_shared>> -> memref<10000x128xf32, #tpu.memory_space<vmem_shared>>
            tpu.wait_indirect_dma semaphore(%run_scoped3A_100 : memref<!tpu.dma_semaphore, #tpu.memory_space<semaphore_mem>>) src(%arg11 : memref<80x128xf32, #tpu.memory_space<vmem>>) dst(%dma_wait3A_112 : memref<10000x128xf32, #tpu.memory_space<vmem_shared>>)
            tpu.yield
          }) : () -> ()
        } else {
        }
        %jit3A_69 = arith.constant 2 : i32
        %eq3A_70 = arith.constant 0 : i32
        %eq3A_71 = arith.cmpi eq, %jit3A_69, %eq3A_70 : i32
        %jit3A_72 = arith.constant 1 : i32
        %select_n3A_73 = arith.select %eq3A_71, %jit3A_72, %jit3A_69 : i32
        %rem3A_74 = arith.remsi %scan3A_53, %select_n3A_73 : i32
        %ne3A_75 = arith.constant 0 : i32
        %ne3A_76 = arith.cmpi ne, %rem3A_74, %ne3A_75 : i32
        %lt3A_77 = arith.constant 0 : i32
        %lt3A_78 = arith.cmpi slt, %rem3A_74, %lt3A_77 : i32
        %lt3A_79 = arith.constant 0 : i32
        %lt3A_80 = arith.cmpi slt, %select_n3A_73, %lt3A_79 : i32
        %ne3A_81 = arith.xori %lt3A_78, %lt3A_80 : i1
        %and3A_82 = arith.andi %ne3A_81, %ne3A_76 : i1
        %add3A_83 = arith.addi %rem3A_74, %select_n3A_73 : i32
        %select_n3A_84 = arith.select %and3A_82, %add3A_83, %rem3A_74 : i32
        %eq3A_85 = arith.constant 1 : i32
        %eq3A_86 = arith.cmpi eq, %select_n3A_84, %eq3A_85 : i32
        %convert_element_type3A_87 = arith.extui %eq3A_86 : i1 to i32
        %cond3A_88 = arith.constant 0 : i32
        %cond3A_89 = arith.cmpi ne, %convert_element_type3A_87, %cond3A_88 : i32
        scf.if %cond3A_89 {
          %dma_wait3A = arith.constant 0 : i32
          %dma_wait3A_90 = tpu.memref_slice %arg9[%scan3A_53, %dma_wait3A] : memref<63x80xi32, #tpu.memory_space<vmem>> -> memref<1x80xi32, #tpu.memory_space<vmem>>
          %dma_wait3A_91 = tpu.memref_squeeze %dma_wait3A_90 : memref<1x80xi32, #tpu.memory_space<vmem>> -> memref<80xi32, #tpu.memory_space<vmem>>
          %dma_wait3A_92 = arith.constant 0 : i32
          %dma_wait3A_93 = arith.constant 0 : i32
          %dma_wait3A_94 = tpu.memref_slice %arg2[%dma_wait3A_92, %dma_wait3A_93] : memref<10000x128xf32, #tpu.memory_space<hbm>> -> memref<10000x128xf32, #tpu.memory_space<hbm>>
          tpu.wait_indirect_dma semaphore(%arg14 : memref<!tpu.dma_semaphore, #tpu.memory_space<semaphore_mem>>) src(%dma_wait3A_94 : memref<10000x128xf32, #tpu.memory_space<hbm>>) dst(%arg12 : memref<80x128xf32, #tpu.memory_space<vmem>>)
          %lt3A_95 = arith.constant 61 : i32
          %lt3A_96 = arith.cmpi slt, %scan3A_53, %lt3A_95 : i32
          %convert_element_type3A_97 = arith.extui %lt3A_96 : i1 to i32
          %cond3A_98 = arith.constant 0 : i32
          %cond3A_99 = arith.cmpi ne, %convert_element_type3A_97, %cond3A_98 : i32
          scf.if %cond3A_99 {
            %add3A_100 = arith.constant 1 : i32
            %add3A_101 = arith.addi %scan3A_53, %add3A_100 : i32
            %dma_start3A_102 = arith.constant 0 : i32
            %dma_start3A_103 = tpu.memref_slice %arg9[%add3A_101, %dma_start3A_102] : memref<63x80xi32, #tpu.memory_space<vmem>> -> memref<1x80xi32, #tpu.memory_space<vmem>>
            %dma_start3A_104 = tpu.memref_squeeze %dma_start3A_103 : memref<1x80xi32, #tpu.memory_space<vmem>> -> memref<80xi32, #tpu.memory_space<vmem>>
            %dma_start3A_105 = arith.constant 0 : i32
            %dma_start3A_106 = arith.constant 0 : i32
            %dma_start3A_107 = tpu.memref_slice %arg2[%dma_start3A_105, %dma_start3A_106] : memref<10000x128xf32, #tpu.memory_space<hbm>> -> memref<10000x128xf32, #tpu.memory_space<hbm>>
            tpu.enqueue_indirect_dma source(%dma_start3A_107 : memref<10000x128xf32, #tpu.memory_space<hbm>>) target(%arg11 : memref<80x128xf32, #tpu.memory_space<vmem>>) offsets(%dma_start3A_104 : memref<80xi32, #tpu.memory_space<vmem>>) semaphore(%arg14 : memref<!tpu.dma_semaphore, #tpu.memory_space<semaphore_mem>>)
          } else {
          }
          "tpu.region"() ({
            %run_scoped3A_100 = tpu.sem_alloc : memref<!tpu.dma_semaphore, #tpu.memory_space<semaphore_mem>>
            %dma_start3A_101 = arith.constant 0 : i32
            %dma_start3A_102 = tpu.memref_slice %arg10[%scan3A_53, %dma_start3A_101] : memref<63x80xi32, #tpu.memory_space<vmem>> -> memref<1x80xi32, #tpu.memory_space<vmem>>
            %dma_start3A_103 = tpu.memref_squeeze %dma_start3A_102 : memref<1x80xi32, #tpu.memory_space<vmem>> -> memref<80xi32, #tpu.memory_space<vmem>>
            %dma_start3A_104 = arith.constant 0 : i32
            %dma_start3A_105 = arith.constant 0 : i32
            %dma_start3A_106 = tpu.memref_slice %arg13[%dma_start3A_104, %dma_start3A_105] : memref<10000x128xf32, #tpu.memory_space<vmem_shared>> -> memref<10000x128xf32, #tpu.memory_space<vmem_shared>>
            tpu.enqueue_indirect_dma source(%arg12 : memref<80x128xf32, #tpu.memory_space<vmem>>) target(%dma_start3A_106 : memref<10000x128xf32, #tpu.memory_space<vmem_shared>>) offsets(%dma_start3A_103 : memref<80xi32, #tpu.memory_space<vmem>>) semaphore(%run_scoped3A_100 : memref<!tpu.dma_semaphore, #tpu.memory_space<semaphore_mem>>) {add = true}
            %dma_wait3A_107 = arith.constant 0 : i32
            %dma_wait3A_108 = tpu.memref_slice %arg10[%scan3A_53, %dma_wait3A_107] : memref<63x80xi32, #tpu.memory_space<vmem>> -> memref<1x80xi32, #tpu.memory_space<vmem>>
            %dma_wait3A_109 = tpu.memref_squeeze %dma_wait3A_108 : memref<1x80xi32, #tpu.memory_space<vmem>> -> memref<80xi32, #tpu.memory_space<vmem>>
            %dma_wait3A_110 = arith.constant 0 : i32
            %dma_wait3A_111 = arith.constant 0 : i32
            %dma_wait3A_112 = tpu.memref_slice %arg13[%dma_wait3A_110, %dma_wait3A_111] : memref<10000x128xf32, #tpu.memory_space<vmem_shared>> -> memref<10000x128xf32, #tpu.memory_space<vmem_shared>>
            tpu.wait_indirect_dma semaphore(%run_scoped3A_100 : memref<!tpu.dma_semaphore, #tpu.memory_space<semaphore_mem>>) src(%arg12 : memref<80x128xf32, #tpu.memory_space<vmem>>) dst(%dma_wait3A_112 : memref<10000x128xf32, #tpu.memory_space<vmem_shared>>)
            tpu.yield
          }) : () -> ()
        } else {
        }
      }
      %scan3A_52 = arith.constant 62 : i32
    } else {
    }
    %eq3A_3 = arith.constant 1 : i32
    %eq3A_4 = arith.cmpi eq, %arg0, %eq3A_3 : i32
    %convert_element_type3A_5 = arith.extui %eq3A_4 : i1 to i32
    %cond3A_6 = arith.constant 0 : i32
    %cond3A_7 = arith.cmpi ne, %convert_element_type3A_5, %cond3A_6 : i32
    scf.if %cond3A_7 {
      %mul3A_19 = arith.constant 125 : i32
      %mul3A_20 = arith.muli %arg1, %mul3A_19 : i32
      %add3A = arith.constant 0 : i32
      %add3A_21 = arith.addi %mul3A_20, %add3A : i32
      %run_scoped3A = arith.constant 0 : i32
      "tpu.region"() ({
        %run_scoped3A_53 = tpu.sem_alloc : memref<!tpu.dma_semaphore, #tpu.memory_space<semaphore_mem>>
        %dma_start3A_54 = arith.constant 0 : i32
        %dma_start3A_55 = arith.constant 0 : i32
        %dma_start3A_56 = tpu.memref_slice %arg9[%dma_start3A_54, %dma_start3A_55] : memref<63x80xi32, #tpu.memory_space<vmem>> -> memref<63x80xi32, #tpu.memory_space<vmem>>
        %dma_start3A_57 = arith.constant 0 : i32
        %dma_start3A_58 = tpu.memref_slice %arg5[%run_scoped3A, %add3A_21, %dma_start3A_57] : memref<2x2000x80xi32, #tpu.memory_space<hbm>> -> memref<1x63x80xi32, #tpu.memory_space<hbm>>
        %dma_start3A_59 = tpu.memref_squeeze %dma_start3A_58 : memref<1x63x80xi32, #tpu.memory_space<hbm>> -> memref<63x80xi32, #tpu.memory_space<hbm>>
        %dma_start3A_60 = arith.constant 0 : i32
        %dma_start3A_61 = arith.constant 0 : i32
        %dma_start3A_62 = tpu.memref_slice %arg9[%dma_start3A_60, %dma_start3A_61] : memref<63x80xi32, #tpu.memory_space<vmem>> -> memref<63x80xi32, #tpu.memory_space<vmem>>
        %dma_start3A_63 = arith.constant 0 : i32
        %dma_start3A_64 = tpu.memref_slice %arg5[%run_scoped3A, %add3A_21, %dma_start3A_63] : memref<2x2000x80xi32, #tpu.memory_space<hbm>> -> memref<1x63x80xi32, #tpu.memory_space<hbm>>
        %dma_start3A_65 = tpu.memref_squeeze %dma_start3A_64 : memref<1x63x80xi32, #tpu.memory_space<hbm>> -> memref<63x80xi32, #tpu.memory_space<hbm>>
        tpu.enqueue_dma source(%dma_start3A_65 : memref<63x80xi32, #tpu.memory_space<hbm>>) target(%dma_start3A_62 : memref<63x80xi32, #tpu.memory_space<vmem>>) target_semaphore(%run_scoped3A_53 : memref<!tpu.dma_semaphore, #tpu.memory_space<semaphore_mem>>)
        %dma_wait3A = arith.constant 0 : i32
        %dma_wait3A_66 = arith.constant 0 : i32
        %dma_wait3A_67 = tpu.memref_slice %arg9[%dma_wait3A, %dma_wait3A_66] : memref<63x80xi32, #tpu.memory_space<vmem>> -> memref<63x80xi32, #tpu.memory_space<vmem>>
        %dma_wait3A_68 = arith.constant 0 : i32
        %dma_wait3A_69 = tpu.memref_slice %arg5[%run_scoped3A, %add3A_21, %dma_wait3A_68] : memref<2x2000x80xi32, #tpu.memory_space<hbm>> -> memref<1x63x80xi32, #tpu.memory_space<hbm>>
        %dma_wait3A_70 = tpu.memref_squeeze %dma_wait3A_69 : memref<1x63x80xi32, #tpu.memory_space<hbm>> -> memref<63x80xi32, #tpu.memory_space<hbm>>
        %dma_wait3A_71 = arith.constant 0 : i32
        %dma_wait3A_72 = arith.constant 0 : i32
        %dma_wait3A_73 = tpu.memref_slice %arg9[%dma_wait3A_71, %dma_wait3A_72] : memref<63x80xi32, #tpu.memory_space<vmem>> -> memref<63x80xi32, #tpu.memory_space<vmem>>
        %dma_wait3A_74 = arith.constant 0 : i32
        %dma_wait3A_75 = tpu.memref_slice %arg5[%run_scoped3A, %add3A_21, %dma_wait3A_74] : memref<2x2000x80xi32, #tpu.memory_space<hbm>> -> memref<1x63x80xi32, #tpu.memory_space<hbm>>
        %dma_wait3A_76 = tpu.memref_squeeze %dma_wait3A_75 : memref<1x63x80xi32, #tpu.memory_space<hbm>> -> memref<63x80xi32, #tpu.memory_space<hbm>>
        tpu.wait_dma2 semaphore(%run_scoped3A_53 : memref<!tpu.dma_semaphore, #tpu.memory_space<semaphore_mem>>) src(%dma_wait3A_76 : memref<63x80xi32, #tpu.memory_space<hbm>>) dst(%dma_wait3A_73 : memref<63x80xi32, #tpu.memory_space<vmem>>)
        tpu.yield
      }) : () -> ()
      %run_scoped3A_22 = arith.constant 1 : i32
      "tpu.region"() ({
        %run_scoped3A_53 = tpu.sem_alloc : memref<!tpu.dma_semaphore, #tpu.memory_space<semaphore_mem>>
        %dma_start3A_54 = arith.constant 0 : i32
        %dma_start3A_55 = arith.constant 0 : i32
        %dma_start3A_56 = tpu.memref_slice %arg10[%dma_start3A_54, %dma_start3A_55] : memref<63x80xi32, #tpu.memory_space<vmem>> -> memref<63x80xi32, #tpu.memory_space<vmem>>
        %dma_start3A_57 = arith.constant 0 : i32
        %dma_start3A_58 = tpu.memref_slice %arg5[%run_scoped3A_22, %add3A_21, %dma_start3A_57] : memref<2x2000x80xi32, #tpu.memory_space<hbm>> -> memref<1x63x80xi32, #tpu.memory_space<hbm>>
        %dma_start3A_59 = tpu.memref_squeeze %dma_start3A_58 : memref<1x63x80xi32, #tpu.memory_space<hbm>> -> memref<63x80xi32, #tpu.memory_space<hbm>>
        %dma_start3A_60 = arith.constant 0 : i32
        %dma_start3A_61 = arith.constant 0 : i32
        %dma_start3A_62 = tpu.memref_slice %arg10[%dma_start3A_60, %dma_start3A_61] : memref<63x80xi32, #tpu.memory_space<vmem>> -> memref<63x80xi32, #tpu.memory_space<vmem>>
        %dma_start3A_63 = arith.constant 0 : i32
        %dma_start3A_64 = tpu.memref_slice %arg5[%run_scoped3A_22, %add3A_21, %dma_start3A_63] : memref<2x2000x80xi32, #tpu.memory_space<hbm>> -> memref<1x63x80xi32, #tpu.memory_space<hbm>>
        %dma_start3A_65 = tpu.memref_squeeze %dma_start3A_64 : memref<1x63x80xi32, #tpu.memory_space<hbm>> -> memref<63x80xi32, #tpu.memory_space<hbm>>
        tpu.enqueue_dma source(%dma_start3A_65 : memref<63x80xi32, #tpu.memory_space<hbm>>) target(%dma_start3A_62 : memref<63x80xi32, #tpu.memory_space<vmem>>) target_semaphore(%run_scoped3A_53 : memref<!tpu.dma_semaphore, #tpu.memory_space<semaphore_mem>>)
        %dma_wait3A = arith.constant 0 : i32
        %dma_wait3A_66 = arith.constant 0 : i32
        %dma_wait3A_67 = tpu.memref_slice %arg10[%dma_wait3A, %dma_wait3A_66] : memref<63x80xi32, #tpu.memory_space<vmem>> -> memref<63x80xi32, #tpu.memory_space<vmem>>
        %dma_wait3A_68 = arith.constant 0 : i32
        %dma_wait3A_69 = tpu.memref_slice %arg5[%run_scoped3A_22, %add3A_21, %dma_wait3A_68] : memref<2x2000x80xi32, #tpu.memory_space<hbm>> -> memref<1x63x80xi32, #tpu.memory_space<hbm>>
        %dma_wait3A_70 = tpu.memref_squeeze %dma_wait3A_69 : memref<1x63x80xi32, #tpu.memory_space<hbm>> -> memref<63x80xi32, #tpu.memory_space<hbm>>
        %dma_wait3A_71 = arith.constant 0 : i32
        %dma_wait3A_72 = arith.constant 0 : i32
        %dma_wait3A_73 = tpu.memref_slice %arg10[%dma_wait3A_71, %dma_wait3A_72] : memref<63x80xi32, #tpu.memory_space<vmem>> -> memref<63x80xi32, #tpu.memory_space<vmem>>
        %dma_wait3A_74 = arith.constant 0 : i32
        %dma_wait3A_75 = tpu.memref_slice %arg5[%run_scoped3A_22, %add3A_21, %dma_wait3A_74] : memref<2x2000x80xi32, #tpu.memory_space<hbm>> -> memref<1x63x80xi32, #tpu.memory_space<hbm>>
        %dma_wait3A_76 = tpu.memref_squeeze %dma_wait3A_75 : memref<1x63x80xi32, #tpu.memory_space<hbm>> -> memref<63x80xi32, #tpu.memory_space<hbm>>
        tpu.wait_dma2 semaphore(%run_scoped3A_53 : memref<!tpu.dma_semaphore, #tpu.memory_space<semaphore_mem>>) src(%dma_wait3A_76 : memref<63x80xi32, #tpu.memory_space<hbm>>) dst(%dma_wait3A_73 : memref<63x80xi32, #tpu.memory_space<vmem>>)
        tpu.yield
      }) : () -> ()
      %dma_start3A = arith.constant 0 : i32
      %dma_start3A_23 = arith.constant 0 : i32
      %dma_start3A_24 = tpu.memref_slice %arg9[%dma_start3A, %dma_start3A_23] : memref<63x80xi32, #tpu.memory_space<vmem>> -> memref<1x80xi32, #tpu.memory_space<vmem>>
      %dma_start3A_25 = tpu.memref_squeeze %dma_start3A_24 : memref<1x80xi32, #tpu.memory_space<vmem>> -> memref<80xi32, #tpu.memory_space<vmem>>
      %dma_start3A_26 = arith.constant 0 : i32
      %dma_start3A_27 = arith.constant 0 : i32
      %dma_start3A_28 = tpu.memref_slice %arg4[%dma_start3A_26, %dma_start3A_27] : memref<10000x128xf32, #tpu.memory_space<hbm>> -> memref<10000x128xf32, #tpu.memory_space<hbm>>
      tpu.enqueue_indirect_dma source(%dma_start3A_28 : memref<10000x128xf32, #tpu.memory_space<hbm>>) target(%arg11 : memref<80x128xf32, #tpu.memory_space<vmem>>) offsets(%dma_start3A_25 : memref<80xi32, #tpu.memory_space<vmem>>) semaphore(%arg14 : memref<!tpu.dma_semaphore, #tpu.memory_space<semaphore_mem>>)
      %scan3A = arith.constant 0 : i32
      %scan3A_29 = arith.constant 0 : i32
      %scan3A_30 = arith.constant 63 : i32
      %scan3A_31 = arith.addi %scan3A_29, %scan3A_30 : i32
      %scan3A_32 = arith.constant 1 : i32
      scf.for %scan3A_53 = %scan3A_29 to %scan3A_31 step %scan3A_32  : i32 {
        %jit3A = arith.constant 2 : i32
        %eq3A_54 = arith.constant 0 : i32
        %eq3A_55 = arith.cmpi eq, %jit3A, %eq3A_54 : i32
        %jit3A_56 = arith.constant 1 : i32
        %select_n3A = arith.select %eq3A_55, %jit3A_56, %jit3A : i32
        %rem3A = arith.remsi %scan3A_53, %select_n3A : i32
        %ne3A = arith.constant 0 : i32
        %ne3A_57 = arith.cmpi ne, %rem3A, %ne3A : i32
        %lt3A = arith.constant 0 : i32
        %lt3A_58 = arith.cmpi slt, %rem3A, %lt3A : i32
        %lt3A_59 = arith.constant 0 : i32
        %lt3A_60 = arith.cmpi slt, %select_n3A, %lt3A_59 : i32
        %ne3A_61 = arith.xori %lt3A_58, %lt3A_60 : i1
        %and3A = arith.andi %ne3A_61, %ne3A_57 : i1
        %add3A_62 = arith.addi %rem3A, %select_n3A : i32
        %select_n3A_63 = arith.select %and3A, %add3A_62, %rem3A : i32
        %eq3A_64 = arith.constant 0 : i32
        %eq3A_65 = arith.cmpi eq, %select_n3A_63, %eq3A_64 : i32
        %convert_element_type3A_66 = arith.extui %eq3A_65 : i1 to i32
        %cond3A_67 = arith.constant 0 : i32
        %cond3A_68 = arith.cmpi ne, %convert_element_type3A_66, %cond3A_67 : i32
        scf.if %cond3A_68 {
          %dma_wait3A = arith.constant 0 : i32
          %dma_wait3A_90 = tpu.memref_slice %arg9[%scan3A_53, %dma_wait3A] : memref<63x80xi32, #tpu.memory_space<vmem>> -> memref<1x80xi32, #tpu.memory_space<vmem>>
          %dma_wait3A_91 = tpu.memref_squeeze %dma_wait3A_90 : memref<1x80xi32, #tpu.memory_space<vmem>> -> memref<80xi32, #tpu.memory_space<vmem>>
          %dma_wait3A_92 = arith.constant 0 : i32
          %dma_wait3A_93 = arith.constant 0 : i32
          %dma_wait3A_94 = tpu.memref_slice %arg4[%dma_wait3A_92, %dma_wait3A_93] : memref<10000x128xf32, #tpu.memory_space<hbm>> -> memref<10000x128xf32, #tpu.memory_space<hbm>>
          tpu.wait_indirect_dma semaphore(%arg14 : memref<!tpu.dma_semaphore, #tpu.memory_space<semaphore_mem>>) src(%dma_wait3A_94 : memref<10000x128xf32, #tpu.memory_space<hbm>>) dst(%arg11 : memref<80x128xf32, #tpu.memory_space<vmem>>)
          %lt3A_95 = arith.constant 62 : i32
          %lt3A_96 = arith.cmpi slt, %scan3A_53, %lt3A_95 : i32
          %convert_element_type3A_97 = arith.extui %lt3A_96 : i1 to i32
          %cond3A_98 = arith.constant 0 : i32
          %cond3A_99 = arith.cmpi ne, %convert_element_type3A_97, %cond3A_98 : i32
          scf.if %cond3A_99 {
            %add3A_100 = arith.constant 1 : i32
            %add3A_101 = arith.addi %scan3A_53, %add3A_100 : i32
            %dma_start3A_102 = arith.constant 0 : i32
            %dma_start3A_103 = tpu.memref_slice %arg9[%add3A_101, %dma_start3A_102] : memref<63x80xi32, #tpu.memory_space<vmem>> -> memref<1x80xi32, #tpu.memory_space<vmem>>
            %dma_start3A_104 = tpu.memref_squeeze %dma_start3A_103 : memref<1x80xi32, #tpu.memory_space<vmem>> -> memref<80xi32, #tpu.memory_space<vmem>>
            %dma_start3A_105 = arith.constant 0 : i32
            %dma_start3A_106 = arith.constant 0 : i32
            %dma_start3A_107 = tpu.memref_slice %arg4[%dma_start3A_105, %dma_start3A_106] : memref<10000x128xf32, #tpu.memory_space<hbm>> -> memref<10000x128xf32, #tpu.memory_space<hbm>>
            tpu.enqueue_indirect_dma source(%dma_start3A_107 : memref<10000x128xf32, #tpu.memory_space<hbm>>) target(%arg12 : memref<80x128xf32, #tpu.memory_space<vmem>>) offsets(%dma_start3A_104 : memref<80xi32, #tpu.memory_space<vmem>>) semaphore(%arg14 : memref<!tpu.dma_semaphore, #tpu.memory_space<semaphore_mem>>)
          } else {
          }
          "tpu.region"() ({
            %run_scoped3A_100 = tpu.sem_alloc : memref<!tpu.dma_semaphore, #tpu.memory_space<semaphore_mem>>
            %dma_start3A_101 = arith.constant 0 : i32
            %dma_start3A_102 = tpu.memref_slice %arg10[%scan3A_53, %dma_start3A_101] : memref<63x80xi32, #tpu.memory_space<vmem>> -> memref<1x80xi32, #tpu.memory_space<vmem>>
            %dma_start3A_103 = tpu.memref_squeeze %dma_start3A_102 : memref<1x80xi32, #tpu.memory_space<vmem>> -> memref<80xi32, #tpu.memory_space<vmem>>
            %dma_start3A_104 = arith.constant 0 : i32
            %dma_start3A_105 = arith.constant 0 : i32
            %dma_start3A_106 = tpu.memref_slice %arg13[%dma_start3A_104, %dma_start3A_105] : memref<10000x128xf32, #tpu.memory_space<vmem_shared>> -> memref<10000x128xf32, #tpu.memory_space<vmem_shared>>
            tpu.enqueue_indirect_dma source(%arg11 : memref<80x128xf32, #tpu.memory_space<vmem>>) target(%dma_start3A_106 : memref<10000x128xf32, #tpu.memory_space<vmem_shared>>) offsets(%dma_start3A_103 : memref<80xi32, #tpu.memory_space<vmem>>) semaphore(%run_scoped3A_100 : memref<!tpu.dma_semaphore, #tpu.memory_space<semaphore_mem>>) {add = true}
            %dma_wait3A_107 = arith.constant 0 : i32
            %dma_wait3A_108 = tpu.memref_slice %arg10[%scan3A_53, %dma_wait3A_107] : memref<63x80xi32, #tpu.memory_space<vmem>> -> memref<1x80xi32, #tpu.memory_space<vmem>>
            %dma_wait3A_109 = tpu.memref_squeeze %dma_wait3A_108 : memref<1x80xi32, #tpu.memory_space<vmem>> -> memref<80xi32, #tpu.memory_space<vmem>>
            %dma_wait3A_110 = arith.constant 0 : i32
            %dma_wait3A_111 = arith.constant 0 : i32
            %dma_wait3A_112 = tpu.memref_slice %arg13[%dma_wait3A_110, %dma_wait3A_111] : memref<10000x128xf32, #tpu.memory_space<vmem_shared>> -> memref<10000x128xf32, #tpu.memory_space<vmem_shared>>
            tpu.wait_indirect_dma semaphore(%run_scoped3A_100 : memref<!tpu.dma_semaphore, #tpu.memory_space<semaphore_mem>>) src(%arg11 : memref<80x128xf32, #tpu.memory_space<vmem>>) dst(%dma_wait3A_112 : memref<10000x128xf32, #tpu.memory_space<vmem_shared>>)
            tpu.yield
          }) : () -> ()
        } else {
        }
        %jit3A_69 = arith.constant 2 : i32
        %eq3A_70 = arith.constant 0 : i32
        %eq3A_71 = arith.cmpi eq, %jit3A_69, %eq3A_70 : i32
        %jit3A_72 = arith.constant 1 : i32
        %select_n3A_73 = arith.select %eq3A_71, %jit3A_72, %jit3A_69 : i32
        %rem3A_74 = arith.remsi %scan3A_53, %select_n3A_73 : i32
        %ne3A_75 = arith.constant 0 : i32
        %ne3A_76 = arith.cmpi ne, %rem3A_74, %ne3A_75 : i32
        %lt3A_77 = arith.constant 0 : i32
        %lt3A_78 = arith.cmpi slt, %rem3A_74, %lt3A_77 : i32
        %lt3A_79 = arith.constant 0 : i32
        %lt3A_80 = arith.cmpi slt, %select_n3A_73, %lt3A_79 : i32
        %ne3A_81 = arith.xori %lt3A_78, %lt3A_80 : i1
        %and3A_82 = arith.andi %ne3A_81, %ne3A_76 : i1
        %add3A_83 = arith.addi %rem3A_74, %select_n3A_73 : i32
        %select_n3A_84 = arith.select %and3A_82, %add3A_83, %rem3A_74 : i32
        %eq3A_85 = arith.constant 1 : i32
        %eq3A_86 = arith.cmpi eq, %select_n3A_84, %eq3A_85 : i32
        %convert_element_type3A_87 = arith.extui %eq3A_86 : i1 to i32
        %cond3A_88 = arith.constant 0 : i32
        %cond3A_89 = arith.cmpi ne, %convert_element_type3A_87, %cond3A_88 : i32
        scf.if %cond3A_89 {
          %dma_wait3A = arith.constant 0 : i32
          %dma_wait3A_90 = tpu.memref_slice %arg9[%scan3A_53, %dma_wait3A] : memref<63x80xi32, #tpu.memory_space<vmem>> -> memref<1x80xi32, #tpu.memory_space<vmem>>
          %dma_wait3A_91 = tpu.memref_squeeze %dma_wait3A_90 : memref<1x80xi32, #tpu.memory_space<vmem>> -> memref<80xi32, #tpu.memory_space<vmem>>
          %dma_wait3A_92 = arith.constant 0 : i32
          %dma_wait3A_93 = arith.constant 0 : i32
          %dma_wait3A_94 = tpu.memref_slice %arg4[%dma_wait3A_92, %dma_wait3A_93] : memref<10000x128xf32, #tpu.memory_space<hbm>> -> memref<10000x128xf32, #tpu.memory_space<hbm>>
          tpu.wait_indirect_dma semaphore(%arg14 : memref<!tpu.dma_semaphore, #tpu.memory_space<semaphore_mem>>) src(%dma_wait3A_94 : memref<10000x128xf32, #tpu.memory_space<hbm>>) dst(%arg12 : memref<80x128xf32, #tpu.memory_space<vmem>>)
          %lt3A_95 = arith.constant 62 : i32
          %lt3A_96 = arith.cmpi slt, %scan3A_53, %lt3A_95 : i32
          %convert_element_type3A_97 = arith.extui %lt3A_96 : i1 to i32
          %cond3A_98 = arith.constant 0 : i32
          %cond3A_99 = arith.cmpi ne, %convert_element_type3A_97, %cond3A_98 : i32
          scf.if %cond3A_99 {
            %add3A_100 = arith.constant 1 : i32
            %add3A_101 = arith.addi %scan3A_53, %add3A_100 : i32
            %dma_start3A_102 = arith.constant 0 : i32
            %dma_start3A_103 = tpu.memref_slice %arg9[%add3A_101, %dma_start3A_102] : memref<63x80xi32, #tpu.memory_space<vmem>> -> memref<1x80xi32, #tpu.memory_space<vmem>>
            %dma_start3A_104 = tpu.memref_squeeze %dma_start3A_103 : memref<1x80xi32, #tpu.memory_space<vmem>> -> memref<80xi32, #tpu.memory_space<vmem>>
            %dma_start3A_105 = arith.constant 0 : i32
            %dma_start3A_106 = arith.constant 0 : i32
            %dma_start3A_107 = tpu.memref_slice %arg4[%dma_start3A_105, %dma_start3A_106] : memref<10000x128xf32, #tpu.memory_space<hbm>> -> memref<10000x128xf32, #tpu.memory_space<hbm>>
            tpu.enqueue_indirect_dma source(%dma_start3A_107 : memref<10000x128xf32, #tpu.memory_space<hbm>>) target(%arg11 : memref<80x128xf32, #tpu.memory_space<vmem>>) offsets(%dma_start3A_104 : memref<80xi32, #tpu.memory_space<vmem>>) semaphore(%arg14 : memref<!tpu.dma_semaphore, #tpu.memory_space<semaphore_mem>>)
          } else {
          }
          "tpu.region"() ({
            %run_scoped3A_100 = tpu.sem_alloc : memref<!tpu.dma_semaphore, #tpu.memory_space<semaphore_mem>>
            %dma_start3A_101 = arith.constant 0 : i32
            %dma_start3A_102 = tpu.memref_slice %arg10[%scan3A_53, %dma_start3A_101] : memref<63x80xi32, #tpu.memory_space<vmem>> -> memref<1x80xi32, #tpu.memory_space<vmem>>
            %dma_start3A_103 = tpu.memref_squeeze %dma_start3A_102 : memref<1x80xi32, #tpu.memory_space<vmem>> -> memref<80xi32, #tpu.memory_space<vmem>>
            %dma_start3A_104 = arith.constant 0 : i32
            %dma_start3A_105 = arith.constant 0 : i32
            %dma_start3A_106 = tpu.memref_slice %arg13[%dma_start3A_104, %dma_start3A_105] : memref<10000x128xf32, #tpu.memory_space<vmem_shared>> -> memref<10000x128xf32, #tpu.memory_space<vmem_shared>>
            tpu.enqueue_indirect_dma source(%arg12 : memref<80x128xf32, #tpu.memory_space<vmem>>) target(%dma_start3A_106 : memref<10000x128xf32, #tpu.memory_space<vmem_shared>>) offsets(%dma_start3A_103 : memref<80xi32, #tpu.memory_space<vmem>>) semaphore(%run_scoped3A_100 : memref<!tpu.dma_semaphore, #tpu.memory_space<semaphore_mem>>) {add = true}
            %dma_wait3A_107 = arith.constant 0 : i32
            %dma_wait3A_108 = tpu.memref_slice %arg10[%scan3A_53, %dma_wait3A_107] : memref<63x80xi32, #tpu.memory_space<vmem>> -> memref<1x80xi32, #tpu.memory_space<vmem>>
            %dma_wait3A_109 = tpu.memref_squeeze %dma_wait3A_108 : memref<1x80xi32, #tpu.memory_space<vmem>> -> memref<80xi32, #tpu.memory_space<vmem>>
            %dma_wait3A_110 = arith.constant 0 : i32
            %dma_wait3A_111 = arith.constant 0 : i32
            %dma_wait3A_112 = tpu.memref_slice %arg13[%dma_wait3A_110, %dma_wait3A_111] : memref<10000x128xf32, #tpu.memory_space<vmem_shared>> -> memref<10000x128xf32, #tpu.memory_space<vmem_shared>>
            tpu.wait_indirect_dma semaphore(%run_scoped3A_100 : memref<!tpu.dma_semaphore, #tpu.memory_space<semaphore_mem>>) src(%arg12 : memref<80x128xf32, #tpu.memory_space<vmem>>) dst(%dma_wait3A_112 : memref<10000x128xf32, #tpu.memory_space<vmem_shared>>)
            tpu.yield
          }) : () -> ()
        } else {
        }
      }
      %scan3A_33 = arith.constant 63 : i32
      %mul3A_34 = arith.constant 125 : i32
      %mul3A_35 = arith.muli %arg1, %mul3A_34 : i32
      %add3A_36 = arith.constant 63 : i32
      %add3A_37 = arith.addi %mul3A_35, %add3A_36 : i32
      %run_scoped3A_38 = arith.constant 0 : i32
      "tpu.region"() ({
        %run_scoped3A_53 = tpu.sem_alloc : memref<!tpu.dma_semaphore, #tpu.memory_space<semaphore_mem>>
        %dma_start3A_54 = arith.constant 0 : i32
        %dma_start3A_55 = arith.constant 0 : i32
        %dma_start3A_56 = tpu.memref_slice %arg9[%dma_start3A_54, %dma_start3A_55] : memref<63x80xi32, #tpu.memory_space<vmem>> -> memref<62x80xi32, #tpu.memory_space<vmem>>
        %dma_start3A_57 = arith.constant 0 : i32
        %dma_start3A_58 = tpu.memref_slice %arg5[%run_scoped3A_38, %add3A_37, %dma_start3A_57] : memref<2x2000x80xi32, #tpu.memory_space<hbm>> -> memref<1x62x80xi32, #tpu.memory_space<hbm>>
        %dma_start3A_59 = tpu.memref_squeeze %dma_start3A_58 : memref<1x62x80xi32, #tpu.memory_space<hbm>> -> memref<62x80xi32, #tpu.memory_space<hbm>>
        %dma_start3A_60 = arith.constant 0 : i32
        %dma_start3A_61 = arith.constant 0 : i32
        %dma_start3A_62 = tpu.memref_slice %arg9[%dma_start3A_60, %dma_start3A_61] : memref<63x80xi32, #tpu.memory_space<vmem>> -> memref<62x80xi32, #tpu.memory_space<vmem>>
        %dma_start3A_63 = arith.constant 0 : i32
        %dma_start3A_64 = tpu.memref_slice %arg5[%run_scoped3A_38, %add3A_37, %dma_start3A_63] : memref<2x2000x80xi32, #tpu.memory_space<hbm>> -> memref<1x62x80xi32, #tpu.memory_space<hbm>>
        %dma_start3A_65 = tpu.memref_squeeze %dma_start3A_64 : memref<1x62x80xi32, #tpu.memory_space<hbm>> -> memref<62x80xi32, #tpu.memory_space<hbm>>
        tpu.enqueue_dma source(%dma_start3A_65 : memref<62x80xi32, #tpu.memory_space<hbm>>) target(%dma_start3A_62 : memref<62x80xi32, #tpu.memory_space<vmem>>) target_semaphore(%run_scoped3A_53 : memref<!tpu.dma_semaphore, #tpu.memory_space<semaphore_mem>>)
        %dma_wait3A = arith.constant 0 : i32
        %dma_wait3A_66 = arith.constant 0 : i32
        %dma_wait3A_67 = tpu.memref_slice %arg9[%dma_wait3A, %dma_wait3A_66] : memref<63x80xi32, #tpu.memory_space<vmem>> -> memref<62x80xi32, #tpu.memory_space<vmem>>
        %dma_wait3A_68 = arith.constant 0 : i32
        %dma_wait3A_69 = tpu.memref_slice %arg5[%run_scoped3A_38, %add3A_37, %dma_wait3A_68] : memref<2x2000x80xi32, #tpu.memory_space<hbm>> -> memref<1x62x80xi32, #tpu.memory_space<hbm>>
        %dma_wait3A_70 = tpu.memref_squeeze %dma_wait3A_69 : memref<1x62x80xi32, #tpu.memory_space<hbm>> -> memref<62x80xi32, #tpu.memory_space<hbm>>
        %dma_wait3A_71 = arith.constant 0 : i32
        %dma_wait3A_72 = arith.constant 0 : i32
        %dma_wait3A_73 = tpu.memref_slice %arg9[%dma_wait3A_71, %dma_wait3A_72] : memref<63x80xi32, #tpu.memory_space<vmem>> -> memref<62x80xi32, #tpu.memory_space<vmem>>
        %dma_wait3A_74 = arith.constant 0 : i32
        %dma_wait3A_75 = tpu.memref_slice %arg5[%run_scoped3A_38, %add3A_37, %dma_wait3A_74] : memref<2x2000x80xi32, #tpu.memory_space<hbm>> -> memref<1x62x80xi32, #tpu.memory_space<hbm>>
        %dma_wait3A_76 = tpu.memref_squeeze %dma_wait3A_75 : memref<1x62x80xi32, #tpu.memory_space<hbm>> -> memref<62x80xi32, #tpu.memory_space<hbm>>
        tpu.wait_dma2 semaphore(%run_scoped3A_53 : memref<!tpu.dma_semaphore, #tpu.memory_space<semaphore_mem>>) src(%dma_wait3A_76 : memref<62x80xi32, #tpu.memory_space<hbm>>) dst(%dma_wait3A_73 : memref<62x80xi32, #tpu.memory_space<vmem>>)
        tpu.yield
      }) : () -> ()
      %run_scoped3A_39 = arith.constant 1 : i32
      "tpu.region"() ({
        %run_scoped3A_53 = tpu.sem_alloc : memref<!tpu.dma_semaphore, #tpu.memory_space<semaphore_mem>>
        %dma_start3A_54 = arith.constant 0 : i32
        %dma_start3A_55 = arith.constant 0 : i32
        %dma_start3A_56 = tpu.memref_slice %arg10[%dma_start3A_54, %dma_start3A_55] : memref<63x80xi32, #tpu.memory_space<vmem>> -> memref<62x80xi32, #tpu.memory_space<vmem>>
        %dma_start3A_57 = arith.constant 0 : i32
        %dma_start3A_58 = tpu.memref_slice %arg5[%run_scoped3A_39, %add3A_37, %dma_start3A_57] : memref<2x2000x80xi32, #tpu.memory_space<hbm>> -> memref<1x62x80xi32, #tpu.memory_space<hbm>>
        %dma_start3A_59 = tpu.memref_squeeze %dma_start3A_58 : memref<1x62x80xi32, #tpu.memory_space<hbm>> -> memref<62x80xi32, #tpu.memory_space<hbm>>
        %dma_start3A_60 = arith.constant 0 : i32
        %dma_start3A_61 = arith.constant 0 : i32
        %dma_start3A_62 = tpu.memref_slice %arg10[%dma_start3A_60, %dma_start3A_61] : memref<63x80xi32, #tpu.memory_space<vmem>> -> memref<62x80xi32, #tpu.memory_space<vmem>>
        %dma_start3A_63 = arith.constant 0 : i32
        %dma_start3A_64 = tpu.memref_slice %arg5[%run_scoped3A_39, %add3A_37, %dma_start3A_63] : memref<2x2000x80xi32, #tpu.memory_space<hbm>> -> memref<1x62x80xi32, #tpu.memory_space<hbm>>
        %dma_start3A_65 = tpu.memref_squeeze %dma_start3A_64 : memref<1x62x80xi32, #tpu.memory_space<hbm>> -> memref<62x80xi32, #tpu.memory_space<hbm>>
        tpu.enqueue_dma source(%dma_start3A_65 : memref<62x80xi32, #tpu.memory_space<hbm>>) target(%dma_start3A_62 : memref<62x80xi32, #tpu.memory_space<vmem>>) target_semaphore(%run_scoped3A_53 : memref<!tpu.dma_semaphore, #tpu.memory_space<semaphore_mem>>)
        %dma_wait3A = arith.constant 0 : i32
        %dma_wait3A_66 = arith.constant 0 : i32
        %dma_wait3A_67 = tpu.memref_slice %arg10[%dma_wait3A, %dma_wait3A_66] : memref<63x80xi32, #tpu.memory_space<vmem>> -> memref<62x80xi32, #tpu.memory_space<vmem>>
        %dma_wait3A_68 = arith.constant 0 : i32
        %dma_wait3A_69 = tpu.memref_slice %arg5[%run_scoped3A_39, %add3A_37, %dma_wait3A_68] : memref<2x2000x80xi32, #tpu.memory_space<hbm>> -> memref<1x62x80xi32, #tpu.memory_space<hbm>>
        %dma_wait3A_70 = tpu.memref_squeeze %dma_wait3A_69 : memref<1x62x80xi32, #tpu.memory_space<hbm>> -> memref<62x80xi32, #tpu.memory_space<hbm>>
        %dma_wait3A_71 = arith.constant 0 : i32
        %dma_wait3A_72 = arith.constant 0 : i32
        %dma_wait3A_73 = tpu.memref_slice %arg10[%dma_wait3A_71, %dma_wait3A_72] : memref<63x80xi32, #tpu.memory_space<vmem>> -> memref<62x80xi32, #tpu.memory_space<vmem>>
        %dma_wait3A_74 = arith.constant 0 : i32
        %dma_wait3A_75 = tpu.memref_slice %arg5[%run_scoped3A_39, %add3A_37, %dma_wait3A_74] : memref<2x2000x80xi32, #tpu.memory_space<hbm>> -> memref<1x62x80xi32, #tpu.memory_space<hbm>>
        %dma_wait3A_76 = tpu.memref_squeeze %dma_wait3A_75 : memref<1x62x80xi32, #tpu.memory_space<hbm>> -> memref<62x80xi32, #tpu.memory_space<hbm>>
        tpu.wait_dma2 semaphore(%run_scoped3A_53 : memref<!tpu.dma_semaphore, #tpu.memory_space<semaphore_mem>>) src(%dma_wait3A_76 : memref<62x80xi32, #tpu.memory_space<hbm>>) dst(%dma_wait3A_73 : memref<62x80xi32, #tpu.memory_space<vmem>>)
        tpu.yield
      }) : () -> ()
      %dma_start3A_40 = arith.constant 0 : i32
      %dma_start3A_41 = arith.constant 0 : i32
      %dma_start3A_42 = tpu.memref_slice %arg9[%dma_start3A_40, %dma_start3A_41] : memref<63x80xi32, #tpu.memory_space<vmem>> -> memref<1x80xi32, #tpu.memory_space<vmem>>
      %dma_start3A_43 = tpu.memref_squeeze %dma_start3A_42 : memref<1x80xi32, #tpu.memory_space<vmem>> -> memref<80xi32, #tpu.memory_space<vmem>>
      %dma_start3A_44 = arith.constant 0 : i32
      %dma_start3A_45 = arith.constant 0 : i32
      %dma_start3A_46 = tpu.memref_slice %arg4[%dma_start3A_44, %dma_start3A_45] : memref<10000x128xf32, #tpu.memory_space<hbm>> -> memref<10000x128xf32, #tpu.memory_space<hbm>>
      tpu.enqueue_indirect_dma source(%dma_start3A_46 : memref<10000x128xf32, #tpu.memory_space<hbm>>) target(%arg11 : memref<80x128xf32, #tpu.memory_space<vmem>>) offsets(%dma_start3A_43 : memref<80xi32, #tpu.memory_space<vmem>>) semaphore(%arg14 : memref<!tpu.dma_semaphore, #tpu.memory_space<semaphore_mem>>)
      %scan3A_47 = arith.constant 0 : i32
      %scan3A_48 = arith.constant 0 : i32
      %scan3A_49 = arith.constant 62 : i32
      %scan3A_50 = arith.addi %scan3A_48, %scan3A_49 : i32
      %scan3A_51 = arith.constant 1 : i32
      scf.for %scan3A_53 = %scan3A_48 to %scan3A_50 step %scan3A_51  : i32 {
        %jit3A = arith.constant 2 : i32
        %eq3A_54 = arith.constant 0 : i32
        %eq3A_55 = arith.cmpi eq, %jit3A, %eq3A_54 : i32
        %jit3A_56 = arith.constant 1 : i32
        %select_n3A = arith.select %eq3A_55, %jit3A_56, %jit3A : i32
        %rem3A = arith.remsi %scan3A_53, %select_n3A : i32
        %ne3A = arith.constant 0 : i32
        %ne3A_57 = arith.cmpi ne, %rem3A, %ne3A : i32
        %lt3A = arith.constant 0 : i32
        %lt3A_58 = arith.cmpi slt, %rem3A, %lt3A : i32
        %lt3A_59 = arith.constant 0 : i32
        %lt3A_60 = arith.cmpi slt, %select_n3A, %lt3A_59 : i32
        %ne3A_61 = arith.xori %lt3A_58, %lt3A_60 : i1
        %and3A = arith.andi %ne3A_61, %ne3A_57 : i1
        %add3A_62 = arith.addi %rem3A, %select_n3A : i32
        %select_n3A_63 = arith.select %and3A, %add3A_62, %rem3A : i32
        %eq3A_64 = arith.constant 0 : i32
        %eq3A_65 = arith.cmpi eq, %select_n3A_63, %eq3A_64 : i32
        %convert_element_type3A_66 = arith.extui %eq3A_65 : i1 to i32
        %cond3A_67 = arith.constant 0 : i32
        %cond3A_68 = arith.cmpi ne, %convert_element_type3A_66, %cond3A_67 : i32
        scf.if %cond3A_68 {
          %dma_wait3A = arith.constant 0 : i32
          %dma_wait3A_90 = tpu.memref_slice %arg9[%scan3A_53, %dma_wait3A] : memref<63x80xi32, #tpu.memory_space<vmem>> -> memref<1x80xi32, #tpu.memory_space<vmem>>
          %dma_wait3A_91 = tpu.memref_squeeze %dma_wait3A_90 : memref<1x80xi32, #tpu.memory_space<vmem>> -> memref<80xi32, #tpu.memory_space<vmem>>
          %dma_wait3A_92 = arith.constant 0 : i32
          %dma_wait3A_93 = arith.constant 0 : i32
          %dma_wait3A_94 = tpu.memref_slice %arg4[%dma_wait3A_92, %dma_wait3A_93] : memref<10000x128xf32, #tpu.memory_space<hbm>> -> memref<10000x128xf32, #tpu.memory_space<hbm>>
          tpu.wait_indirect_dma semaphore(%arg14 : memref<!tpu.dma_semaphore, #tpu.memory_space<semaphore_mem>>) src(%dma_wait3A_94 : memref<10000x128xf32, #tpu.memory_space<hbm>>) dst(%arg11 : memref<80x128xf32, #tpu.memory_space<vmem>>)
          %lt3A_95 = arith.constant 61 : i32
          %lt3A_96 = arith.cmpi slt, %scan3A_53, %lt3A_95 : i32
          %convert_element_type3A_97 = arith.extui %lt3A_96 : i1 to i32
          %cond3A_98 = arith.constant 0 : i32
          %cond3A_99 = arith.cmpi ne, %convert_element_type3A_97, %cond3A_98 : i32
          scf.if %cond3A_99 {
            %add3A_100 = arith.constant 1 : i32
            %add3A_101 = arith.addi %scan3A_53, %add3A_100 : i32
            %dma_start3A_102 = arith.constant 0 : i32
            %dma_start3A_103 = tpu.memref_slice %arg9[%add3A_101, %dma_start3A_102] : memref<63x80xi32, #tpu.memory_space<vmem>> -> memref<1x80xi32, #tpu.memory_space<vmem>>
            %dma_start3A_104 = tpu.memref_squeeze %dma_start3A_103 : memref<1x80xi32, #tpu.memory_space<vmem>> -> memref<80xi32, #tpu.memory_space<vmem>>
            %dma_start3A_105 = arith.constant 0 : i32
            %dma_start3A_106 = arith.constant 0 : i32
            %dma_start3A_107 = tpu.memref_slice %arg4[%dma_start3A_105, %dma_start3A_106] : memref<10000x128xf32, #tpu.memory_space<hbm>> -> memref<10000x128xf32, #tpu.memory_space<hbm>>
            tpu.enqueue_indirect_dma source(%dma_start3A_107 : memref<10000x128xf32, #tpu.memory_space<hbm>>) target(%arg12 : memref<80x128xf32, #tpu.memory_space<vmem>>) offsets(%dma_start3A_104 : memref<80xi32, #tpu.memory_space<vmem>>) semaphore(%arg14 : memref<!tpu.dma_semaphore, #tpu.memory_space<semaphore_mem>>)
          } else {
          }
          "tpu.region"() ({
            %run_scoped3A_100 = tpu.sem_alloc : memref<!tpu.dma_semaphore, #tpu.memory_space<semaphore_mem>>
            %dma_start3A_101 = arith.constant 0 : i32
            %dma_start3A_102 = tpu.memref_slice %arg10[%scan3A_53, %dma_start3A_101] : memref<63x80xi32, #tpu.memory_space<vmem>> -> memref<1x80xi32, #tpu.memory_space<vmem>>
            %dma_start3A_103 = tpu.memref_squeeze %dma_start3A_102 : memref<1x80xi32, #tpu.memory_space<vmem>> -> memref<80xi32, #tpu.memory_space<vmem>>
            %dma_start3A_104 = arith.constant 0 : i32
            %dma_start3A_105 = arith.constant 0 : i32
            %dma_start3A_106 = tpu.memref_slice %arg13[%dma_start3A_104, %dma_start3A_105] : memref<10000x128xf32, #tpu.memory_space<vmem_shared>> -> memref<10000x128xf32, #tpu.memory_space<vmem_shared>>
            tpu.enqueue_indirect_dma source(%arg11 : memref<80x128xf32, #tpu.memory_space<vmem>>) target(%dma_start3A_106 : memref<10000x128xf32, #tpu.memory_space<vmem_shared>>) offsets(%dma_start3A_103 : memref<80xi32, #tpu.memory_space<vmem>>) semaphore(%run_scoped3A_100 : memref<!tpu.dma_semaphore, #tpu.memory_space<semaphore_mem>>) {add = true}
            %dma_wait3A_107 = arith.constant 0 : i32
            %dma_wait3A_108 = tpu.memref_slice %arg10[%scan3A_53, %dma_wait3A_107] : memref<63x80xi32, #tpu.memory_space<vmem>> -> memref<1x80xi32, #tpu.memory_space<vmem>>
            %dma_wait3A_109 = tpu.memref_squeeze %dma_wait3A_108 : memref<1x80xi32, #tpu.memory_space<vmem>> -> memref<80xi32, #tpu.memory_space<vmem>>
            %dma_wait3A_110 = arith.constant 0 : i32
            %dma_wait3A_111 = arith.constant 0 : i32
            %dma_wait3A_112 = tpu.memref_slice %arg13[%dma_wait3A_110, %dma_wait3A_111] : memref<10000x128xf32, #tpu.memory_space<vmem_shared>> -> memref<10000x128xf32, #tpu.memory_space<vmem_shared>>
            tpu.wait_indirect_dma semaphore(%run_scoped3A_100 : memref<!tpu.dma_semaphore, #tpu.memory_space<semaphore_mem>>) src(%arg11 : memref<80x128xf32, #tpu.memory_space<vmem>>) dst(%dma_wait3A_112 : memref<10000x128xf32, #tpu.memory_space<vmem_shared>>)
            tpu.yield
          }) : () -> ()
        } else {
        }
        %jit3A_69 = arith.constant 2 : i32
        %eq3A_70 = arith.constant 0 : i32
        %eq3A_71 = arith.cmpi eq, %jit3A_69, %eq3A_70 : i32
        %jit3A_72 = arith.constant 1 : i32
        %select_n3A_73 = arith.select %eq3A_71, %jit3A_72, %jit3A_69 : i32
        %rem3A_74 = arith.remsi %scan3A_53, %select_n3A_73 : i32
        %ne3A_75 = arith.constant 0 : i32
        %ne3A_76 = arith.cmpi ne, %rem3A_74, %ne3A_75 : i32
        %lt3A_77 = arith.constant 0 : i32
        %lt3A_78 = arith.cmpi slt, %rem3A_74, %lt3A_77 : i32
        %lt3A_79 = arith.constant 0 : i32
        %lt3A_80 = arith.cmpi slt, %select_n3A_73, %lt3A_79 : i32
        %ne3A_81 = arith.xori %lt3A_78, %lt3A_80 : i1
        %and3A_82 = arith.andi %ne3A_81, %ne3A_76 : i1
        %add3A_83 = arith.addi %rem3A_74, %select_n3A_73 : i32
        %select_n3A_84 = arith.select %and3A_82, %add3A_83, %rem3A_74 : i32
        %eq3A_85 = arith.constant 1 : i32
        %eq3A_86 = arith.cmpi eq, %select_n3A_84, %eq3A_85 : i32
        %convert_element_type3A_87 = arith.extui %eq3A_86 : i1 to i32
        %cond3A_88 = arith.constant 0 : i32
        %cond3A_89 = arith.cmpi ne, %convert_element_type3A_87, %cond3A_88 : i32
        scf.if %cond3A_89 {
          %dma_wait3A = arith.constant 0 : i32
          %dma_wait3A_90 = tpu.memref_slice %arg9[%scan3A_53, %dma_wait3A] : memref<63x80xi32, #tpu.memory_space<vmem>> -> memref<1x80xi32, #tpu.memory_space<vmem>>
          %dma_wait3A_91 = tpu.memref_squeeze %dma_wait3A_90 : memref<1x80xi32, #tpu.memory_space<vmem>> -> memref<80xi32, #tpu.memory_space<vmem>>
          %dma_wait3A_92 = arith.constant 0 : i32
          %dma_wait3A_93 = arith.constant 0 : i32
          %dma_wait3A_94 = tpu.memref_slice %arg4[%dma_wait3A_92, %dma_wait3A_93] : memref<10000x128xf32, #tpu.memory_space<hbm>> -> memref<10000x128xf32, #tpu.memory_space<hbm>>
          tpu.wait_indirect_dma semaphore(%arg14 : memref<!tpu.dma_semaphore, #tpu.memory_space<semaphore_mem>>) src(%dma_wait3A_94 : memref<10000x128xf32, #tpu.memory_space<hbm>>) dst(%arg12 : memref<80x128xf32, #tpu.memory_space<vmem>>)
          %lt3A_95 = arith.constant 61 : i32
          %lt3A_96 = arith.cmpi slt, %scan3A_53, %lt3A_95 : i32
          %convert_element_type3A_97 = arith.extui %lt3A_96 : i1 to i32
          %cond3A_98 = arith.constant 0 : i32
          %cond3A_99 = arith.cmpi ne, %convert_element_type3A_97, %cond3A_98 : i32
          scf.if %cond3A_99 {
            %add3A_100 = arith.constant 1 : i32
            %add3A_101 = arith.addi %scan3A_53, %add3A_100 : i32
            %dma_start3A_102 = arith.constant 0 : i32
            %dma_start3A_103 = tpu.memref_slice %arg9[%add3A_101, %dma_start3A_102] : memref<63x80xi32, #tpu.memory_space<vmem>> -> memref<1x80xi32, #tpu.memory_space<vmem>>
            %dma_start3A_104 = tpu.memref_squeeze %dma_start3A_103 : memref<1x80xi32, #tpu.memory_space<vmem>> -> memref<80xi32, #tpu.memory_space<vmem>>
            %dma_start3A_105 = arith.constant 0 : i32
            %dma_start3A_106 = arith.constant 0 : i32
            %dma_start3A_107 = tpu.memref_slice %arg4[%dma_start3A_105, %dma_start3A_106] : memref<10000x128xf32, #tpu.memory_space<hbm>> -> memref<10000x128xf32, #tpu.memory_space<hbm>>
            tpu.enqueue_indirect_dma source(%dma_start3A_107 : memref<10000x128xf32, #tpu.memory_space<hbm>>) target(%arg11 : memref<80x128xf32, #tpu.memory_space<vmem>>) offsets(%dma_start3A_104 : memref<80xi32, #tpu.memory_space<vmem>>) semaphore(%arg14 : memref<!tpu.dma_semaphore, #tpu.memory_space<semaphore_mem>>)
          } else {
          }
          "tpu.region"() ({
            %run_scoped3A_100 = tpu.sem_alloc : memref<!tpu.dma_semaphore, #tpu.memory_space<semaphore_mem>>
            %dma_start3A_101 = arith.constant 0 : i32
            %dma_start3A_102 = tpu.memref_slice %arg10[%scan3A_53, %dma_start3A_101] : memref<63x80xi32, #tpu.memory_space<vmem>> -> memref<1x80xi32, #tpu.memory_space<vmem>>
            %dma_start3A_103 = tpu.memref_squeeze %dma_start3A_102 : memref<1x80xi32, #tpu.memory_space<vmem>> -> memref<80xi32, #tpu.memory_space<vmem>>
            %dma_start3A_104 = arith.constant 0 : i32
            %dma_start3A_105 = arith.constant 0 : i32
            %dma_start3A_106 = tpu.memref_slice %arg13[%dma_start3A_104, %dma_start3A_105] : memref<10000x128xf32, #tpu.memory_space<vmem_shared>> -> memref<10000x128xf32, #tpu.memory_space<vmem_shared>>
            tpu.enqueue_indirect_dma source(%arg12 : memref<80x128xf32, #tpu.memory_space<vmem>>) target(%dma_start3A_106 : memref<10000x128xf32, #tpu.memory_space<vmem_shared>>) offsets(%dma_start3A_103 : memref<80xi32, #tpu.memory_space<vmem>>) semaphore(%run_scoped3A_100 : memref<!tpu.dma_semaphore, #tpu.memory_space<semaphore_mem>>) {add = true}
            %dma_wait3A_107 = arith.constant 0 : i32
            %dma_wait3A_108 = tpu.memref_slice %arg10[%scan3A_53, %dma_wait3A_107] : memref<63x80xi32, #tpu.memory_space<vmem>> -> memref<1x80xi32, #tpu.memory_space<vmem>>
            %dma_wait3A_109 = tpu.memref_squeeze %dma_wait3A_108 : memref<1x80xi32, #tpu.memory_space<vmem>> -> memref<80xi32, #tpu.memory_space<vmem>>
            %dma_wait3A_110 = arith.constant 0 : i32
            %dma_wait3A_111 = arith.constant 0 : i32
            %dma_wait3A_112 = tpu.memref_slice %arg13[%dma_wait3A_110, %dma_wait3A_111] : memref<10000x128xf32, #tpu.memory_space<vmem_shared>> -> memref<10000x128xf32, #tpu.memory_space<vmem_shared>>
            tpu.wait_indirect_dma semaphore(%run_scoped3A_100 : memref<!tpu.dma_semaphore, #tpu.memory_space<semaphore_mem>>) src(%arg12 : memref<80x128xf32, #tpu.memory_space<vmem>>) dst(%dma_wait3A_112 : memref<10000x128xf32, #tpu.memory_space<vmem_shared>>)
            tpu.yield
          }) : () -> ()
        } else {
        }
      }
      %scan3A_52 = arith.constant 62 : i32
    } else {
    }
    %barrier3A_8 = arith.constant 0 : index
    tpu.barrier barrier_id(%barrier3A_8)
    %eq3A_9 = arith.constant 0 : i32
    %eq3A_10 = arith.cmpi eq, %arg0, %eq3A_9 : i32
    %convert_element_type3A_11 = arith.extui %eq3A_10 : i1 to i32
    %cond3A_12 = arith.constant 0 : i32
    %cond3A_13 = arith.cmpi ne, %convert_element_type3A_11, %cond3A_12 : i32
    scf.if %cond3A_13 {
      "tpu.region"() ({
        %run_scoped3A = tpu.sem_alloc : memref<!tpu.dma_semaphore, #tpu.memory_space<semaphore_mem>>
        %dma_start3A = arith.constant 0 : i32
        %dma_start3A_19 = tpu.memref_slice %arg7[%mul3A_0, %dma_start3A] : memref<10000x128xf32, #tpu.memory_space<hbm>> -> memref<625x128xf32, #tpu.memory_space<hbm>>
        %dma_start3A_20 = arith.constant 0 : i32
        %dma_start3A_21 = tpu.memref_slice %arg13[%mul3A_0, %dma_start3A_20] : memref<10000x128xf32, #tpu.memory_space<vmem_shared>> -> memref<625x128xf32, #tpu.memory_space<vmem_shared>>
        tpu.enqueue_dma source(%dma_start3A_21 : memref<625x128xf32, #tpu.memory_space<vmem_shared>>) target(%dma_start3A_19 : memref<625x128xf32, #tpu.memory_space<hbm>>) target_semaphore(%run_scoped3A : memref<!tpu.dma_semaphore, #tpu.memory_space<semaphore_mem>>)
        %dma_wait3A = arith.constant 0 : i32
        %dma_wait3A_22 = tpu.memref_slice %arg7[%mul3A_0, %dma_wait3A] : memref<10000x128xf32, #tpu.memory_space<hbm>> -> memref<625x128xf32, #tpu.memory_space<hbm>>
        %dma_wait3A_23 = arith.constant 0 : i32
        %dma_wait3A_24 = tpu.memref_slice %arg13[%mul3A_0, %dma_wait3A_23] : memref<10000x128xf32, #tpu.memory_space<vmem_shared>> -> memref<625x128xf32, #tpu.memory_space<vmem_shared>>
        tpu.wait_dma2 semaphore(%run_scoped3A : memref<!tpu.dma_semaphore, #tpu.memory_space<semaphore_mem>>) src(%dma_wait3A_24 : memref<625x128xf32, #tpu.memory_space<vmem_shared>>) dst(%dma_wait3A_22 : memref<625x128xf32, #tpu.memory_space<hbm>>)
        tpu.yield
      }) : () -> ()
    } else {
    }
    %eq3A_14 = arith.constant 1 : i32
    %eq3A_15 = arith.cmpi eq, %arg0, %eq3A_14 : i32
    %convert_element_type3A_16 = arith.extui %eq3A_15 : i1 to i32
    %cond3A_17 = arith.constant 0 : i32
    %cond3A_18 = arith.cmpi ne, %convert_element_type3A_16, %cond3A_17 : i32
    scf.if %cond3A_18 {
      "tpu.region"() ({
        %run_scoped3A = tpu.sem_alloc : memref<!tpu.dma_semaphore, #tpu.memory_space<semaphore_mem>>
        %dma_start3A = arith.constant 0 : i32
        %dma_start3A_19 = tpu.memref_slice %arg8[%mul3A_0, %dma_start3A] : memref<10000x128xf32, #tpu.memory_space<hbm>> -> memref<625x128xf32, #tpu.memory_space<hbm>>
        %dma_start3A_20 = arith.constant 0 : i32
        %dma_start3A_21 = tpu.memref_slice %arg13[%mul3A_0, %dma_start3A_20] : memref<10000x128xf32, #tpu.memory_space<vmem_shared>> -> memref<625x128xf32, #tpu.memory_space<vmem_shared>>
        tpu.enqueue_dma source(%dma_start3A_21 : memref<625x128xf32, #tpu.memory_space<vmem_shared>>) target(%dma_start3A_19 : memref<625x128xf32, #tpu.memory_space<hbm>>) target_semaphore(%run_scoped3A : memref<!tpu.dma_semaphore, #tpu.memory_space<semaphore_mem>>)
        %dma_wait3A = arith.constant 0 : i32
        %dma_wait3A_22 = tpu.memref_slice %arg8[%mul3A_0, %dma_wait3A] : memref<10000x128xf32, #tpu.memory_space<hbm>> -> memref<625x128xf32, #tpu.memory_space<hbm>>
        %dma_wait3A_23 = arith.constant 0 : i32
        %dma_wait3A_24 = tpu.memref_slice %arg13[%mul3A_0, %dma_wait3A_23] : memref<10000x128xf32, #tpu.memory_space<vmem_shared>> -> memref<625x128xf32, #tpu.memory_space<vmem_shared>>
        tpu.wait_dma2 semaphore(%run_scoped3A : memref<!tpu.dma_semaphore, #tpu.memory_space<semaphore_mem>>) src(%dma_wait3A_24 : memref<625x128xf32, #tpu.memory_space<vmem_shared>>) dst(%dma_wait3A_22 : memref<625x128xf32, #tpu.memory_space<hbm>>)
        tpu.yield
      }) : () -> ()
    } else {
    }
    return
  }
}

module attributes {stable_mosaic.version = 14 : i64} {
  func.func @_pos_mlp_body(%arg0: i32, %arg1: memref<2000x256xf32, #tpu.memory_space<vmem>>, %arg2: memref<256x128xf32, #tpu.memory_space<vmem>>, %arg3: memref<1x128xf32, #tpu.memory_space<vmem>>, %arg4: memref<128x128xf32, #tpu.memory_space<vmem>>, %arg5: memref<1x128xf32, #tpu.memory_space<vmem>>, %arg6: memref<128x64xf32, #tpu.memory_space<vmem>>, %arg7: memref<1x64xf32, #tpu.memory_space<vmem>>, %arg8: memref<64x32xf32, #tpu.memory_space<vmem>>, %arg9: memref<1x32xf32, #tpu.memory_space<vmem>>, %arg10: memref<2000x32xf32, #tpu.memory_space<vmem>>) attributes {dimension_semantics = [#tpu.dimension_semantics<arbitrary>], iteration_bounds = array<i64: 5>, scalar_prefetch = 0 : i64, scratch_operands = 0 : i64, tpu.core_type = #tpu.core_type<tc>, window_params = [{transform_indices = @transform_0, window_bounds = array<i64: 2000, 256>}, {pipeline_mode = #tpu.pipeline_mode<synchronous>, transform_indices = @transform_1, window_bounds = array<i64: 256, 128>}, {pipeline_mode = #tpu.pipeline_mode<synchronous>, transform_indices = @transform_2, window_bounds = array<i64: 1, 128>}, {pipeline_mode = #tpu.pipeline_mode<synchronous>, transform_indices = @transform_3, window_bounds = array<i64: 128, 128>}, {pipeline_mode = #tpu.pipeline_mode<synchronous>, transform_indices = @transform_4, window_bounds = array<i64: 1, 128>}, {pipeline_mode = #tpu.pipeline_mode<synchronous>, transform_indices = @transform_5, window_bounds = array<i64: 128, 64>}, {pipeline_mode = #tpu.pipeline_mode<synchronous>, transform_indices = @transform_6, window_bounds = array<i64: 1, 64>}, {pipeline_mode = #tpu.pipeline_mode<synchronous>, transform_indices = @transform_7, window_bounds = array<i64: 64, 32>}, {pipeline_mode = #tpu.pipeline_mode<synchronous>, transform_indices = @transform_8, window_bounds = array<i64: 1, 32>}, {transform_indices = @transform_9, window_bounds = array<i64: 2000, 32>}]} {
    %get3A = arith.constant 0 : index
    %get3A_0 = arith.constant 0 : index
    %get3A_1 = vector.load %arg1[%get3A, %get3A_0] : memref<2000x256xf32, #tpu.memory_space<vmem>>, vector<2000x256xf32>
    %get3A_2 = arith.constant 0 : index
    %get3A_3 = arith.constant 0 : index
    %get3A_4 = vector.load %arg2[%get3A_2, %get3A_3] : memref<256x128xf32, #tpu.memory_space<vmem>>, vector<256x128xf32>
    %dot_general3A = arith.constant dense<0.000000e+00> : vector<2000x128xf32>
    %dot_general3A_5 = tpu.matmul %get3A_1, %get3A_4, %dot_general3A {dimension_numbers = #tpu.dot_dimension_numbers<[1], [0], [0], [1], [0, 0, 1, 1], [], []>, transpose_lhs_hint = false} : vector<2000x256xf32>, vector<256x128xf32>, vector<2000x128xf32> -> vector<2000x128xf32>
    %get3A_6 = arith.constant 0 : index
    %get3A_7 = arith.constant 0 : index
    %get3A_8 = vector.load %arg3[%get3A_6, %get3A_7] : memref<1x128xf32, #tpu.memory_space<vmem>>, vector<1x128xf32>
    %add3A = vector.broadcast %get3A_8 : vector<1x128xf32> to vector<2000x128xf32>
    %add3A_9 = arith.addf %dot_general3A_5, %add3A : vector<2000x128xf32>
    %max3A = arith.constant 0.000000e+00 : f32
    %max3A_10 = vector.broadcast %max3A : f32 to vector<2000x128xf32>
    %max3A_11 = arith.maximumf %add3A_9, %max3A_10 : vector<2000x128xf32>
    %get3A_12 = arith.constant 0 : index
    %get3A_13 = arith.constant 0 : index
    %get3A_14 = vector.load %arg4[%get3A_12, %get3A_13] : memref<128x128xf32, #tpu.memory_space<vmem>>, vector<128x128xf32>
    %dot_general3A_15 = arith.constant dense<0.000000e+00> : vector<2000x128xf32>
    %dot_general3A_16 = tpu.matmul %max3A_11, %get3A_14, %dot_general3A_15 {dimension_numbers = #tpu.dot_dimension_numbers<[1], [0], [0], [1], [0, 0, 1, 1], [], []>, transpose_lhs_hint = false} : vector<2000x128xf32>, vector<128x128xf32>, vector<2000x128xf32> -> vector<2000x128xf32>
    %get3A_17 = arith.constant 0 : index
    %get3A_18 = arith.constant 0 : index
    %get3A_19 = vector.load %arg5[%get3A_17, %get3A_18] : memref<1x128xf32, #tpu.memory_space<vmem>>, vector<1x128xf32>
    %add3A_20 = vector.broadcast %get3A_19 : vector<1x128xf32> to vector<2000x128xf32>
    %add3A_21 = arith.addf %dot_general3A_16, %add3A_20 : vector<2000x128xf32>
    %max3A_22 = arith.constant 0.000000e+00 : f32
    %max3A_23 = vector.broadcast %max3A_22 : f32 to vector<2000x128xf32>
    %max3A_24 = arith.maximumf %add3A_21, %max3A_23 : vector<2000x128xf32>
    %get3A_25 = arith.constant 0 : index
    %get3A_26 = arith.constant 0 : index
    %get3A_27 = vector.load %arg6[%get3A_25, %get3A_26] : memref<128x64xf32, #tpu.memory_space<vmem>>, vector<128x64xf32>
    %dot_general3A_28 = arith.constant dense<0.000000e+00> : vector<2000x64xf32>
    %dot_general3A_29 = tpu.matmul %max3A_24, %get3A_27, %dot_general3A_28 {dimension_numbers = #tpu.dot_dimension_numbers<[1], [0], [0], [1], [0, 0, 1, 1], [], []>, transpose_lhs_hint = false} : vector<2000x128xf32>, vector<128x64xf32>, vector<2000x64xf32> -> vector<2000x64xf32>
    %get3A_30 = arith.constant 0 : index
    %get3A_31 = arith.constant 0 : index
    %get3A_32 = vector.load %arg7[%get3A_30, %get3A_31] : memref<1x64xf32, #tpu.memory_space<vmem>>, vector<1x64xf32>
    %add3A_33 = vector.broadcast %get3A_32 : vector<1x64xf32> to vector<2000x64xf32>
    %add3A_34 = arith.addf %dot_general3A_29, %add3A_33 : vector<2000x64xf32>
    %max3A_35 = arith.constant 0.000000e+00 : f32
    %max3A_36 = vector.broadcast %max3A_35 : f32 to vector<2000x64xf32>
    %max3A_37 = arith.maximumf %add3A_34, %max3A_36 : vector<2000x64xf32>
    %get3A_38 = arith.constant 0 : index
    %get3A_39 = arith.constant 0 : index
    %get3A_40 = vector.load %arg8[%get3A_38, %get3A_39] : memref<64x32xf32, #tpu.memory_space<vmem>>, vector<64x32xf32>
    %dot_general3A_41 = arith.constant dense<0.000000e+00> : vector<2000x32xf32>
    %dot_general3A_42 = tpu.matmul %max3A_37, %get3A_40, %dot_general3A_41 {dimension_numbers = #tpu.dot_dimension_numbers<[1], [0], [0], [1], [0, 0, 1, 1], [], []>, transpose_lhs_hint = false} : vector<2000x64xf32>, vector<64x32xf32>, vector<2000x32xf32> -> vector<2000x32xf32>
    %get3A_43 = arith.constant 0 : index
    %get3A_44 = arith.constant 0 : index
    %get3A_45 = vector.load %arg9[%get3A_43, %get3A_44] : memref<1x32xf32, #tpu.memory_space<vmem>>, vector<1x32xf32>
    %add3A_46 = vector.broadcast %get3A_45 : vector<1x32xf32> to vector<2000x32xf32>
    %add3A_47 = arith.addf %dot_general3A_42, %add3A_46 : vector<2000x32xf32>
    %swap3A = arith.constant 0 : index
    %swap3A_48 = arith.constant 0 : index
    %swap3A_49 = vector.load %arg10[%swap3A, %swap3A_48] : memref<2000x32xf32, #tpu.memory_space<vmem>>, vector<2000x32xf32>
    tpu.vector_store %arg10[%swap3A, %swap3A_48], %add3A_47 {strides = array<i32>} : memref<2000x32xf32, #tpu.memory_space<vmem>>, vector<2000x32xf32>,
    return
  }
  func.func @transform_0(%arg0: i32) -> (i32, i32) {
    %c0_i32 = arith.constant 0 : i32
    %c0_i32_0 = arith.constant 0 : i32
    return %arg0, %c0_i32 : i32, i32
  }
  func.func @transform_1(%arg0: i32) -> (i32, i32) {
    %c0_i32 = arith.constant 0 : i32
    %c0_i32_0 = arith.constant 0 : i32
    %c0_i32_1 = arith.constant 0 : i32
    return %c0_i32, %c0_i32_0 : i32, i32
  }
  func.func @transform_2(%arg0: i32) -> (i32, i32) {
    %c0_i32 = arith.constant 0 : i32
    %c0_i32_0 = arith.constant 0 : i32
    %c0_i32_1 = arith.constant 0 : i32
    return %c0_i32, %c0_i32_0 : i32, i32
  }
  func.func @transform_3(%arg0: i32) -> (i32, i32) {
    %c0_i32 = arith.constant 0 : i32
    %c0_i32_0 = arith.constant 0 : i32
    %c0_i32_1 = arith.constant 0 : i32
    return %c0_i32, %c0_i32_0 : i32, i32
  }
  func.func @transform_4(%arg0: i32) -> (i32, i32) {
    %c0_i32 = arith.constant 0 : i32
    %c0_i32_0 = arith.constant 0 : i32
    %c0_i32_1 = arith.constant 0 : i32
    return %c0_i32, %c0_i32_0 : i32, i32
  }
  func.func @transform_5(%arg0: i32) -> (i32, i32) {
    %c0_i32 = arith.constant 0 : i32
    %c0_i32_0 = arith.constant 0 : i32
    %c0_i32_1 = arith.constant 0 : i32
    return %c0_i32, %c0_i32_0 : i32, i32
  }
  func.func @transform_6(%arg0: i32) -> (i32, i32) {
    %c0_i32 = arith.constant 0 : i32
    %c0_i32_0 = arith.constant 0 : i32
    %c0_i32_1 = arith.constant 0 : i32
    return %c0_i32, %c0_i32_0 : i32, i32
  }
  func.func @transform_7(%arg0: i32) -> (i32, i32) {
    %c0_i32 = arith.constant 0 : i32
    %c0_i32_0 = arith.constant 0 : i32
    %c0_i32_1 = arith.constant 0 : i32
    return %c0_i32, %c0_i32_0 : i32, i32
  }
  func.func @transform_8(%arg0: i32) -> (i32, i32) {
    %c0_i32 = arith.constant 0 : i32
    %c0_i32_0 = arith.constant 0 : i32
    %c0_i32_1 = arith.constant 0 : i32
    return %c0_i32, %c0_i32_0 : i32, i32
  }
  func.func @transform_9(%arg0: i32) -> (i32, i32) {
    %c0_i32 = arith.constant 0 : i32
    %c0_i32_0 = arith.constant 0 : i32
    return %arg0, %c0_i32 : i32, i32
  }
}

module attributes {stable_mosaic.version = 14 : i64} {
  func.func @_mm1_body(%arg0: i32, %arg1: memref<2000x160xf32, #tpu.memory_space<vmem>>, %arg2: memref<160x512xf32, #tpu.memory_space<vmem>>, %arg3: memref<1x512xf32, #tpu.memory_space<vmem>>, %arg4: memref<2000x512xf32, #tpu.memory_space<vmem>>) attributes {dimension_semantics = [#tpu.dimension_semantics<arbitrary>], iteration_bounds = array<i64: 5>, scalar_prefetch = 0 : i64, scratch_operands = 0 : i64, tpu.core_type = #tpu.core_type<tc>, window_params = [{transform_indices = @transform_0, window_bounds = array<i64: 2000, 160>}, {pipeline_mode = #tpu.pipeline_mode<synchronous>, transform_indices = @transform_1, window_bounds = array<i64: 160, 512>}, {pipeline_mode = #tpu.pipeline_mode<synchronous>, transform_indices = @transform_2, window_bounds = array<i64: 1, 512>}, {transform_indices = @transform_3, window_bounds = array<i64: 2000, 512>}]} {
    %get3A = arith.constant 0 : index
    %get3A_0 = arith.constant 0 : index
    %get3A_1 = vector.load %arg1[%get3A, %get3A_0] : memref<2000x160xf32, #tpu.memory_space<vmem>>, vector<2000x160xf32>
    %get3A_2 = arith.constant 0 : index
    %get3A_3 = arith.constant 0 : index
    %get3A_4 = vector.load %arg2[%get3A_2, %get3A_3] : memref<160x512xf32, #tpu.memory_space<vmem>>, vector<160x512xf32>
    %dot_general3A = arith.constant dense<0.000000e+00> : vector<2000x512xf32>
    %dot_general3A_5 = tpu.matmul %get3A_1, %get3A_4, %dot_general3A {dimension_numbers = #tpu.dot_dimension_numbers<[1], [0], [0], [1], [0, 0, 1, 1], [], []>, transpose_lhs_hint = false} : vector<2000x160xf32>, vector<160x512xf32>, vector<2000x512xf32> -> vector<2000x512xf32>
    %get3A_6 = arith.constant 0 : index
    %get3A_7 = arith.constant 0 : index
    %get3A_8 = vector.load %arg3[%get3A_6, %get3A_7] : memref<1x512xf32, #tpu.memory_space<vmem>>, vector<1x512xf32>
    %add3A = vector.broadcast %get3A_8 : vector<1x512xf32> to vector<2000x512xf32>
    %add3A_9 = arith.addf %dot_general3A_5, %add3A : vector<2000x512xf32>
    %swap3A = arith.constant 0 : index
    %swap3A_10 = arith.constant 0 : index
    %swap3A_11 = vector.load %arg4[%swap3A, %swap3A_10] : memref<2000x512xf32, #tpu.memory_space<vmem>>, vector<2000x512xf32>
    tpu.vector_store %arg4[%swap3A, %swap3A_10], %add3A_9 {strides = array<i32>} : memref<2000x512xf32, #tpu.memory_space<vmem>>, vector<2000x512xf32>,
    return
  }
  func.func @transform_0(%arg0: i32) -> (i32, i32) {
    %c0_i32 = arith.constant 0 : i32
    %c0_i32_0 = arith.constant 0 : i32
    return %arg0, %c0_i32 : i32, i32
  }
  func.func @transform_1(%arg0: i32) -> (i32, i32) {
    %c0_i32 = arith.constant 0 : i32
    %c0_i32_0 = arith.constant 0 : i32
    %c0_i32_1 = arith.constant 0 : i32
    return %c0_i32, %c0_i32_0 : i32, i32
  }
  func.func @transform_2(%arg0: i32) -> (i32, i32) {
    %c0_i32 = arith.constant 0 : i32
    %c0_i32_0 = arith.constant 0 : i32
    %c0_i32_1 = arith.constant 0 : i32
    return %c0_i32, %c0_i32_0 : i32, i32
  }
  func.func @transform_3(%arg0: i32) -> (i32, i32) {
    %c0_i32 = arith.constant 0 : i32
    %c0_i32_0 = arith.constant 0 : i32
    return %arg0, %c0_i32 : i32, i32
  }
}

module attributes {stable_mosaic.version = 14 : i64} {
  func.func @_mm1_body(%arg0: i32, %arg1: memref<2000x512xf32, #tpu.memory_space<vmem>>, %arg2: memref<512x256xf32, #tpu.memory_space<vmem>>, %arg3: memref<1x256xf32, #tpu.memory_space<vmem>>, %arg4: memref<2000x256xf32, #tpu.memory_space<vmem>>) attributes {dimension_semantics = [#tpu.dimension_semantics<arbitrary>], iteration_bounds = array<i64: 5>, scalar_prefetch = 0 : i64, scratch_operands = 0 : i64, tpu.core_type = #tpu.core_type<tc>, window_params = [{transform_indices = @transform_0, window_bounds = array<i64: 2000, 512>}, {pipeline_mode = #tpu.pipeline_mode<synchronous>, transform_indices = @transform_1, window_bounds = array<i64: 512, 256>}, {pipeline_mode = #tpu.pipeline_mode<synchronous>, transform_indices = @transform_2, window_bounds = array<i64: 1, 256>}, {transform_indices = @transform_3, window_bounds = array<i64: 2000, 256>}]} {
    %get3A = arith.constant 0 : index
    %get3A_0 = arith.constant 0 : index
    %get3A_1 = vector.load %arg1[%get3A, %get3A_0] : memref<2000x512xf32, #tpu.memory_space<vmem>>, vector<2000x512xf32>
    %get3A_2 = arith.constant 0 : index
    %get3A_3 = arith.constant 0 : index
    %get3A_4 = vector.load %arg2[%get3A_2, %get3A_3] : memref<512x256xf32, #tpu.memory_space<vmem>>, vector<512x256xf32>
    %dot_general3A = arith.constant dense<0.000000e+00> : vector<2000x256xf32>
    %dot_general3A_5 = tpu.matmul %get3A_1, %get3A_4, %dot_general3A {dimension_numbers = #tpu.dot_dimension_numbers<[1], [0], [0], [1], [0, 0, 1, 1], [], []>, transpose_lhs_hint = false} : vector<2000x512xf32>, vector<512x256xf32>, vector<2000x256xf32> -> vector<2000x256xf32>
    %get3A_6 = arith.constant 0 : index
    %get3A_7 = arith.constant 0 : index
    %get3A_8 = vector.load %arg3[%get3A_6, %get3A_7] : memref<1x256xf32, #tpu.memory_space<vmem>>, vector<1x256xf32>
    %add3A = vector.broadcast %get3A_8 : vector<1x256xf32> to vector<2000x256xf32>
    %add3A_9 = arith.addf %dot_general3A_5, %add3A : vector<2000x256xf32>
    %swap3A = arith.constant 0 : index
    %swap3A_10 = arith.constant 0 : index
    %swap3A_11 = vector.load %arg4[%swap3A, %swap3A_10] : memref<2000x256xf32, #tpu.memory_space<vmem>>, vector<2000x256xf32>
    tpu.vector_store %arg4[%swap3A, %swap3A_10], %add3A_9 {strides = array<i32>} : memref<2000x256xf32, #tpu.memory_space<vmem>>, vector<2000x256xf32>,
    return
  }
  func.func @transform_0(%arg0: i32) -> (i32, i32) {
    %c0_i32 = arith.constant 0 : i32
    %c0_i32_0 = arith.constant 0 : i32
    return %arg0, %c0_i32 : i32, i32
  }
  func.func @transform_1(%arg0: i32) -> (i32, i32) {
    %c0_i32 = arith.constant 0 : i32
    %c0_i32_0 = arith.constant 0 : i32
    %c0_i32_1 = arith.constant 0 : i32
    return %c0_i32, %c0_i32_0 : i32, i32
  }
  func.func @transform_2(%arg0: i32) -> (i32, i32) {
    %c0_i32 = arith.constant 0 : i32
    %c0_i32_0 = arith.constant 0 : i32
    %c0_i32_1 = arith.constant 0 : i32
    return %c0_i32, %c0_i32_0 : i32, i32
  }
  func.func @transform_3(%arg0: i32) -> (i32, i32) {
    %c0_i32 = arith.constant 0 : i32
    %c0_i32_0 = arith.constant 0 : i32
    return %arg0, %c0_i32 : i32, i32
  }
}

module attributes {stable_mosaic.version = 14 : i64} {
  func.func @_edge_mats_body(%arg0: i32, %arg1: memref<2000x256xf32, #tpu.memory_space<vmem>>, %arg2: memref<256x128xf32, #tpu.memory_space<vmem>>, %arg3: memref<256x128xf32, #tpu.memory_space<vmem>>, %arg4: memref<256x128xf32, #tpu.memory_space<vmem>>, %arg5: memref<1x128xf32, #tpu.memory_space<vmem>>, %arg6: memref<2000x144xf32, #tpu.memory_space<vmem>>, %arg7: memref<2000x144xf32, #tpu.memory_space<vmem>>, %arg8: memref<2000x128xf32, #tpu.memory_space<vmem>>) attributes {dimension_semantics = [#tpu.dimension_semantics<arbitrary>], iteration_bounds = array<i64: 5>, scalar_prefetch = 0 : i64, scratch_operands = 0 : i64, tpu.core_type = #tpu.core_type<tc>, window_params = [{transform_indices = @transform_0, window_bounds = array<i64: 2000, 256>}, {pipeline_mode = #tpu.pipeline_mode<synchronous>, transform_indices = @transform_1, window_bounds = array<i64: 256, 128>}, {pipeline_mode = #tpu.pipeline_mode<synchronous>, transform_indices = @transform_2, window_bounds = array<i64: 256, 128>}, {pipeline_mode = #tpu.pipeline_mode<synchronous>, transform_indices = @transform_3, window_bounds = array<i64: 256, 128>}, {pipeline_mode = #tpu.pipeline_mode<synchronous>, transform_indices = @transform_4, window_bounds = array<i64: 1, 128>}, {transform_indices = @transform_5, window_bounds = array<i64: 2000, 144>}, {transform_indices = @transform_6, window_bounds = array<i64: 2000, 144>}, {transform_indices = @transform_7, window_bounds = array<i64: 2000, 128>}]} {
    %get3A = arith.constant 0 : index
    %get3A_0 = arith.constant 0 : index
    %get3A_1 = vector.load %arg1[%get3A, %get3A_0] : memref<2000x256xf32, #tpu.memory_space<vmem>>, vector<2000x256xf32>
    %broadcast_in_dim3A = arith.constant 1.000000e+00 : f32
    %broadcast_in_dim3A_2 = vector.broadcast %broadcast_in_dim3A : f32 to vector<2000x16xf32>
    %get3A_3 = arith.constant 0 : index
    %get3A_4 = arith.constant 0 : index
    %get3A_5 = vector.load %arg2[%get3A_3, %get3A_4] : memref<256x128xf32, #tpu.memory_space<vmem>>, vector<256x128xf32>
    %dot_general3A = arith.constant dense<0.000000e+00> : vector<2000x128xf32>
    %dot_general3A_6 = tpu.matmul %get3A_1, %get3A_5, %dot_general3A {dimension_numbers = #tpu.dot_dimension_numbers<[1], [0], [0], [1], [0, 0, 1, 1], [], []>, transpose_lhs_hint = false} : vector<2000x256xf32>, vector<256x128xf32>, vector<2000x128xf32> -> vector<2000x128xf32>
    %concatenate3A = tpu.concatenate %dot_general3A_6, %broadcast_in_dim3A_2 in 1 : vector<2000x128xf32>, vector<2000x16xf32> -> vector<2000x144xf32>
    %swap3A = arith.constant 0 : index
    %swap3A_7 = arith.constant 0 : index
    %swap3A_8 = vector.load %arg6[%swap3A, %swap3A_7] : memref<2000x144xf32, #tpu.memory_space<vmem>>, vector<2000x144xf32>
    tpu.vector_store %arg6[%swap3A, %swap3A_7], %concatenate3A {strides = array<i32>} : memref<2000x144xf32, #tpu.memory_space<vmem>>, vector<2000x144xf32>,
    %get3A_9 = arith.constant 0 : index
    %get3A_10 = arith.constant 0 : index
    %get3A_11 = vector.load %arg3[%get3A_9, %get3A_10] : memref<256x128xf32, #tpu.memory_space<vmem>>, vector<256x128xf32>
    %dot_general3A_12 = arith.constant dense<0.000000e+00> : vector<2000x128xf32>
    %dot_general3A_13 = tpu.matmul %get3A_1, %get3A_11, %dot_general3A_12 {dimension_numbers = #tpu.dot_dimension_numbers<[1], [0], [0], [1], [0, 0, 1, 1], [], []>, transpose_lhs_hint = false} : vector<2000x256xf32>, vector<256x128xf32>, vector<2000x128xf32> -> vector<2000x128xf32>
    %concatenate3A_14 = tpu.concatenate %dot_general3A_13, %broadcast_in_dim3A_2 in 1 : vector<2000x128xf32>, vector<2000x16xf32> -> vector<2000x144xf32>
    %swap3A_15 = arith.constant 0 : index
    %swap3A_16 = arith.constant 0 : index
    %swap3A_17 = vector.load %arg7[%swap3A_15, %swap3A_16] : memref<2000x144xf32, #tpu.memory_space<vmem>>, vector<2000x144xf32>
    tpu.vector_store %arg7[%swap3A_15, %swap3A_16], %concatenate3A_14 {strides = array<i32>} : memref<2000x144xf32, #tpu.memory_space<vmem>>, vector<2000x144xf32>,
    %get3A_18 = arith.constant 0 : index
    %get3A_19 = arith.constant 0 : index
    %get3A_20 = vector.load %arg4[%get3A_18, %get3A_19] : memref<256x128xf32, #tpu.memory_space<vmem>>, vector<256x128xf32>
    %dot_general3A_21 = arith.constant dense<0.000000e+00> : vector<2000x128xf32>
    %dot_general3A_22 = tpu.matmul %get3A_1, %get3A_20, %dot_general3A_21 {dimension_numbers = #tpu.dot_dimension_numbers<[1], [0], [0], [1], [0, 0, 1, 1], [], []>, transpose_lhs_hint = false} : vector<2000x256xf32>, vector<256x128xf32>, vector<2000x128xf32> -> vector<2000x128xf32>
    %get3A_23 = arith.constant 0 : index
    %get3A_24 = arith.constant 0 : index
    %get3A_25 = vector.load %arg5[%get3A_23, %get3A_24] : memref<1x128xf32, #tpu.memory_space<vmem>>, vector<1x128xf32>
    %add3A = vector.broadcast %get3A_25 : vector<1x128xf32> to vector<2000x128xf32>
    %add3A_26 = arith.addf %dot_general3A_22, %add3A : vector<2000x128xf32>
    %swap3A_27 = arith.constant 0 : index
    %swap3A_28 = arith.constant 0 : index
    %swap3A_29 = vector.load %arg8[%swap3A_27, %swap3A_28] : memref<2000x128xf32, #tpu.memory_space<vmem>>, vector<2000x128xf32>
    tpu.vector_store %arg8[%swap3A_27, %swap3A_28], %add3A_26 {strides = array<i32>} : memref<2000x128xf32, #tpu.memory_space<vmem>>, vector<2000x128xf32>,
    return
  }
  func.func @transform_0(%arg0: i32) -> (i32, i32) {
    %c0_i32 = arith.constant 0 : i32
    %c0_i32_0 = arith.constant 0 : i32
    return %arg0, %c0_i32 : i32, i32
  }
  func.func @transform_1(%arg0: i32) -> (i32, i32) {
    %c0_i32 = arith.constant 0 : i32
    %c0_i32_0 = arith.constant 0 : i32
    %c0_i32_1 = arith.constant 0 : i32
    return %c0_i32, %c0_i32_0 : i32, i32
  }
  func.func @transform_2(%arg0: i32) -> (i32, i32) {
    %c0_i32 = arith.constant 0 : i32
    %c0_i32_0 = arith.constant 0 : i32
    %c0_i32_1 = arith.constant 0 : i32
    return %c0_i32, %c0_i32_0 : i32, i32
  }
  func.func @transform_3(%arg0: i32) -> (i32, i32) {
    %c0_i32 = arith.constant 0 : i32
    %c0_i32_0 = arith.constant 0 : i32
    %c0_i32_1 = arith.constant 0 : i32
    return %c0_i32, %c0_i32_0 : i32, i32
  }
  func.func @transform_4(%arg0: i32) -> (i32, i32) {
    %c0_i32 = arith.constant 0 : i32
    %c0_i32_0 = arith.constant 0 : i32
    %c0_i32_1 = arith.constant 0 : i32
    return %c0_i32, %c0_i32_0 : i32, i32
  }
  func.func @transform_5(%arg0: i32) -> (i32, i32) {
    %c0_i32 = arith.constant 0 : i32
    %c0_i32_0 = arith.constant 0 : i32
    return %arg0, %c0_i32 : i32, i32
  }
  func.func @transform_6(%arg0: i32) -> (i32, i32) {
    %c0_i32 = arith.constant 0 : i32
    %c0_i32_0 = arith.constant 0 : i32
    return %arg0, %c0_i32 : i32, i32
  }
  func.func @transform_7(%arg0: i32) -> (i32, i32) {
    %c0_i32 = arith.constant 0 : i32
    %c0_i32_0 = arith.constant 0 : i32
    return %arg0, %c0_i32 : i32, i32
  }
}

module attributes {stable_mosaic.version = 14 : i64} {
  func.func @_edge_mats_body(%arg0: i32, %arg1: memref<2000x128xf32, #tpu.memory_space<vmem>>, %arg2: memref<128x128xf32, #tpu.memory_space<vmem>>, %arg3: memref<128x128xf32, #tpu.memory_space<vmem>>, %arg4: memref<128x128xf32, #tpu.memory_space<vmem>>, %arg5: memref<1x128xf32, #tpu.memory_space<vmem>>, %arg6: memref<2000x128xf32, #tpu.memory_space<vmem>>, %arg7: memref<2000x128xf32, #tpu.memory_space<vmem>>, %arg8: memref<2000x128xf32, #tpu.memory_space<vmem>>) attributes {dimension_semantics = [#tpu.dimension_semantics<arbitrary>], iteration_bounds = array<i64: 5>, scalar_prefetch = 0 : i64, scratch_operands = 0 : i64, tpu.core_type = #tpu.core_type<tc>, window_params = [{transform_indices = @transform_0, window_bounds = array<i64: 2000, 128>}, {pipeline_mode = #tpu.pipeline_mode<synchronous>, transform_indices = @transform_1, window_bounds = array<i64: 128, 128>}, {pipeline_mode = #tpu.pipeline_mode<synchronous>, transform_indices = @transform_2, window_bounds = array<i64: 128, 128>}, {pipeline_mode = #tpu.pipeline_mode<synchronous>, transform_indices = @transform_3, window_bounds = array<i64: 128, 128>}, {pipeline_mode = #tpu.pipeline_mode<synchronous>, transform_indices = @transform_4, window_bounds = array<i64: 1, 128>}, {transform_indices = @transform_5, window_bounds = array<i64: 2000, 128>}, {transform_indices = @transform_6, window_bounds = array<i64: 2000, 128>}, {transform_indices = @transform_7, window_bounds = array<i64: 2000, 128>}]} {
    %get3A = arith.constant 0 : index
    %get3A_0 = arith.constant 0 : index
    %get3A_1 = vector.load %arg1[%get3A, %get3A_0] : memref<2000x128xf32, #tpu.memory_space<vmem>>, vector<2000x128xf32>
    %get3A_2 = arith.constant 0 : index
    %get3A_3 = arith.constant 0 : index
    %get3A_4 = vector.load %arg2[%get3A_2, %get3A_3] : memref<128x128xf32, #tpu.memory_space<vmem>>, vector<128x128xf32>
    %dot_general3A = arith.constant dense<0.000000e+00> : vector<2000x128xf32>
    %dot_general3A_5 = tpu.matmul %get3A_1, %get3A_4, %dot_general3A {dimension_numbers = #tpu.dot_dimension_numbers<[1], [0], [0], [1], [0, 0, 1, 1], [], []>, transpose_lhs_hint = false} : vector<2000x128xf32>, vector<128x128xf32>, vector<2000x128xf32> -> vector<2000x128xf32>
    %swap3A = arith.constant 0 : index
    %swap3A_6 = arith.constant 0 : index
    %swap3A_7 = vector.load %arg6[%swap3A, %swap3A_6] : memref<2000x128xf32, #tpu.memory_space<vmem>>, vector<2000x128xf32>
    tpu.vector_store %arg6[%swap3A, %swap3A_6], %dot_general3A_5 {strides = array<i32>} : memref<2000x128xf32, #tpu.memory_space<vmem>>, vector<2000x128xf32>,
    %get3A_8 = arith.constant 0 : index
    %get3A_9 = arith.constant 0 : index
    %get3A_10 = vector.load %arg3[%get3A_8, %get3A_9] : memref<128x128xf32, #tpu.memory_space<vmem>>, vector<128x128xf32>
    %dot_general3A_11 = arith.constant dense<0.000000e+00> : vector<2000x128xf32>
    %dot_general3A_12 = tpu.matmul %get3A_1, %get3A_10, %dot_general3A_11 {dimension_numbers = #tpu.dot_dimension_numbers<[1], [0], [0], [1], [0, 0, 1, 1], [], []>, transpose_lhs_hint = false} : vector<2000x128xf32>, vector<128x128xf32>, vector<2000x128xf32> -> vector<2000x128xf32>
    %swap3A_13 = arith.constant 0 : index
    %swap3A_14 = arith.constant 0 : index
    %swap3A_15 = vector.load %arg7[%swap3A_13, %swap3A_14] : memref<2000x128xf32, #tpu.memory_space<vmem>>, vector<2000x128xf32>
    tpu.vector_store %arg7[%swap3A_13, %swap3A_14], %dot_general3A_12 {strides = array<i32>} : memref<2000x128xf32, #tpu.memory_space<vmem>>, vector<2000x128xf32>,
    %get3A_16 = arith.constant 0 : index
    %get3A_17 = arith.constant 0 : index
    %get3A_18 = vector.load %arg4[%get3A_16, %get3A_17] : memref<128x128xf32, #tpu.memory_space<vmem>>, vector<128x128xf32>
    %dot_general3A_19 = arith.constant dense<0.000000e+00> : vector<2000x128xf32>
    %dot_general3A_20 = tpu.matmul %get3A_1, %get3A_18, %dot_general3A_19 {dimension_numbers = #tpu.dot_dimension_numbers<[1], [0], [0], [1], [0, 0, 1, 1], [], []>, transpose_lhs_hint = false} : vector<2000x128xf32>, vector<128x128xf32>, vector<2000x128xf32> -> vector<2000x128xf32>
    %get3A_21 = arith.constant 0 : index
    %get3A_22 = arith.constant 0 : index
    %get3A_23 = vector.load %arg5[%get3A_21, %get3A_22] : memref<1x128xf32, #tpu.memory_space<vmem>>, vector<1x128xf32>
    %add3A = vector.broadcast %get3A_23 : vector<1x128xf32> to vector<2000x128xf32>
    %add3A_24 = arith.addf %dot_general3A_20, %add3A : vector<2000x128xf32>
    %swap3A_25 = arith.constant 0 : index
    %swap3A_26 = arith.constant 0 : index
    %swap3A_27 = vector.load %arg8[%swap3A_25, %swap3A_26] : memref<2000x128xf32, #tpu.memory_space<vmem>>, vector<2000x128xf32>
    tpu.vector_store %arg8[%swap3A_25, %swap3A_26], %add3A_24 {strides = array<i32>} : memref<2000x128xf32, #tpu.memory_space<vmem>>, vector<2000x128xf32>,
    return
  }
  func.func @transform_0(%arg0: i32) -> (i32, i32) {
    %c0_i32 = arith.constant 0 : i32
    %c0_i32_0 = arith.constant 0 : i32
    return %arg0, %c0_i32 : i32, i32
  }
  func.func @transform_1(%arg0: i32) -> (i32, i32) {
    %c0_i32 = arith.constant 0 : i32
    %c0_i32_0 = arith.constant 0 : i32
    %c0_i32_1 = arith.constant 0 : i32
    return %c0_i32, %c0_i32_0 : i32, i32
  }
  func.func @transform_2(%arg0: i32) -> (i32, i32) {
    %c0_i32 = arith.constant 0 : i32
    %c0_i32_0 = arith.constant 0 : i32
    %c0_i32_1 = arith.constant 0 : i32
    return %c0_i32, %c0_i32_0 : i32, i32
  }
  func.func @transform_3(%arg0: i32) -> (i32, i32) {
    %c0_i32 = arith.constant 0 : i32
    %c0_i32_0 = arith.constant 0 : i32
    %c0_i32_1 = arith.constant 0 : i32
    return %c0_i32, %c0_i32_0 : i32, i32
  }
  func.func @transform_4(%arg0: i32) -> (i32, i32) {
    %c0_i32 = arith.constant 0 : i32
    %c0_i32_0 = arith.constant 0 : i32
    %c0_i32_1 = arith.constant 0 : i32
    return %c0_i32, %c0_i32_0 : i32, i32
  }
  func.func @transform_5(%arg0: i32) -> (i32, i32) {
    %c0_i32 = arith.constant 0 : i32
    %c0_i32_0 = arith.constant 0 : i32
    return %arg0, %c0_i32 : i32, i32
  }
  func.func @transform_6(%arg0: i32) -> (i32, i32) {
    %c0_i32 = arith.constant 0 : i32
    %c0_i32_0 = arith.constant 0 : i32
    return %arg0, %c0_i32 : i32, i32
  }
  func.func @transform_7(%arg0: i32) -> (i32, i32) {
    %c0_i32 = arith.constant 0 : i32
    %c0_i32_0 = arith.constant 0 : i32
    return %arg0, %c0_i32 : i32, i32
  }
}

module attributes {stable_mosaic.version = 14 : i64} {
  func.func @_mm1_body(%arg0: i32, %arg1: memref<2000x256xf32, #tpu.memory_space<vmem>>, %arg2: memref<256x100xf32, #tpu.memory_space<vmem>>, %arg3: memref<1x100xf32, #tpu.memory_space<vmem>>, %arg4: memref<2000x100xf32, #tpu.memory_space<vmem>>) attributes {dimension_semantics = [#tpu.dimension_semantics<arbitrary>], iteration_bounds = array<i64: 5>, scalar_prefetch = 0 : i64, scratch_operands = 0 : i64, tpu.core_type = #tpu.core_type<tc>, window_params = [{transform_indices = @transform_0, window_bounds = array<i64: 2000, 256>}, {pipeline_mode = #tpu.pipeline_mode<synchronous>, transform_indices = @transform_1, window_bounds = array<i64: 256, 100>}, {pipeline_mode = #tpu.pipeline_mode<synchronous>, transform_indices = @transform_2, window_bounds = array<i64: 1, 100>}, {transform_indices = @transform_3, window_bounds = array<i64: 2000, 100>}]} {
    %get3A = arith.constant 0 : index
    %get3A_0 = arith.constant 0 : index
    %get3A_1 = vector.load %arg1[%get3A, %get3A_0] : memref<2000x256xf32, #tpu.memory_space<vmem>>, vector<2000x256xf32>
    %get3A_2 = arith.constant 0 : index
    %get3A_3 = arith.constant 0 : index
    %get3A_4 = vector.load %arg2[%get3A_2, %get3A_3] : memref<256x100xf32, #tpu.memory_space<vmem>>, vector<256x100xf32>
    %dot_general3A = arith.constant dense<0.000000e+00> : vector<2000x100xf32>
    %dot_general3A_5 = tpu.matmul %get3A_1, %get3A_4, %dot_general3A {dimension_numbers = #tpu.dot_dimension_numbers<[1], [0], [0], [1], [0, 0, 1, 1], [], []>, transpose_lhs_hint = false} : vector<2000x256xf32>, vector<256x100xf32>, vector<2000x100xf32> -> vector<2000x100xf32>
    %get3A_6 = arith.constant 0 : index
    %get3A_7 = arith.constant 0 : index
    %get3A_8 = vector.load %arg3[%get3A_6, %get3A_7] : memref<1x100xf32, #tpu.memory_space<vmem>>, vector<1x100xf32>
    %add3A = vector.broadcast %get3A_8 : vector<1x100xf32> to vector<2000x100xf32>
    %add3A_9 = arith.addf %dot_general3A_5, %add3A : vector<2000x100xf32>
    %swap3A = arith.constant 0 : index
    %swap3A_10 = arith.constant 0 : index
    %swap3A_11 = vector.load %arg4[%swap3A, %swap3A_10] : memref<2000x100xf32, #tpu.memory_space<vmem>>, vector<2000x100xf32>
    tpu.vector_store %arg4[%swap3A, %swap3A_10], %add3A_9 {strides = array<i32>} : memref<2000x100xf32, #tpu.memory_space<vmem>>, vector<2000x100xf32>,
    return
  }
  func.func @transform_0(%arg0: i32) -> (i32, i32) {
    %c0_i32 = arith.constant 0 : i32
    %c0_i32_0 = arith.constant 0 : i32
    return %arg0, %c0_i32 : i32, i32
  }
  func.func @transform_1(%arg0: i32) -> (i32, i32) {
    %c0_i32 = arith.constant 0 : i32
    %c0_i32_0 = arith.constant 0 : i32
    %c0_i32_1 = arith.constant 0 : i32
    return %c0_i32, %c0_i32_0 : i32, i32
  }
  func.func @transform_2(%arg0: i32) -> (i32, i32) {
    %c0_i32 = arith.constant 0 : i32
    %c0_i32_0 = arith.constant 0 : i32
    %c0_i32_1 = arith.constant 0 : i32
    return %c0_i32, %c0_i32_0 : i32, i32
  }
  func.func @transform_3(%arg0: i32) -> (i32, i32) {
    %c0_i32 = arith.constant 0 : i32
    %c0_i32_0 = arith.constant 0 : i32
    return %arg0, %c0_i32 : i32, i32
  }
}

module attributes {stable_mosaic.version = 14 : i64} {
  func.func @_mm1_body(%arg0: i32, %arg1: memref<2000x100xf32, #tpu.memory_space<vmem>>, %arg2: memref<100x100xf32, #tpu.memory_space<vmem>>, %arg3: memref<1x100xf32, #tpu.memory_space<vmem>>, %arg4: memref<2000x100xf32, #tpu.memory_space<vmem>>) attributes {dimension_semantics = [#tpu.dimension_semantics<arbitrary>], iteration_bounds = array<i64: 5>, scalar_prefetch = 0 : i64, scratch_operands = 0 : i64, tpu.core_type = #tpu.core_type<tc>, window_params = [{transform_indices = @transform_0, window_bounds = array<i64: 2000, 100>}, {pipeline_mode = #tpu.pipeline_mode<synchronous>, transform_indices = @transform_1, window_bounds = array<i64: 100, 100>}, {pipeline_mode = #tpu.pipeline_mode<synchronous>, transform_indices = @transform_2, window_bounds = array<i64: 1, 100>}, {transform_indices = @transform_3, window_bounds = array<i64: 2000, 100>}]} {
    %get3A = arith.constant 0 : index
    %get3A_0 = arith.constant 0 : index
    %get3A_1 = vector.load %arg1[%get3A, %get3A_0] : memref<2000x100xf32, #tpu.memory_space<vmem>>, vector<2000x100xf32>
    %get3A_2 = arith.constant 0 : index
    %get3A_3 = arith.constant 0 : index
    %get3A_4 = vector.load %arg2[%get3A_2, %get3A_3] : memref<100x100xf32, #tpu.memory_space<vmem>>, vector<100x100xf32>
    %dot_general3A = arith.constant dense<0.000000e+00> : vector<2000x100xf32>
    %dot_general3A_5 = tpu.matmul %get3A_1, %get3A_4, %dot_general3A {dimension_numbers = #tpu.dot_dimension_numbers<[1], [0], [0], [1], [0, 0, 1, 1], [], []>, transpose_lhs_hint = false} : vector<2000x100xf32>, vector<100x100xf32>, vector<2000x100xf32> -> vector<2000x100xf32>
    %get3A_6 = arith.constant 0 : index
    %get3A_7 = arith.constant 0 : index
    %get3A_8 = vector.load %arg3[%get3A_6, %get3A_7] : memref<1x100xf32, #tpu.memory_space<vmem>>, vector<1x100xf32>
    %add3A = vector.broadcast %get3A_8 : vector<1x100xf32> to vector<2000x100xf32>
    %add3A_9 = arith.addf %dot_general3A_5, %add3A : vector<2000x100xf32>
    %swap3A = arith.constant 0 : index
    %swap3A_10 = arith.constant 0 : index
    %swap3A_11 = vector.load %arg4[%swap3A, %swap3A_10] : memref<2000x100xf32, #tpu.memory_space<vmem>>, vector<2000x100xf32>
    tpu.vector_store %arg4[%swap3A, %swap3A_10], %add3A_9 {strides = array<i32>} : memref<2000x100xf32, #tpu.memory_space<vmem>>, vector<2000x100xf32>,
    return
  }
  func.func @transform_0(%arg0: i32) -> (i32, i32) {
    %c0_i32 = arith.constant 0 : i32
    %c0_i32_0 = arith.constant 0 : i32
    return %arg0, %c0_i32 : i32, i32
  }
  func.func @transform_1(%arg0: i32) -> (i32, i32) {
    %c0_i32 = arith.constant 0 : i32
    %c0_i32_0 = arith.constant 0 : i32
    %c0_i32_1 = arith.constant 0 : i32
    return %c0_i32, %c0_i32_0 : i32, i32
  }
  func.func @transform_2(%arg0: i32) -> (i32, i32) {
    %c0_i32 = arith.constant 0 : i32
    %c0_i32_0 = arith.constant 0 : i32
    %c0_i32_1 = arith.constant 0 : i32
    return %c0_i32, %c0_i32_0 : i32, i32
  }
  func.func @transform_3(%arg0: i32) -> (i32, i32) {
    %c0_i32 = arith.constant 0 : i32
    %c0_i32_0 = arith.constant 0 : i32
    return %arg0, %c0_i32 : i32, i32
  }
}

module attributes {stable_mosaic.version = 14 : i64} {
  func.func @_mm1_body(%arg0: i32, %arg1: memref<2000x120xf32, #tpu.memory_space<vmem>>, %arg2: memref<120x100xf32, #tpu.memory_space<vmem>>, %arg3: memref<1x100xf32, #tpu.memory_space<vmem>>, %arg4: memref<2000x100xf32, #tpu.memory_space<vmem>>) attributes {dimension_semantics = [#tpu.dimension_semantics<arbitrary>], iteration_bounds = array<i64: 5>, scalar_prefetch = 0 : i64, scratch_operands = 0 : i64, tpu.core_type = #tpu.core_type<tc>, window_params = [{transform_indices = @transform_0, window_bounds = array<i64: 2000, 120>}, {pipeline_mode = #tpu.pipeline_mode<synchronous>, transform_indices = @transform_1, window_bounds = array<i64: 120, 100>}, {pipeline_mode = #tpu.pipeline_mode<synchronous>, transform_indices = @transform_2, window_bounds = array<i64: 1, 100>}, {transform_indices = @transform_3, window_bounds = array<i64: 2000, 100>}]} {
    %get3A = arith.constant 0 : index
    %get3A_0 = arith.constant 0 : index
    %get3A_1 = vector.load %arg1[%get3A, %get3A_0] : memref<2000x120xf32, #tpu.memory_space<vmem>>, vector<2000x120xf32>
    %get3A_2 = arith.constant 0 : index
    %get3A_3 = arith.constant 0 : index
    %get3A_4 = vector.load %arg2[%get3A_2, %get3A_3] : memref<120x100xf32, #tpu.memory_space<vmem>>, vector<120x100xf32>
    %dot_general3A = arith.constant dense<0.000000e+00> : vector<2000x100xf32>
    %dot_general3A_5 = tpu.matmul %get3A_1, %get3A_4, %dot_general3A {dimension_numbers = #tpu.dot_dimension_numbers<[1], [0], [0], [1], [0, 0, 1, 1], [], []>, transpose_lhs_hint = false} : vector<2000x120xf32>, vector<120x100xf32>, vector<2000x100xf32> -> vector<2000x100xf32>
    %get3A_6 = arith.constant 0 : index
    %get3A_7 = arith.constant 0 : index
    %get3A_8 = vector.load %arg3[%get3A_6, %get3A_7] : memref<1x100xf32, #tpu.memory_space<vmem>>, vector<1x100xf32>
    %add3A = vector.broadcast %get3A_8 : vector<1x100xf32> to vector<2000x100xf32>
    %add3A_9 = arith.addf %dot_general3A_5, %add3A : vector<2000x100xf32>
    %swap3A = arith.constant 0 : index
    %swap3A_10 = arith.constant 0 : index
    %swap3A_11 = vector.load %arg4[%swap3A, %swap3A_10] : memref<2000x100xf32, #tpu.memory_space<vmem>>, vector<2000x100xf32>
    tpu.vector_store %arg4[%swap3A, %swap3A_10], %add3A_9 {strides = array<i32>} : memref<2000x100xf32, #tpu.memory_space<vmem>>, vector<2000x100xf32>,
    return
  }
  func.func @transform_0(%arg0: i32) -> (i32, i32) {
    %c0_i32 = arith.constant 0 : i32
    %c0_i32_0 = arith.constant 0 : i32
    return %arg0, %c0_i32 : i32, i32
  }
  func.func @transform_1(%arg0: i32) -> (i32, i32) {
    %c0_i32 = arith.constant 0 : i32
    %c0_i32_0 = arith.constant 0 : i32
    %c0_i32_1 = arith.constant 0 : i32
    return %c0_i32, %c0_i32_0 : i32, i32
  }
  func.func @transform_2(%arg0: i32) -> (i32, i32) {
    %c0_i32 = arith.constant 0 : i32
    %c0_i32_0 = arith.constant 0 : i32
    %c0_i32_1 = arith.constant 0 : i32
    return %c0_i32, %c0_i32_0 : i32, i32
  }
  func.func @transform_3(%arg0: i32) -> (i32, i32) {
    %c0_i32 = arith.constant 0 : i32
    %c0_i32_0 = arith.constant 0 : i32
    return %arg0, %c0_i32 : i32, i32
  }
}

module attributes {stable_mosaic.version = 14 : i64} {
  func.func @_tanh_mm_body(%arg0: i32, %arg1: memref<2000x100xf32, #tpu.memory_space<vmem>>, %arg2: memref<100x32xf32, #tpu.memory_space<vmem>>, %arg3: memref<1x32xf32, #tpu.memory_space<vmem>>, %arg4: memref<2000x32xf32, #tpu.memory_space<vmem>>) attributes {dimension_semantics = [#tpu.dimension_semantics<arbitrary>], iteration_bounds = array<i64: 5>, scalar_prefetch = 0 : i64, scratch_operands = 0 : i64, tpu.core_type = #tpu.core_type<tc>, window_params = [{transform_indices = @transform_0, window_bounds = array<i64: 2000, 100>}, {pipeline_mode = #tpu.pipeline_mode<synchronous>, transform_indices = @transform_1, window_bounds = array<i64: 100, 32>}, {pipeline_mode = #tpu.pipeline_mode<synchronous>, transform_indices = @transform_2, window_bounds = array<i64: 1, 32>}, {transform_indices = @transform_3, window_bounds = array<i64: 2000, 32>}]} {
    %get3A = arith.constant 0 : index
    %get3A_0 = arith.constant 0 : index
    %get3A_1 = vector.load %arg1[%get3A, %get3A_0] : memref<2000x100xf32, #tpu.memory_space<vmem>>, vector<2000x100xf32>
    %get3A_2 = arith.constant 0 : index
    %get3A_3 = arith.constant 0 : index
    %get3A_4 = vector.load %arg2[%get3A_2, %get3A_3] : memref<100x32xf32, #tpu.memory_space<vmem>>, vector<100x32xf32>
    %dot_general3A = arith.constant dense<0.000000e+00> : vector<2000x32xf32>
    %dot_general3A_5 = tpu.matmul %get3A_1, %get3A_4, %dot_general3A {dimension_numbers = #tpu.dot_dimension_numbers<[1], [0], [0], [1], [0, 0, 1, 1], [], []>, transpose_lhs_hint = false} : vector<2000x100xf32>, vector<100x32xf32>, vector<2000x32xf32> -> vector<2000x32xf32>
    %get3A_6 = arith.constant 0 : index
    %get3A_7 = arith.constant 0 : index
    %get3A_8 = vector.load %arg3[%get3A_6, %get3A_7] : memref<1x32xf32, #tpu.memory_space<vmem>>, vector<1x32xf32>
    %add3A = vector.broadcast %get3A_8 : vector<1x32xf32> to vector<2000x32xf32>
    %add3A_9 = arith.addf %dot_general3A_5, %add3A : vector<2000x32xf32>
    %tanh3A = math.tanh %add3A_9 : vector<2000x32xf32>
    %swap3A = arith.constant 0 : index
    %swap3A_10 = arith.constant 0 : index
    %swap3A_11 = vector.load %arg4[%swap3A, %swap3A_10] : memref<2000x32xf32, #tpu.memory_space<vmem>>, vector<2000x32xf32>
    tpu.vector_store %arg4[%swap3A, %swap3A_10], %tanh3A {strides = array<i32>} : memref<2000x32xf32, #tpu.memory_space<vmem>>, vector<2000x32xf32>,
    return
  }
  func.func @transform_0(%arg0: i32) -> (i32, i32) {
    %c0_i32 = arith.constant 0 : i32
    %c0_i32_0 = arith.constant 0 : i32
    return %arg0, %c0_i32 : i32, i32
  }
  func.func @transform_1(%arg0: i32) -> (i32, i32) {
    %c0_i32 = arith.constant 0 : i32
    %c0_i32_0 = arith.constant 0 : i32
    %c0_i32_1 = arith.constant 0 : i32
    return %c0_i32, %c0_i32_0 : i32, i32
  }
  func.func @transform_2(%arg0: i32) -> (i32, i32) {
    %c0_i32 = arith.constant 0 : i32
    %c0_i32_0 = arith.constant 0 : i32
    %c0_i32_1 = arith.constant 0 : i32
    return %c0_i32, %c0_i32_0 : i32, i32
  }
  func.func @transform_3(%arg0: i32) -> (i32, i32) {
    %c0_i32 = arith.constant 0 : i32
    %c0_i32_0 = arith.constant 0 : i32
    return %arg0, %c0_i32 : i32, i32
  }
}

module attributes {stable_mosaic.version = 14 : i64} {
  func.func @_vq_body(%arg0: i32, %arg1: memref<2000x32xf32, #tpu.memory_space<vmem>>, %arg2: memref<2000x1xf32, #tpu.memory_space<vmem>>, %arg3: memref<32x1024xf32, #tpu.memory_space<vmem>>, %arg4: memref<1x1024xf32, #tpu.memory_space<vmem>>, %arg5: memref<1024x32xf32, #tpu.memory_space<vmem>>, %arg6: memref<2000x32xf32, #tpu.memory_space<vmem>>, %arg7: memref<1x1xf32, #tpu.memory_space<vmem>>) attributes {dimension_semantics = [#tpu.dimension_semantics<arbitrary>], iteration_bounds = array<i64: 5>, scalar_prefetch = 0 : i64, scratch_operands = 0 : i64, tpu.core_type = #tpu.core_type<tc>, window_params = [{transform_indices = @transform_0, window_bounds = array<i64: 2000, 32>}, {transform_indices = @transform_1, window_bounds = array<i64: 2000, 1>}, {pipeline_mode = #tpu.pipeline_mode<synchronous>, transform_indices = @transform_2, window_bounds = array<i64: 32, 1024>}, {pipeline_mode = #tpu.pipeline_mode<synchronous>, transform_indices = @transform_3, window_bounds = array<i64: 1, 1024>}, {pipeline_mode = #tpu.pipeline_mode<synchronous>, transform_indices = @transform_4, window_bounds = array<i64: 1024, 32>}, {transform_indices = @transform_5, window_bounds = array<i64: 2000, 32>}, {pipeline_mode = #tpu.pipeline_mode<synchronous>, transform_indices = @transform_6, window_bounds = array<i64: 1, 1>}]} {
    %get3A = arith.constant 0 : index
    %get3A_0 = arith.constant 0 : index
    %get3A_1 = vector.load %arg1[%get3A, %get3A_0] : memref<2000x32xf32, #tpu.memory_space<vmem>>, vector<2000x32xf32>
    %get3A_2 = arith.constant 0 : index
    %get3A_3 = arith.constant 0 : index
    %get3A_4 = vector.load %arg2[%get3A_2, %get3A_3] : memref<2000x1xf32, #tpu.memory_space<vmem>>, vector<2000x1xf32>
    %get3A_5 = arith.constant 0 : index
    %get3A_6 = arith.constant 0 : index
    %get3A_7 = vector.load %arg4[%get3A_5, %get3A_6] : memref<1x1024xf32, #tpu.memory_space<vmem>>, vector<1x1024xf32>
    %add3A = vector.broadcast %get3A_4 : vector<2000x1xf32> to vector<2000x1024xf32>
    %add3A_8 = vector.broadcast %get3A_7 : vector<1x1024xf32> to vector<2000x1024xf32>
    %add3A_9 = arith.addf %add3A, %add3A_8 : vector<2000x1024xf32>
    %get3A_10 = arith.constant 0 : index
    %get3A_11 = arith.constant 0 : index
    %get3A_12 = vector.load %arg3[%get3A_10, %get3A_11] : memref<32x1024xf32, #tpu.memory_space<vmem>>, vector<32x1024xf32>
    %dot_general3A = arith.constant dense<0.000000e+00> : vector<2000x1024xf32>
    %dot_general3A_13 = tpu.matmul %get3A_1, %get3A_12, %dot_general3A {dimension_numbers = #tpu.dot_dimension_numbers<[1], [0], [0], [1], [0, 0, 1, 1], [], []>, transpose_lhs_hint = false} : vector<2000x32xf32>, vector<32x1024xf32>, vector<2000x1024xf32> -> vector<2000x1024xf32>
    %mul3A = arith.constant 2.000000e+00 : f32
    %mul3A_14 = vector.broadcast %mul3A : f32 to vector<2000x1024xf32>
    %mul3A_15 = arith.mulf %mul3A_14, %dot_general3A_13 : vector<2000x1024xf32>
    %sub3A = arith.subf %add3A_9, %mul3A_15 : vector<2000x1024xf32>
    %argmin3A = tpu.reduce_index %sub3A {axis = 1 : i32, kind = #tpu.reduction_kind<arg_min>} : vector<2000x1024xf32> -> vector<2000xi32>
    %broadcast_in_dim3A = vector.shape_cast %argmin3A : vector<2000xi32> to vector<2000x1xi32>
    %iota3A = tpu.iota {dimensions = array<i32: 1>} : vector<1x1024xi32>
    %eq3A = vector.broadcast %broadcast_in_dim3A : vector<2000x1xi32> to vector<2000x1024xi32>
    %eq3A_16 = vector.broadcast %iota3A : vector<1x1024xi32> to vector<2000x1024xi32>
    %eq3A_17 = arith.cmpi eq, %eq3A, %eq3A_16 : vector<2000x1024xi32>
    %convert_element_type3A = arith.extui %eq3A_17 : vector<2000x1024xi1> to vector<2000x1024xi32>
    %convert_element_type3A_18 = arith.sitofp %convert_element_type3A : vector<2000x1024xi32> to vector<2000x1024xf32>
    %get3A_19 = arith.constant 0 : index
    %get3A_20 = arith.constant 0 : index
    %get3A_21 = vector.load %arg5[%get3A_19, %get3A_20] : memref<1024x32xf32, #tpu.memory_space<vmem>>, vector<1024x32xf32>
    %dot_general3A_22 = arith.constant dense<0.000000e+00> : vector<2000x32xf32>
    %dot_general3A_23 = tpu.matmul %convert_element_type3A_18, %get3A_21, %dot_general3A_22 {dimension_numbers = #tpu.dot_dimension_numbers<[1], [0], [0], [1], [0, 0, 1, 1], [], []>, precision = #tpu.contract_precision<fp32>, transpose_lhs_hint = false} : vector<2000x1024xf32>, vector<1024x32xf32>, vector<2000x32xf32> -> vector<2000x32xf32>
    %sub3A_24 = arith.subf %dot_general3A_23, %get3A_1 : vector<2000x32xf32>
    %add3A_25 = arith.addf %get3A_1, %sub3A_24 : vector<2000x32xf32>
    %swap3A = arith.constant 0 : index
    %swap3A_26 = arith.constant 0 : index
    %swap3A_27 = vector.load %arg6[%swap3A, %swap3A_26] : memref<2000x32xf32, #tpu.memory_space<vmem>>, vector<2000x32xf32>
    tpu.vector_store %arg6[%swap3A, %swap3A_26], %add3A_25 {strides = array<i32>} : memref<2000x32xf32, #tpu.memory_space<vmem>>, vector<2000x32xf32>,
    %eq3A_28 = arith.constant 0 : i32
    %eq3A_29 = arith.cmpi eq, %arg0, %eq3A_28 : i32
    %convert_element_type3A_30 = arith.extui %eq3A_29 : i1 to i32
    %cond3A = arith.constant 0 : i32
    %cond3A_31 = arith.cmpi ne, %convert_element_type3A_30, %cond3A : i32
    scf.if %cond3A_31 {
      %broadcast_in_dim3A_50 = arith.constant 0.000000e+00 : f32
      %broadcast_in_dim3A_51 = vector.broadcast %broadcast_in_dim3A_50 : f32 to vector<1x1xf32>
      %swap3A_52 = arith.constant 0 : index
      %swap3A_53 = arith.constant 0 : index
      %swap3A_54 = vector.load %arg7[%swap3A_52, %swap3A_53] : memref<1x1xf32, #tpu.memory_space<vmem>>, vector<1x1xf32>
      tpu.vector_store %arg7[%swap3A_52, %swap3A_53], %broadcast_in_dim3A_51 {strides = array<i32>} : memref<1x1xf32, #tpu.memory_space<vmem>>, vector<1x1xf32>,
    } else {
    }
    %get3A_32 = arith.constant 0 : index
    %get3A_33 = arith.constant 0 : index
    %get3A_34 = vector.load %arg7[%get3A_32, %get3A_33] : memref<1x1xf32, #tpu.memory_space<vmem>>, vector<1x1xf32>
    %sub3A_35 = arith.subf %dot_general3A_23, %get3A_1 : vector<2000x32xf32>
    %integer_pow3A = arith.mulf %sub3A_35, %sub3A_35 : vector<2000x32xf32>
    %reduce_sum3A = vector.shape_cast %integer_pow3A : vector<2000x32xf32> to vector<1x2000x32xf32>
    %reduce_sum3A_36 = arith.constant dense<0.000000e+00> : vector<1xf32>
    %reduce_sum3A_37 = vector.multi_reduction <add>, %reduce_sum3A, %reduce_sum3A_36 [1, 2] : vector<1x2000x32xf32> to vector<1xf32>
    %reduce_sum3A_38 = vector.shape_cast %reduce_sum3A_37 : vector<1xf32> to vector<1x1x1xf32>
    %reduce_sum3A_39 = vector.extract %reduce_sum3A_38[0, 0, 0] : f32 from vector<1x1x1xf32>
    %add3A_40 = vector.broadcast %reduce_sum3A_39 : f32 to vector<1x1xf32>
    %add3A_41 = arith.addf %get3A_34, %add3A_40 : vector<1x1xf32>
    %swap3A_42 = arith.constant 0 : index
    %swap3A_43 = arith.constant 0 : index
    %swap3A_44 = vector.load %arg7[%swap3A_42, %swap3A_43] : memref<1x1xf32, #tpu.memory_space<vmem>>, vector<1x1xf32>
    tpu.vector_store %arg7[%swap3A_42, %swap3A_43], %add3A_41 {strides = array<i32>} : memref<1x1xf32, #tpu.memory_space<vmem>>, vector<1x1xf32>,
    %eq3A_45 = arith.constant 4 : i32
    %eq3A_46 = arith.cmpi eq, %arg0, %eq3A_45 : i32
    %convert_element_type3A_47 = arith.extui %eq3A_46 : i1 to i32
    %cond3A_48 = arith.constant 0 : i32
    %cond3A_49 = arith.cmpi ne, %convert_element_type3A_47, %cond3A_48 : i32
    scf.if %cond3A_49 {
      %get3A_50 = arith.constant 0 : index
      %get3A_51 = arith.constant 0 : index
      %get3A_52 = vector.load %arg7[%get3A_50, %get3A_51] : memref<1x1xf32, #tpu.memory_space<vmem>>, vector<1x1xf32>
      %mul3A_53 = arith.constant 3.906250e-06 : f32
      %mul3A_54 = vector.broadcast %mul3A_53 : f32 to vector<1x1xf32>
      %mul3A_55 = arith.mulf %get3A_52, %mul3A_54 : vector<1x1xf32>
      %swap3A_56 = arith.constant 0 : index
      %swap3A_57 = arith.constant 0 : index
      %swap3A_58 = vector.load %arg7[%swap3A_56, %swap3A_57] : memref<1x1xf32, #tpu.memory_space<vmem>>, vector<1x1xf32>
      tpu.vector_store %arg7[%swap3A_56, %swap3A_57], %mul3A_55 {strides = array<i32>} : memref<1x1xf32, #tpu.memory_space<vmem>>, vector<1x1xf32>,
    } else {
    }
    return
  }
  func.func @transform_0(%arg0: i32) -> (i32, i32) {
    %c0_i32 = arith.constant 0 : i32
    %c0_i32_0 = arith.constant 0 : i32
    return %arg0, %c0_i32 : i32, i32
  }
  func.func @transform_1(%arg0: i32) -> (i32, i32) {
    %c0_i32 = arith.constant 0 : i32
    %c0_i32_0 = arith.constant 0 : i32
    return %arg0, %c0_i32 : i32, i32
  }
  func.func @transform_2(%arg0: i32) -> (i32, i32) {
    %c0_i32 = arith.constant 0 : i32
    %c0_i32_0 = arith.constant 0 : i32
    %c0_i32_1 = arith.constant 0 : i32
    return %c0_i32, %c0_i32_0 : i32, i32
  }
  func.func @transform_3(%arg0: i32) -> (i32, i32) {
    %c0_i32 = arith.constant 0 : i32
    %c0_i32_0 = arith.constant 0 : i32
    %c0_i32_1 = arith.constant 0 : i32
    return %c0_i32, %c0_i32_0 : i32, i32
  }
  func.func @transform_4(%arg0: i32) -> (i32, i32) {
    %c0_i32 = arith.constant 0 : i32
    %c0_i32_0 = arith.constant 0 : i32
    %c0_i32_1 = arith.constant 0 : i32
    return %c0_i32, %c0_i32_0 : i32, i32
  }
  func.func @transform_5(%arg0: i32) -> (i32, i32) {
    %c0_i32 = arith.constant 0 : i32
    %c0_i32_0 = arith.constant 0 : i32
    return %arg0, %c0_i32 : i32, i32
  }
  func.func @transform_6(%arg0: i32) -> (i32, i32) {
    %c0_i32 = arith.constant 0 : i32
    %c0_i32_0 = arith.constant 0 : i32
    %c0_i32_1 = arith.constant 0 : i32
    return %c0_i32, %c0_i32_0 : i32, i32
  }
}

</mosaic_0001>

<sc_bundles>
// kernel: kernel.15.cloned.1.call-start
scs
__scs_entry_jumppad:
0x0: {  	(pc) =	sbr.rel $0x88, $3  }
0x1: {  	(tag) =	ssettag $0x0;
	lr =	simm.s32 $0x1  }
0x2: {  	[smem:$0x3F6F] =	sst lr;
	_ =	strace $0xD0000000  }
0x3: {  	_ = 	snop  }
0x4: {  	_ = 	snop  }
0x5: {  	_ = 	snop  }
0x6: {  	_ = 	snop  }
0x7: {  	_ = 	snop  }
__scs_overlays_trampoline_lowered:
0x8: {  	[smem:$0x3F7E] =	sst s0  }
0x9: {  	[smem:$0x3F7F] =	sst s1  }
0xa: {  	[smem:$0x3F80] =	sst s2  }
0xb: {  	[smem:$0x3F81] =	sst s3  }
0xc: {  	[smem:$0x3F82] =	sst s4  }
0xd: {  	[smem:$0x3F83] =	sst s5  }
0xe: {  	[smem:$0x3F84] =	sst s6  }
0xf: {  	[smem:$0x3F85] =	sst s7  }
0x10: {  	[smem:$0x3F86] =	sst s8  }
0x11: {  	[smem:$0x3F87] =	sst s9;
	s0 =	simm.s32 @!p0 $0x0  }
0x12: {  	s1 =	sld [smem:$0x3F6D];
	s0 =	simm.s32 @p0 $0x1  }
0x13: {  	[smem:$0x3F88] =	sst s0;
	s0 =	simm.s32 @!p1 $0x0  }
0x14: {  	s2 =	sld [smem:$0x3F6C];
	s0 =	simm.s32 @p1 $0x1  }
0x15: {  	[smem:$0x3F89] =	sst s0;
	s0 =	simm.s32 @!p2 $0x0  }
0x16: {  	s3 =	sld [smem:$0x3FDB];
	s0 =	simm.s32 @p2 $0x1  }
0x17: {  	s4 =	simm.s32 $0x1BF5;
	[smem:$0x3F8B] =	sst s0  }
0x18: {  	s0 =	sld [smem:$0x3F6E];
	_ =	swait.ge [sflag:s4], $0x0  }
0x19: {  	s7 =	sld [smem:$0x3F6F]  }
0x1a: {  	s8 =	sadd.s32 $0xFFFFE003, lr  }
0x1b: {  	s9 =	sadd.s32 $0xFFFFFEF7, lr;
	s5 =	simm.s32 $0xFFFFFFFF;
	p2 =	slt.u32 s8, $0xFFFFF086  }
0x1c: {  	p1 =	slt.u32 s9, $0xF7A;
	s5 =	simm.s32 @!p2 $0x0  }
0x1d: {  	s5 =	simm.s32 @p1 $0x1;
	p0 =	seq.s32 s7, s2  }
0x1e: {  	s7 =	smul.u32 @!p0 $0xF7A, s2;
	p2 =	seq.s32 @!p0 s5, $0x0  }
0x1f: {  	s9 =	smul.u32 $0xF7A, s1;
	s8 =	simm.s32 @!p0 $0x1BF5;
	p2 =	por !p2, p0  }
0x20: {  	[sflag:s8] =	ssyncset.s32 @!p0 $0xFFFFF086;
	s6 =	sadd.s32 @!p0 s3, s7;
	s7 =	simm.s32 @!p0 $0x108  }
0x21: {  	s3 =	sadd.s32 s3, s9;
	s6 =	sadd.s32 @!p0 $0x88, s6;
	s7 =	simm.s32 @p2 $0x1082  }
0x22: {  	[simem:s7], [sflag:s8] =	dma.local @!p0 [hbm:s6], $0xF7A  }
0x23: {  	s9 =	sor.u32 $0xD0000000, s2;
	s6 =	simm.s32 $0x108;
	_ =	swait.ge @!p0 [sflag:s8], $0x0  }
0x24: {  	s3 =	sadd.s32 $0x88, s3;
	s6 =	simm.s32 @!p1 $0x1082;
	[sflag:s4] =	ssyncset.s32 $0xFFFFF086  }
0x25: {  	[simem:s6], [sflag:s4] =	dma.local [hbm:s3], $0xF7A  }
0x26: {  	[smem:$0x3F6F] =	sst s1;
	(tag) =	ssettag s2;
	_ =	strace s9  }
0x27: {  	s1 =	sld [smem:$0x3F7F]  }
0x28: {  	s2 =	sld [smem:$0x3F80]  }
0x29: {  	s4 =	sld [smem:$0x3F82]  }
0x2a: {  	p0 =	seq.s32 s5, $0x0;
	s5 =	sld [smem:$0x3F83]  }
0x2b: {  	s6 =	sld [smem:$0x3F84]  }
0x2c: {  	s7 =	sld [smem:$0x3F85]  }
0x2d: {  	s3 =	simm.s32 $0x108;
	s8 =	sld [smem:$0x3F86]  }
0x2e: {  	s3 =	simm.s32 @!p0 $0x1082;
	s9 =	sld [smem:$0x3F87]  }
0x2f: {  	lr =	sadd.s32 s0, s3;
	s0 =	sld [smem:$0x3F7E]  }
0x30: {  	s3 =	sld [smem:$0x3F81]  }
0x31: {  	[smem:$0x3F8A] =	sst s10  }
0x32: {  	s10 =	sld [smem:$0x3F88];
	_ =	sdelay $0x3  }
0x33: {  	p0 =	seq.s32 s10, $0x1;
	s10 =	sld [smem:$0x3F8A];
	_ =	sdelay $0x3  }
0x34: {  	[smem:$0x3F8A] =	sst s10  }
0x35: {  	s10 =	sld [smem:$0x3F89];
	_ =	sdelay $0x3  }
0x36: {  	p1 =	seq.s32 s10, $0x1;
	s10 =	sld [smem:$0x3F8A];
	_ =	sdelay $0x3  }
0x37: {  	[smem:$0x3F8A] =	sst s10  }
0x38: {  	s10 =	sld [smem:$0x3F8B]  }
0x39: {  	_ = 	snop;
	(pc) =	sbr.ind lr, $3  }
0x3a: {  	_ = 	snop  }
0x3b: {  	_ = 	snop  }
0x3c: {  	p2 =	seq.s32 s10, $0x1;
	s10 =	sld [smem:$0x3F8A]  }
0x3d: {  	_ =	shalt  }
0x3e: {  	_ =	shalt  }
0x3f: {  	_ =	shalt  }
0x40: {  	_ =	shalt  }
0x41: {  	_ =	shalt  }
0x42: {  	_ =	shalt  }
0x43: {  	_ =	shalt  }
0x44: {  	_ =	shalt  }
0x45: {  	_ =	shalt  }
0x46: {  	_ =	shalt  }
0x47: {  	_ =	shalt  }
0x48: {  	_ =	shalt  }
0x49: {  	_ =	shalt  }
0x4a: {  	_ =	shalt  }
0x4b: {  	_ =	shalt  }
0x4c: {  	_ =	shalt  }
0x4d: {  	_ =	shalt  }
0x4e: {  	_ =	shalt  }
0x4f: {  	_ =	shalt  }
0x50: {  	_ =	shalt  }
0x51: {  	_ =	shalt  }
0x52: {  	_ =	shalt  }
0x53: {  	_ =	shalt  }
0x54: {  	_ =	shalt  }
0x55: {  	_ =	shalt  }
0x56: {  	_ =	shalt  }
0x57: {  	_ =	shalt  }
0x58: {  	_ =	shalt  }
0x59: {  	_ =	shalt  }
0x5a: {  	_ =	shalt  }
0x5b: {  	_ =	shalt  }
0x5c: {  	_ =	shalt  }
0x5d: {  	_ =	shalt  }
0x5e: {  	_ =	shalt  }
0x5f: {  	_ =	shalt  }
0x60: {  	_ =	shalt  }
0x61: {  	_ =	shalt  }
0x62: {  	_ =	shalt  }
0x63: {  	_ =	shalt  }
0x64: {  	_ =	shalt  }
0x65: {  	_ =	shalt  }
0x66: {  	_ =	shalt  }
0x67: {  	_ =	shalt  }
0x68: {  	_ =	shalt  }
0x69: {  	_ =	shalt  }
0x6a: {  	_ =	shalt  }
0x6b: {  	_ =	shalt  }
0x6c: {  	_ =	shalt  }
0x6d: {  	_ =	shalt  }
0x6e: {  	_ =	shalt  }
0x6f: {  	_ =	shalt  }
0x70: {  	_ =	shalt  }
0x71: {  	_ =	shalt  }
0x72: {  	_ =	shalt  }
0x73: {  	_ =	shalt  }
0x74: {  	_ =	shalt  }
0x75: {  	_ =	shalt  }
0x76: {  	_ =	shalt  }
0x77: {  	_ =	shalt  }
0x78: {  	_ =	shalt  }
0x79: {  	_ =	shalt  }
0x7a: {  	_ =	shalt  }
0x7b: {  	_ =	shalt  }
0x7c: {  	_ =	shalt  }
0x7d: {  	_ =	shalt  }
0x7e: {  	_ =	shalt  }
0x7f: {  	_ =	shalt  }
0x80: {  	_ =	shalt  }
0x81: {  	_ =	shalt  }
0x82: {  	_ =	shalt  }
0x83: {  	_ =	shalt  }
0x84: {  	_ =	shalt  }
0x85: {  	_ =	shalt  }
0x86: {  	_ =	shalt  }
0x87: {  	_ =	shalt  }
.Lfunc_end0:
.L_simem_size_0:
called_computation_lowered:
.L_overlay_start_0:
0x88: {  	s2 =	sld [smem:$0x3FD9]  }
0x89: {  	s3 =	sld [smem:$0x3FFE];
	_ =	sdelay $0x1  }
0x8a: {  	s1 =	srdreg.scid  }
0x8b: {  	s0 =	sand.u32 $0x1, s1  }
0x8c: {  	s14 =	sshll.u32 s0, $0xA;
	s2 =	sadd.s32 s3, s2  }
0x8d: {  	s2 =	sadd.s32 s2, s14  }
0x8e: {  	[smem:$0x3F96] =	sst s2  }
0x8f: {  	_ = 	snop  }
0x90: {  	s2 =	sld [smem:$0x3FD0];
	_ =	sdelay $0x2  }
0x91: {  	s15 =	simm.s32 $0xA;
	s4 =	simm.s32 $0x10  }
0x92: {  	[smem:s4], [sflag:s15] =	dma.local [hbm:s2], $0x1  }
0x93: {  	_ =	swait.eq [sflag:s15], $0x1  }
0x94: {  	[sflag:s15] =	ssyncset.done $0x0  }
0x95: {  	[sflag:s15] =	ssyncadd.s32 $0xFFFFFFFF  }
0x96: {  	s16 =	sld [smem:$0x10];
	(tm) =	ssettm $0x1  }
0x97: {  	s17 =	sld [smem:$0x3FFB];
	_ =	sdelay $0x3  }
0x98: {  	_ =	strace s17  }
0x99: {  	s3 =	sld [smem:$0x3FFC];
	_ =	sdelay $0x3  }
0x9a: {  	_ =	strace s3  }
0x9b: {  	s3 =	sld [smem:$0x3FFD];
	_ =	sdelay $0x3  }
0x9c: {  	_ =	strace s3  }
0x9d: {  	_ =	strace $0x8FFFFFFF  }
0x9e: {  	s18 =	sld [smem:$0x3FDB];
	_ =	sdelay $0x1  }
0x9f: {  	s19 =	simm.s32 $_scs_section_size  }
0xa0: {  	s5 =	simm.s32 $_size__tile_overlayer_lowered;
	s6 =	simm.s32 $_tile_overlayer_lowered  }
0xa1: {  	s22 =	simm.s32 $0x1BFF;
	s21 =	sshll.u32 s6, $0x1;
	s3 =	sadd.s32 s19, s18  }
0xa2: {  	s7 =	simm.s32 $0x0;
	s20 =	sshll.u32 s5, $0x1;
	s5 =	sadd.s32 s21, s3  }
0xa3: {  	[timem:s7], [sflag:s22] =	dma.local [hbm:s5], s20  }
0xa4: {  	_ =	swait.ge [sflag:s22], s20  }
0xa5: {  	s4 =	ssub.s32 $0x0, s20;
	[sflag:s22] =	ssyncset.done $0x0  }
0xa6: {  	[sflag:s22] =	ssyncadd.s32 s4;
	_ =	sdelay $0x1  }
0xa7: {  	s23 =	simm.s32 $0x1B8B  }
0xa8: {  	_ =	swait.ge [sflag:s23], $0x1  }
0xa9: {  	[sflag:s23] =	ssyncset.done $0x0  }
0xaa: {  	s25 =	simm.s32 $0x1B8E;
	s24 =	sld [smem:$0x3FFE];
	[sflag:s23] =	ssyncadd.s32 $0xFFFFFFFF  }
0xab: {  	s26 =	simm.s32 $execute0_lowered;
	[smem:$0x3FD2] =	sst s25  }
0xac: {  	s5 =	sshll.u32 s26, $0x1;
	_ =	strace $0x80000046;
	[dreg:$0x1] =	wrdreg $0xFFFFFFFF  }
0xad: {  	s28 =	simm.s32 $_size_execute0_lowered;
	s3 =	sadd.s32 s3, s5;
	[dreg:$0x0] =	wrdreg $0x0  }
0xae: {  	s5 =	sshll.u32 s28, $0x1;
	[dreg:$0x2] =	wrdreg s3  }
0xaf: {  	[dreg:$0x3] =	wrdreg s5  }
0xb0: {  	[dreg:$0x4] =	wrdreg $0xC0  }
0xb1: {  	_ =	task [dreg:s7], $0x5FFFF  }
0xb2: {  	[dreg:$0x1] =	wrdreg $0xFFFFFFFF  }
0xb3: {  	[dreg:$0x0] =	wrdreg $0x60  }
0xb4: {  	[dreg:$0x2] =	wrdreg s24  }
0xb5: {  	[dreg:$0x3] =	wrdreg s16  }
0xb6: {  	[dreg:$0x4] =	wrdreg $0x81600  }
0xb7: {  	[dreg:$0x5] =	wrdreg $0x9  }
0xb8: {  	_ =	task.clear_ibuf [dreg:s7], $0x6FFFF;
	_ =	strace $0x90000046  }
0xb9: {  	s29 =	simm.s32 $0x9;
	_ =	strace $0x80000048  }
0xba: {  	_ =	swait.ge [sflag:s29], $0x1  }
0xbb: {  	[sflag:s29] =	ssyncadd.s32 $0xFFFFFFFF  }
0xbc: {  	_ =	strace $0x90000048  }
0xbd: {  	_ =	sfence  }
0xbe: {  	s30 =	sld [smem:$0x0];
	_ =	sdelay $0x2  }
0xbf: {  	s31 =	sshll.u32 s1, $0xD;
	s1 =	sshrl.u32 s1, $0x2  }
0xc0: {  	s3 =	sand.u32 $0x4000, s31;
	s1 =	sadd.s32 s1, s30  }
0xc1: {  	s0 =	sor.u32 s3, s0;
	s1 =	sshll.u32 s1, $0x11  }
0xc2: {  	s0 =	sor.u32 s1, s0  }
0xc3: {  	s0 =	sadd.s32 $0x8F2B, s0  }
0xc4: {  	[sflag:s0] =	ssyncadd.remote.s32 $0x1  }
0xc5: {  	_ =	sfence.sel $0xFFFF  }
0xc6: {  	[dreg:$0x0] =	wrdreg $0xFFFFFFFF;
	(pc) =	sbr.abs _section_cstart, $3  }
0xc7: {  	[dreg:$0x1] =	wrdreg $0xFFFFFFFF  }
0xc8: {  	_ =	task.clear_ibuf [dreg:s7], $0x2FFFF;
	_ =	strace $0x9FFFFFFF  }
0xc9: {  	(tm) =	ssettm $0x7FFFFFFF  }
tec
execute0_lowered:
.L_overlay_start_1:
0x0: {  	(tag) =	ssettag $0x1  }
0x1: {  	s0 =	rddreg [dreg:$0x0]  }
0x2: {  	s1 =	rddreg [dreg:$0x1]  }
0x3: {  	s2 =	rddreg [dreg:$0x2]  }
0x4: {  	s3 =	simm.s32 $0x0;
	s11 =	stileid.u32;
	s8 =	srdreg.scid  }
0x5: {  	s22 =	simm.s32 $0x2760;
	s23 =	simm.s32 $0x1;
	s28 =	simm.s32 $0x26C0  }
0x6: {  	s29 =	simm.s32 $0x5460;
	[smem:$0x7FF] =	sst s3;
	s7 =	smul.u32 $0x15F90, s11  }
0x7: {  	s4 =	sadd.s32 $0x30000, s0;
	s5 =	sadd.s32 $0x4000, s0;
	s15 =	sadd.s32 $0x5C000, s0  }
0x8: {  	s21 =	sand.u32 $0x1, s8;
	s24 =	sadd.s32 $0xBDE00, s0;
	s12 =	smul.u32 $0x2710, s11  }
0x9: {  	s26 =	sshll.u32 s11, $0x6;
	_ =	strace $0x80000047;
	[dreg:$0x4] =	wrdreg s24  }
0xa: {  	s9 =	ssub.s32 $0x2, s21;
	s11 =	sor.u32 $0x1C02, s26;
	p0 =	sne.s32 s21, $0x0  }
0xb: {  	s21 =	simm.s32 $0x2;
	s24 =	simm.s32 $0x2710;
	s26 =	simm.s32 $0x50  }
0xc: {  	s6 =	sshrl.u32 s7, $0x3;
	s25 =	sshrl.u32 s9, $0x1;
	s30 =	sshrl.u32 s12, $0x3  }
0xd: {  	s10 =	sadd.s32 s6, s0;
	s0 =	sadd.s32 $0x91E00, s0;
	s31 =	sadd.s32 s15, s30  }
0xe: {  	s17 =	sadd.s32 $0x4E20, s30;
	s18 =	sadd.s32 $0x276, s30;
	s19 =	sadd.s32 $0x5096, s30  }
.Ltmp0:
0xf: {  	s16 =	sadd.s32 s1, s30;
	[dreg:$0x5] =	wrdreg s0;
	(pc) =	sbr.rel .LBB2_1-.Ltmp0, $4  }
0x10: {  	s0 =	ssub.s32 s9, s25;
	s9 =	sadd.s32 s7, s2;
	s10 =	sadd.s32 $0x65E00, s10  }
0x11: {  	[dreg:$0x6] =	wrdreg s31;
	s13 =	sadd.s32 s15, s17;
	s14 =	sadd.s32 s15, s18  }
0x12: {  	s15 =	sadd.s32 s15, s19;
	s17 =	sadd.s32 s1, s17;
	s18 =	sadd.s32 s1, s18  }
0x13: {  	s19 =	sadd.s32 s1, s19;
	s25 =	simm.s32 $0x3;
	s20 =	smax.u32 s0, $0x1  }
.LBB2_11:
0x14: {  	[sflag:s7] =	ssyncadd.s32 $0xFFFFD300;
	s0 =	rddreg [dreg:$0x5]  }
.LBB2_12:
0x15: {  	_ =	swait.ge [sflag:s23], $0x2D00  }
0x16: {  	[sflag:s23] =	ssyncset.done $0x0  }
0x17: {  	[sflag:s23] =	ssyncadd.s32 $0xFFFFD300  }
0x18: {  	[spmem:s2] =	stream.indirect.scatter.add.f32 [tilespmem:s29], [sflag:$0x2], $0x90, s28, s26, $0xb8;
	[tilespmem:$0x1E0F0] =	vst v63  }
0x19: {  	_ =	swait.ge [sflag:s21], $0x2D00  }
0x1a: {  	s3 =	sadd.s32 $0x1, s3;
	[sflag:s21] =	ssyncset.done $0x0  }
0x1b: {  	p1 =	sne.s32 s3, s20;
	[sflag:s21] =	ssyncadd.s32 $0xFFFFD300  }
.Ltmp1:
0x1c: {  	s0 =	sadd.s32 s0, s6;
	[bflag:$0x0] =	sbarrier.arrive $0xFFFF;
	(pc) =	sbr.rel @!p1 .LBB2_13-.Ltmp1, $4  }
0x1d: {  	[hbm:s0], [sflag:s11] =	dma.local [spmem:s30], $0x2BF2  }
0x1e: {  	_ =	swait.ge [sflag:s21], $0x2BF2  }
0x1f: {  	[sflag:s21] =	ssyncset.done $0x0  }
0x20: {  	[sflag:s21] =	ssyncadd.s32 $0xFFFFD40E  }
.LBB2_1:
0x21: {  	s30 =	sshrl.u32 s9, $0x3  }
0x22: {  	[spmem:s30], [sflag:s11] =	dma.local [hbm:s10], $0x2BF2  }
.Ltmp2:
0x23: {  	_ =	swait.ge [sflag:s21], $0x2BF2;
	(pc) =	sbr.rel @p0 .LBB2_7-.Ltmp2, $4  }
0x24: {  	[sflag:s21] =	ssyncset.done $0x0  }
0x25: {  	[sflag:s21] =	ssyncadd.s32 $0xFFFFD40E  }
0x26: {  	[bflag:$0x0] =	sbarrier.arrive $0xFFFF  }
0x27: {  	s0 =	simm.s32 $0x0  }
0x28: {  	[tilespmem:s0], [sflag:$0x2] =	stream.linear.gather [hbm4b:s16+s0], $0x13B0, $0x38;
	[tilespmem:$0x1E0F0] =	vst v63  }
0x29: {  	_ =	swait.ge [sflag:s21], $0x13B0  }
0x2a: {  	[sflag:s21] =	ssyncset.done $0x0  }
0x2b: {  	s31 =	simm.s32 $0x13B0;
	[sflag:s21] =	ssyncadd.s32 $0xFFFFEC50  }
0x2c: {  	[tilespmem:s31], [sflag:$0x2] =	stream.linear.gather [hbm4b:s17+s0], $0x13B0, $0x38;
	[tilespmem:$0x1E0F0] =	vst v63  }
0x2d: {  	_ =	swait.ge [sflag:s21], $0x13B0  }
0x2e: {  	[sflag:s21] =	ssyncset.done $0x0  }
0x2f: {  	s1 =	simm.s32 $0x50;
	[sflag:s21] =	ssyncadd.s32 $0xFFFFEC50  }
0x30: {  	[tilespmem:s22], [sflag:$0x1] =	stream.indirect.gather [hbm4b:s4+s1], $0x90, s0, s1, $0xb8;
	[tilespmem:$0x1E0F0] =	vst v63  }
0x31: {  	s12 =	sand.u32 $0x1, s0;
	_ =	swait.ge [sflag:s23], $0x2D00  }
0x32: {  	p1 =	seq.s32 s12, $0x1;
	[sflag:s23] =	ssyncset.done $0x0  }
0x33: {  	s7 =	simm.s32 @p1 $0x2760;
	s0 =	simm.s32 @p1 $0x50;
	[sflag:s23] =	ssyncadd.s32 $0xFFFFD300  }
0x34: {  	[tilespmem:s7], [sflag:$0x1] =	stream.indirect.gather @p1 [hbm4b:s4+s0], $0x90, s1, s0, $0xb8;
	[tilespmem:$0x1E0F0] =	vst v63  }
0x35: {  	s7 =	simm.s32 @p1 $0x5460  }
0x36: {  	[spmem:s2] =	stream.indirect.scatter.add.f32 @p1 [tilespmem:s7], [sflag:$0x2], $0x90, s31, s0, $0xb8;
	[tilespmem:$0x1E0F0] =	vst v63  }
0x37: {  	s8 =	simm.s32 @!p1 $0x5460;
	s7 =	simm.s32 @!p1 $0x3;
	s0 =	simm.s32 @!p1 $0x50  }
0x38: {  	[tilespmem:s8], [sflag:$0x1] =	stream.indirect.gather @!p1 [hbm4b:s4+s0], $0x90, s1, s0, $0xb8;
	[tilespmem:$0x1E0F0] =	vst v63  }
0x39: {  	s7 =	simm.s32 @p1 $0x2;
	s1 =	simm.s32 @!p1 $0x2760  }
0x3a: {  	[spmem:s2] =	stream.indirect.scatter.add.f32 @!p1 [tilespmem:s1], [sflag:$0x3], $0x90, s31, s0, $0xb8;
	[tilespmem:$0x1E0F0] =	vst v63  }
0x3b: {  	_ =	swait.ge [sflag:s7], $0x2D00  }
0x3c: {  	s0 =	simm.s32 $0x1;
	s1 =	simm.s32 $0xA0;
	[sflag:s7] =	ssyncset.done $0x0  }
.LBB2_3:
0x3d: {  	[sflag:s7] =	ssyncadd.s32 $0xFFFFD300  }
0x3e: {  	s31 =	sadd.s32 $0x50, s31;
	s7 =	smov.u32 s0;
	s0 =	sadd.s32 $0x1, s0  }
0x3f: {  	p1 =	sne.s32 s0, $0x3E  }
0x40: {  	s7 =	sand.u32 $0x1, s7;
	_ =	swait.ge [sflag:s23], $0x2D00  }
0x41: {  	p2 =	seq.s32 s7, $0x1;
	[sflag:s23] =	ssyncset.done $0x0  }
0x42: {  	s8 =	simm.s32 @p2 $0x50;
	s7 =	simm.s32 @p2 $0x2760;
	[sflag:s23] =	ssyncadd.s32 $0xFFFFD300  }
0x43: {  	[tilespmem:s7], [sflag:$0x1] =	stream.indirect.gather @p2 [hbm4b:s4+s8], $0x90, s1, s8, $0xb8;
	[tilespmem:$0x1E0F0] =	vst v63  }
0x44: {  	s12 =	simm.s32 @p2 $0x5460;
	s7 =	simm.s32 @!p2 $0x3  }
0x45: {  	[spmem:s2] =	stream.indirect.scatter.add.f32 @p2 [tilespmem:s12], [sflag:$0x2], $0x90, s31, s8, $0xb8;
	[tilespmem:$0x1E0F0] =	vst v63  }
0x46: {  	s8 =	simm.s32 @!p2 $0x50;
	s12 =	simm.s32 @!p2 $0x5460  }
0x47: {  	[tilespmem:s12], [sflag:$0x1] =	stream.indirect.gather @!p2 [hbm4b:s4+s8], $0x90, s1, s8, $0xb8;
	[tilespmem:$0x1E0F0] =	vst v63  }
.Ltmp3:
0x48: {  	_ = 	snop;
	(pc) =	sbr.rel @p1 .LBB2_3-.Ltmp3, $4  }
0x49: {  	s7 =	simm.s32 @p2 $0x2;
	s12 =	simm.s32 @!p2 $0x2760  }
0x4a: {  	[spmem:s2] =	stream.indirect.scatter.add.f32 @!p2 [tilespmem:s12], [sflag:$0x3], $0x90, s31, s8, $0xb8;
	[tilespmem:$0x1E0F0] =	vst v63  }
0x4b: {  	_ =	swait.ge [sflag:s7], $0x2D00  }
0x4c: {  	s1 =	sadd.s32 $0x50, s1;
	[sflag:s7] =	ssyncset.done $0x0  }
0x4d: {  	[sflag:s7] =	ssyncadd.s32 $0xFFFFD300  }
0x4e: {  	_ =	swait.ge [sflag:s23], $0x2D00  }
0x4f: {  	[sflag:s23] =	ssyncset.done $0x0  }
0x50: {  	s0 =	simm.s32 $0x50;
	[sflag:s23] =	ssyncadd.s32 $0xFFFFD300  }
0x51: {  	[spmem:s2] =	stream.indirect.scatter.add.f32 [tilespmem:s22], [sflag:$0x3], $0x90, s24, s0, $0xb8;
	[tilespmem:$0x1E0F0] =	vst v63  }
0x52: {  	_ =	swait.ge [sflag:s25], $0x2D00  }
0x53: {  	[sflag:s25] =	ssyncset.done $0x0  }
0x54: {  	s1 =	simm.s32 $0x0;
	[sflag:s25] =	ssyncadd.s32 $0xFFFFD300  }
0x55: {  	[tilespmem:s1], [sflag:$0x2] =	stream.linear.gather [hbm4b:s18+s1], $0x1360, $0x38;
	[tilespmem:$0x1E0F0] =	vst v63  }
0x56: {  	_ =	swait.ge [sflag:s21], $0x1360  }
0x57: {  	[sflag:s21] =	ssyncset.done $0x0  }
0x58: {  	s31 =	simm.s32 $0x13B0;
	[sflag:s21] =	ssyncadd.s32 $0xFFFFECA0  }
0x59: {  	[tilespmem:s31], [sflag:$0x2] =	stream.linear.gather [hbm4b:s19+s1], $0x1360, $0x38;
	[tilespmem:$0x1E0F0] =	vst v63  }
0x5a: {  	_ =	swait.ge [sflag:s21], $0x1360  }
0x5b: {  	[sflag:s21] =	ssyncset.done $0x0  }
0x5c: {  	[sflag:s21] =	ssyncadd.s32 $0xFFFFECA0  }
0x5d: {  	[tilespmem:s22], [sflag:$0x1] =	stream.indirect.gather [hbm4b:s4+s0], $0x90, s1, s0, $0xb8;
	[tilespmem:$0x1E0F0] =	vst v63  }
0x5e: {  	s1 =	sand.u32 $0x1, s1;
	_ =	swait.ge [sflag:s23], $0x2D00  }
0x5f: {  	p1 =	seq.s32 s1, $0x1;
	[sflag:s23] =	ssyncset.done $0x0  }
0x60: {  	s1 =	simm.s32 @p1 $0x50;
	s7 =	simm.s32 @p1 $0x2760;
	[sflag:s23] =	ssyncadd.s32 $0xFFFFD300  }
0x61: {  	[tilespmem:s7], [sflag:$0x1] =	stream.indirect.gather @p1 [hbm4b:s4+s1], $0x90, s0, s1, $0xb8;
	[tilespmem:$0x1E0F0] =	vst v63  }
0x62: {  	s7 =	simm.s32 @p1 $0x5460  }
0x63: {  	[spmem:s2] =	stream.indirect.scatter.add.f32 @p1 [tilespmem:s7], [sflag:$0x2], $0x90, s31, s1, $0xb8;
	[tilespmem:$0x1E0F0] =	vst v63  }
0x64: {  	s8 =	simm.s32 @!p1 $0x5460;
	s7 =	simm.s32 @!p1 $0x3;
	s1 =	simm.s32 @!p1 $0x50  }
0x65: {  	[tilespmem:s8], [sflag:$0x1] =	stream.indirect.gather @!p1 [hbm4b:s4+s1], $0x90, s0, s1, $0xb8;
	[tilespmem:$0x1E0F0] =	vst v63  }
0x66: {  	s7 =	simm.s32 @p1 $0x2;
	s0 =	simm.s32 @!p1 $0x2760  }
0x67: {  	[spmem:s2] =	stream.indirect.scatter.add.f32 @!p1 [tilespmem:s0], [sflag:$0x3], $0x90, s31, s1, $0xb8;
	[tilespmem:$0x1E0F0] =	vst v63  }
0x68: {  	_ =	swait.ge [sflag:s7], $0x2D00  }
0x69: {  	s0 =	simm.s32 $0x1;
	s1 =	simm.s32 $0xA0;
	[sflag:s7] =	ssyncset.done $0x0  }
.LBB2_5:
0x6a: {  	[sflag:s7] =	ssyncadd.s32 $0xFFFFD300  }
0x6b: {  	s31 =	sadd.s32 $0x50, s31;
	s7 =	smov.u32 s0;
	s0 =	sadd.s32 $0x1, s0  }
0x6c: {  	p1 =	seq.s32 s0, $0x3D  }
0x6d: {  	s7 =	sand.u32 $0x1, s7;
	_ =	swait.ge [sflag:s23], $0x2D00  }
0x6e: {  	p2 =	seq.s32 s7, $0x1;
	[sflag:s23] =	ssyncset.done $0x0  }
0x6f: {  	s8 =	simm.s32 @p2 $0x50;
	s7 =	simm.s32 @p2 $0x2760;
	[sflag:s23] =	ssyncadd.s32 $0xFFFFD300  }
0x70: {  	[tilespmem:s7], [sflag:$0x1] =	stream.indirect.gather @p2 [hbm4b:s4+s8], $0x90, s1, s8, $0xb8;
	[tilespmem:$0x1E0F0] =	vst v63  }
0x71: {  	s12 =	simm.s32 @p2 $0x5460;
	s7 =	simm.s32 @!p2 $0x3  }
0x72: {  	[spmem:s2] =	stream.indirect.scatter.add.f32 @p2 [tilespmem:s12], [sflag:$0x2], $0x90, s31, s8, $0xb8;
	[tilespmem:$0x1E0F0] =	vst v63  }
0x73: {  	s8 =	simm.s32 @!p2 $0x50;
	s12 =	simm.s32 @!p2 $0x5460  }
0x74: {  	[tilespmem:s12], [sflag:$0x1] =	stream.indirect.gather @!p2 [hbm4b:s4+s8], $0x90, s1, s8, $0xb8;
	[tilespmem:$0x1E0F0] =	vst v63  }
.Ltmp4:
0x75: {  	_ = 	snop;
	(pc) =	sbr.rel @!p1 .LBB2_5-.Ltmp4, $4  }
0x76: {  	s7 =	simm.s32 @p2 $0x2;
	s12 =	simm.s32 @!p2 $0x2760  }
0x77: {  	[spmem:s2] =	stream.indirect.scatter.add.f32 @!p2 [tilespmem:s12], [sflag:$0x3], $0x90, s31, s8, $0xb8;
	[tilespmem:$0x1E0F0] =	vst v63  }
0x78: {  	_ =	swait.ge [sflag:s7], $0x2D00  }
0x79: {  	s1 =	sadd.s32 $0x50, s1;
	[sflag:s7] =	ssyncset.done $0x0  }
.Ltmp5:
0x7a: {  	(pc) =	sbr.rel .LBB2_12-.Ltmp5, $2  }
0x7b: {  	_ =	sdelay $0x2  }
0x7c: {  	[sflag:s7] =	ssyncadd.s32 $0xFFFFD300;
	s0 =	rddreg [dreg:$0x4]  }
.LBB2_7:
0x7d: {  	s1 =	rddreg [dreg:$0x6]  }
0x7e: {  	[tilespmem:s0], [sflag:$0x2] =	stream.linear.gather [hbm4b:s1+s0], $0x13B0, $0x38;
	[tilespmem:$0x1E0F0] =	vst v63  }
0x7f: {  	_ =	swait.ge [sflag:s21], $0x13B0  }
0x80: {  	[sflag:s21] =	ssyncset.done $0x0  }
0x81: {  	s31 =	simm.s32 $0x13B0;
	[sflag:s21] =	ssyncadd.s32 $0xFFFFEC50  }
0x82: {  	[tilespmem:s31], [sflag:$0x2] =	stream.linear.gather [hbm4b:s13+s0], $0x13B0, $0x38;
	[tilespmem:$0x1E0F0] =	vst v63  }
0x83: {  	_ =	swait.ge [sflag:s21], $0x13B0  }
0x84: {  	[sflag:s21] =	ssyncset.done $0x0  }
0x85: {  	s1 =	simm.s32 $0x50;
	[sflag:s21] =	ssyncadd.s32 $0xFFFFEC50  }
0x86: {  	[tilespmem:s22], [sflag:$0x1] =	stream.indirect.gather [hbm4b:s5+s1], $0x90, s0, s1, $0xb8;
	[tilespmem:$0x1E0F0] =	vst v63  }
0x87: {  	s12 =	sand.u32 $0x1, s0;
	_ =	swait.ge [sflag:s23], $0x2D00  }
0x88: {  	p1 =	seq.s32 s12, $0x1;
	[sflag:s23] =	ssyncset.done $0x0  }
0x89: {  	s7 =	simm.s32 @p1 $0x2760;
	s0 =	simm.s32 @p1 $0x50;
	[sflag:s23] =	ssyncadd.s32 $0xFFFFD300  }
0x8a: {  	[tilespmem:s7], [sflag:$0x1] =	stream.indirect.gather @p1 [hbm4b:s5+s0], $0x90, s1, s0, $0xb8;
	[tilespmem:$0x1E0F0] =	vst v63  }
0x8b: {  	s7 =	simm.s32 @p1 $0x5460  }
0x8c: {  	[spmem:s2] =	stream.indirect.scatter.add.f32 @p1 [tilespmem:s7], [sflag:$0x2], $0x90, s31, s0, $0xb8;
	[tilespmem:$0x1E0F0] =	vst v63  }
0x8d: {  	s8 =	simm.s32 @!p1 $0x5460;
	s7 =	simm.s32 @!p1 $0x3;
	s0 =	simm.s32 @!p1 $0x50  }
0x8e: {  	[tilespmem:s8], [sflag:$0x1] =	stream.indirect.gather @!p1 [hbm4b:s5+s0], $0x90, s1, s0, $0xb8;
	[tilespmem:$0x1E0F0] =	vst v63  }
0x8f: {  	s7 =	simm.s32 @p1 $0x2;
	s1 =	simm.s32 @!p1 $0x2760  }
0x90: {  	[spmem:s2] =	stream.indirect.scatter.add.f32 @!p1 [tilespmem:s1], [sflag:$0x3], $0x90, s31, s0, $0xb8;
	[tilespmem:$0x1E0F0] =	vst v63  }
0x91: {  	_ =	swait.ge [sflag:s7], $0x2D00  }
0x92: {  	s0 =	simm.s32 $0x1;
	s1 =	simm.s32 $0xA0;
	[sflag:s7] =	ssyncset.done $0x0  }
.LBB2_8:
0x93: {  	[sflag:s7] =	ssyncadd.s32 $0xFFFFD300  }
0x94: {  	s31 =	sadd.s32 $0x50, s31;
	s7 =	smov.u32 s0;
	s0 =	sadd.s32 $0x1, s0  }
0x95: {  	p1 =	sne.s32 s0, $0x3E  }
0x96: {  	s7 =	sand.u32 $0x1, s7;
	_ =	swait.ge [sflag:s23], $0x2D00  }
0x97: {  	p2 =	seq.s32 s7, $0x1;
	[sflag:s23] =	ssyncset.done $0x0  }
0x98: {  	s8 =	simm.s32 @p2 $0x50;
	s7 =	simm.s32 @p2 $0x2760;
	[sflag:s23] =	ssyncadd.s32 $0xFFFFD300  }
0x99: {  	[tilespmem:s7], [sflag:$0x1] =	stream.indirect.gather @p2 [hbm4b:s5+s8], $0x90, s1, s8, $0xb8;
	[tilespmem:$0x1E0F0] =	vst v63  }
0x9a: {  	s12 =	simm.s32 @p2 $0x5460;
	s7 =	simm.s32 @!p2 $0x3  }
0x9b: {  	[spmem:s2] =	stream.indirect.scatter.add.f32 @p2 [tilespmem:s12], [sflag:$0x2], $0x90, s31, s8, $0xb8;
	[tilespmem:$0x1E0F0] =	vst v63  }
0x9c: {  	s8 =	simm.s32 @!p2 $0x50;
	s12 =	simm.s32 @!p2 $0x5460  }
0x9d: {  	[tilespmem:s12], [sflag:$0x1] =	stream.indirect.gather @!p2 [hbm4b:s5+s8], $0x90, s1, s8, $0xb8;
	[tilespmem:$0x1E0F0] =	vst v63  }
.Ltmp6:
0x9e: {  	_ = 	snop;
	(pc) =	sbr.rel @p1 .LBB2_8-.Ltmp6, $4  }
0x9f: {  	s7 =	simm.s32 @p2 $0x2;
	s12 =	simm.s32 @!p2 $0x2760  }
0xa0: {  	[spmem:s2] =	stream.indirect.scatter.add.f32 @!p2 [tilespmem:s12], [sflag:$0x3], $0x90, s31, s8, $0xb8;
	[tilespmem:$0x1E0F0] =	vst v63  }
0xa1: {  	_ =	swait.ge [sflag:s7], $0x2D00  }
0xa2: {  	s1 =	sadd.s32 $0x50, s1;
	[sflag:s7] =	ssyncset.done $0x0  }
0xa3: {  	[sflag:s7] =	ssyncadd.s32 $0xFFFFD300  }
0xa4: {  	_ =	swait.ge [sflag:s23], $0x2D00  }
0xa5: {  	[sflag:s23] =	ssyncset.done $0x0  }
0xa6: {  	s0 =	simm.s32 $0x50;
	[sflag:s23] =	ssyncadd.s32 $0xFFFFD300  }
0xa7: {  	[spmem:s2] =	stream.indirect.scatter.add.f32 [tilespmem:s22], [sflag:$0x3], $0x90, s24, s0, $0xb8;
	[tilespmem:$0x1E0F0] =	vst v63  }
0xa8: {  	_ =	swait.ge [sflag:s25], $0x2D00  }
0xa9: {  	[sflag:s25] =	ssyncset.done $0x0  }
0xaa: {  	s1 =	simm.s32 $0x0;
	[sflag:s25] =	ssyncadd.s32 $0xFFFFD300  }
0xab: {  	[tilespmem:s1], [sflag:$0x2] =	stream.linear.gather [hbm4b:s14+s1], $0x1360, $0x38;
	[tilespmem:$0x1E0F0] =	vst v63  }
0xac: {  	_ =	swait.ge [sflag:s21], $0x1360  }
0xad: {  	[sflag:s21] =	ssyncset.done $0x0  }
0xae: {  	s31 =	simm.s32 $0x13B0;
	[sflag:s21] =	ssyncadd.s32 $0xFFFFECA0  }
0xaf: {  	[tilespmem:s31], [sflag:$0x2] =	stream.linear.gather [hbm4b:s15+s1], $0x1360, $0x38;
	[tilespmem:$0x1E0F0] =	vst v63  }
0xb0: {  	_ =	swait.ge [sflag:s21], $0x1360  }
0xb1: {  	[sflag:s21] =	ssyncset.done $0x0  }
0xb2: {  	[sflag:s21] =	ssyncadd.s32 $0xFFFFECA0  }
0xb3: {  	[tilespmem:s22], [sflag:$0x1] =	stream.indirect.gather [hbm4b:s5+s0], $0x90, s1, s0, $0xb8;
	[tilespmem:$0x1E0F0] =	vst v63  }
0xb4: {  	s1 =	sand.u32 $0x1, s1;
	_ =	swait.ge [sflag:s23], $0x2D00  }
0xb5: {  	p1 =	seq.s32 s1, $0x1;
	[sflag:s23] =	ssyncset.done $0x0  }
0xb6: {  	s1 =	simm.s32 @p1 $0x50;
	s7 =	simm.s32 @p1 $0x2760;
	[sflag:s23] =	ssyncadd.s32 $0xFFFFD300  }
0xb7: {  	[tilespmem:s7], [sflag:$0x1] =	stream.indirect.gather @p1 [hbm4b:s5+s1], $0x90, s0, s1, $0xb8;
	[tilespmem:$0x1E0F0] =	vst v63  }
0xb8: {  	s7 =	simm.s32 @p1 $0x5460  }
0xb9: {  	[spmem:s2] =	stream.indirect.scatter.add.f32 @p1 [tilespmem:s7], [sflag:$0x2], $0x90, s31, s1, $0xb8;
	[tilespmem:$0x1E0F0] =	vst v63  }
0xba: {  	s8 =	simm.s32 @!p1 $0x5460;
	s7 =	simm.s32 @!p1 $0x3;
	s1 =	simm.s32 @!p1 $0x50  }
0xbb: {  	[tilespmem:s8], [sflag:$0x1] =	stream.indirect.gather @!p1 [hbm4b:s5+s1], $0x90, s0, s1, $0xb8;
	[tilespmem:$0x1E0F0] =	vst v63  }
0xbc: {  	s7 =	simm.s32 @p1 $0x2;
	s0 =	simm.s32 @!p1 $0x2760  }
0xbd: {  	[spmem:s2] =	stream.indirect.scatter.add.f32 @!p1 [tilespmem:s0], [sflag:$0x3], $0x90, s31, s1, $0xb8;
	[tilespmem:$0x1E0F0] =	vst v63  }
0xbe: {  	_ =	swait.ge [sflag:s7], $0x2D00  }
0xbf: {  	s0 =	simm.s32 $0x1;
	s1 =	simm.s32 $0xA0;
	[sflag:s7] =	ssyncset.done $0x0  }
.LBB2_10:
0xc0: {  	[sflag:s7] =	ssyncadd.s32 $0xFFFFD300  }
0xc1: {  	s31 =	sadd.s32 $0x50, s31;
	s7 =	smov.u32 s0;
	s0 =	sadd.s32 $0x1, s0  }
0xc2: {  	p1 =	sne.s32 s0, $0x3D  }
0xc3: {  	s7 =	sand.u32 $0x1, s7;
	_ =	swait.ge [sflag:s23], $0x2D00  }
0xc4: {  	p2 =	seq.s32 s7, $0x1;
	[sflag:s23] =	ssyncset.done $0x0  }
0xc5: {  	s8 =	simm.s32 @p2 $0x50;
	s7 =	simm.s32 @p2 $0x2760;
	[sflag:s23] =	ssyncadd.s32 $0xFFFFD300  }
0xc6: {  	[tilespmem:s7], [sflag:$0x1] =	stream.indirect.gather @p2 [hbm4b:s5+s8], $0x90, s1, s8, $0xb8;
	[tilespmem:$0x1E0F0] =	vst v63  }
0xc7: {  	s12 =	simm.s32 @p2 $0x5460;
	s7 =	simm.s32 @!p2 $0x3  }
0xc8: {  	[spmem:s2] =	stream.indirect.scatter.add.f32 @p2 [tilespmem:s12], [sflag:$0x2], $0x90, s31, s8, $0xb8;
	[tilespmem:$0x1E0F0] =	vst v63  }
0xc9: {  	s8 =	simm.s32 @!p2 $0x50;
	s12 =	simm.s32 @!p2 $0x5460  }
0xca: {  	[tilespmem:s12], [sflag:$0x1] =	stream.indirect.gather @!p2 [hbm4b:s5+s8], $0x90, s1, s8, $0xb8;
	[tilespmem:$0x1E0F0] =	vst v63  }
.Ltmp7:
0xcb: {  	_ = 	snop;
	(pc) =	sbr.rel @p1 .LBB2_10-.Ltmp7, $4  }
0xcc: {  	s7 =	simm.s32 @p2 $0x2;
	s12 =	simm.s32 @!p2 $0x2760  }
0xcd: {  	[spmem:s2] =	stream.indirect.scatter.add.f32 @!p2 [tilespmem:s12], [sflag:$0x3], $0x90, s31, s8, $0xb8;
	[tilespmem:$0x1E0F0] =	vst v63  }
0xce: {  	_ =	swait.ge [sflag:s7], $0x2D00  }
0xcf: {  	s1 =	sadd.s32 $0x50, s1;
	[sflag:s7] =	ssyncset.done $0x0  }
.Ltmp8:
0xd0: {  	_ = 	snop;
	(pc) =	sbr.rel .LBB2_11-.Ltmp8, $1  }
0xd1: {  	_ =	sdelay $0x3  }
.LBB2_13:
0xd2: {  	_ =	sfence.sel $0x180000  }
0xd3: {  	[bflag:$0x0] =	sbarrier.arrive $0xFFFF  }
0xd4: {  	_ =	strace $0x90000047  }
0xd5: {  	s0 =	stileid.u32;
	[bflag:$0x2] =	sbarrier.arrive $0xFFFF  }
0xd6: {  	p0 =	sne.s32 s0, $0x0;
	s0 =	rddreg [dreg:$0x3]  }
0xd7: {  	s0 =	sadd.s32 @!p0 $0x100000, s0  }
0xd8: {  	[sflag:s0] =	ssyncadd.tile.s32 @!p0 $0x1;
	_ =	shalt  }
.Lfunc_end2:
_tile_overlayer_lowered:
.L_overlay_start_2:
0xd9: {  	(tag) =	ssettag $0x2  }
0xda: {  	s0 =	rddreg [dreg:$0x0];
	s2 =	stileid.u32  }
0xdb: {  	s1 =	rddreg [dreg:$0x1];
	p0 =	sne.s32 s2, $0x0  }
0xdc: {  	s3 =	rddreg [dreg:$0x2];
	[bflag:$0x3] =	sbarrier.arrive $0xFFFF;
	s2 =	simm.s32 @!p0 $0x1C02  }
0xdd: {  	[timem:s3], [sflag:s2] =	dma.local @!p0 [hbm:s0], s1  }
0xde: {  	s0 =	simm.s32 @!p0 $0x2  }
0xdf: {  	_ =	swait.ge @!p0 [sflag:s0], s1  }
0xe0: {  	s1 =	ssub.s32 @!p0 $0x0, s1;
	[sflag:s0] =	ssyncset.done @!p0 $0x0  }
0xe1: {  	[sflag:s0] =	ssyncadd.s32 @!p0 s1  }
0xe2: {  	[bflag:$0x3] =	sbarrier.arrive $0xFFFF  }
0xe3: {  	_ =	shalt  }

// kernel: kernel.18.cloned.1.call-start
scs
__scs_entry_jumppad:
0x0: {  	(pc) =	sbr.rel $0x88, $3  }
0x1: {  	(tag) =	ssettag $0x0;
	lr =	simm.s32 $0x1  }
0x2: {  	[smem:$0x3F6F] =	sst lr;
	_ =	strace $0xD0000000  }
0x3: {  	_ = 	snop  }
0x4: {  	_ = 	snop  }
0x5: {  	_ = 	snop  }
0x6: {  	_ = 	snop  }
0x7: {  	_ = 	snop  }
__scs_overlays_trampoline_lowered:
0x8: {  	[smem:$0x3F7E] =	sst s0  }
0x9: {  	[smem:$0x3F7F] =	sst s1  }
0xa: {  	[smem:$0x3F80] =	sst s2  }
0xb: {  	[smem:$0x3F81] =	sst s3  }
0xc: {  	[smem:$0x3F82] =	sst s4  }
0xd: {  	[smem:$0x3F83] =	sst s5  }
0xe: {  	[smem:$0x3F84] =	sst s6  }
0xf: {  	[smem:$0x3F85] =	sst s7  }
0x10: {  	[smem:$0x3F86] =	sst s8  }
0x11: {  	[smem:$0x3F87] =	sst s9;
	s0 =	simm.s32 @!p0 $0x0  }
0x12: {  	s1 =	sld [smem:$0x3F6D];
	s0 =	simm.s32 @p0 $0x1  }
0x13: {  	[smem:$0x3F88] =	sst s0;
	s0 =	simm.s32 @!p1 $0x0  }
0x14: {  	s2 =	sld [smem:$0x3F6C];
	s0 =	simm.s32 @p1 $0x1  }
0x15: {  	[smem:$0x3F89] =	sst s0;
	s0 =	simm.s32 @!p2 $0x0  }
0x16: {  	s3 =	sld [smem:$0x3FDB];
	s0 =	simm.s32 @p2 $0x1  }
0x17: {  	s4 =	simm.s32 $0x1BF5;
	[smem:$0x3F8B] =	sst s0  }
0x18: {  	s0 =	sld [smem:$0x3F6E];
	_ =	swait.ge [sflag:s4], $0x0  }
0x19: {  	s7 =	sld [smem:$0x3F6F]  }
0x1a: {  	s8 =	sadd.s32 $0xFFFFE003, lr  }
0x1b: {  	s9 =	sadd.s32 $0xFFFFFEF7, lr;
	s5 =	simm.s32 $0xFFFFFFFF;
	p2 =	slt.u32 s8, $0xFFFFF086  }
0x1c: {  	p1 =	slt.u32 s9, $0xF7A;
	s5 =	simm.s32 @!p2 $0x0  }
0x1d: {  	s5 =	simm.s32 @p1 $0x1;
	p0 =	seq.s32 s7, s2  }
0x1e: {  	s7 =	smul.u32 @!p0 $0xF7A, s2;
	p2 =	seq.s32 @!p0 s5, $0x0  }
0x1f: {  	s9 =	smul.u32 $0xF7A, s1;
	s8 =	simm.s32 @!p0 $0x1BF5;
	p2 =	por !p2, p0  }
0x20: {  	[sflag:s8] =	ssyncset.s32 @!p0 $0xFFFFF086;
	s6 =	sadd.s32 @!p0 s3, s7;
	s7 =	simm.s32 @!p0 $0x108  }
0x21: {  	s3 =	sadd.s32 s3, s9;
	s6 =	sadd.s32 @!p0 $0x88, s6;
	s7 =	simm.s32 @p2 $0x1082  }
0x22: {  	[simem:s7], [sflag:s8] =	dma.local @!p0 [hbm:s6], $0xF7A  }
0x23: {  	s9 =	sor.u32 $0xD0000000, s2;
	s6 =	simm.s32 $0x108;
	_ =	swait.ge @!p0 [sflag:s8], $0x0  }
0x24: {  	s3 =	sadd.s32 $0x88, s3;
	s6 =	simm.s32 @!p1 $0x1082;
	[sflag:s4] =	ssyncset.s32 $0xFFFFF086  }
0x25: {  	[simem:s6], [sflag:s4] =	dma.local [hbm:s3], $0xF7A  }
0x26: {  	[smem:$0x3F6F] =	sst s1;
	(tag) =	ssettag s2;
	_ =	strace s9  }
0x27: {  	s1 =	sld [smem:$0x3F7F]  }
0x28: {  	s2 =	sld [smem:$0x3F80]  }
0x29: {  	s4 =	sld [smem:$0x3F82]  }
0x2a: {  	p0 =	seq.s32 s5, $0x0;
	s5 =	sld [smem:$0x3F83]  }
0x2b: {  	s6 =	sld [smem:$0x3F84]  }
0x2c: {  	s7 =	sld [smem:$0x3F85]  }
0x2d: {  	s3 =	simm.s32 $0x108;
	s8 =	sld [smem:$0x3F86]  }
0x2e: {  	s3 =	simm.s32 @!p0 $0x1082;
	s9 =	sld [smem:$0x3F87]  }
0x2f: {  	lr =	sadd.s32 s0, s3;
	s0 =	sld [smem:$0x3F7E]  }
0x30: {  	s3 =	sld [smem:$0x3F81]  }
0x31: {  	[smem:$0x3F8A] =	sst s10  }
0x32: {  	s10 =	sld [smem:$0x3F88];
	_ =	sdelay $0x3  }
0x33: {  	p0 =	seq.s32 s10, $0x1;
	s10 =	sld [smem:$0x3F8A];
	_ =	sdelay $0x3  }
0x34: {  	[smem:$0x3F8A] =	sst s10  }
0x35: {  	s10 =	sld [smem:$0x3F89];
	_ =	sdelay $0x3  }
0x36: {  	p1 =	seq.s32 s10, $0x1;
	s10 =	sld [smem:$0x3F8A];
	_ =	sdelay $0x3  }
0x37: {  	[smem:$0x3F8A] =	sst s10  }
0x38: {  	s10 =	sld [smem:$0x3F8B]  }
0x39: {  	_ = 	snop;
	(pc) =	sbr.ind lr, $3  }
0x3a: {  	_ = 	snop  }
0x3b: {  	_ = 	snop  }
0x3c: {  	p2 =	seq.s32 s10, $0x1;
	s10 =	sld [smem:$0x3F8A]  }
0x3d: {  	_ =	shalt  }
0x3e: {  	_ =	shalt  }
0x3f: {  	_ =	shalt  }
0x40: {  	_ =	shalt  }
0x41: {  	_ =	shalt  }
0x42: {  	_ =	shalt  }
0x43: {  	_ =	shalt  }
0x44: {  	_ =	shalt  }
0x45: {  	_ =	shalt  }
0x46: {  	_ =	shalt  }
0x47: {  	_ =	shalt  }
0x48: {  	_ =	shalt  }
0x49: {  	_ =	shalt  }
0x4a: {  	_ =	shalt  }
0x4b: {  	_ =	shalt  }
0x4c: {  	_ =	shalt  }
0x4d: {  	_ =	shalt  }
0x4e: {  	_ =	shalt  }
0x4f: {  	_ =	shalt  }
0x50: {  	_ =	shalt  }
0x51: {  	_ =	shalt  }
0x52: {  	_ =	shalt  }
0x53: {  	_ =	shalt  }
0x54: {  	_ =	shalt  }
0x55: {  	_ =	shalt  }
0x56: {  	_ =	shalt  }
0x57: {  	_ =	shalt  }
0x58: {  	_ =	shalt  }
0x59: {  	_ =	shalt  }
0x5a: {  	_ =	shalt  }
0x5b: {  	_ =	shalt  }
0x5c: {  	_ =	shalt  }
0x5d: {  	_ =	shalt  }
0x5e: {  	_ =	shalt  }
0x5f: {  	_ =	shalt  }
0x60: {  	_ =	shalt  }
0x61: {  	_ =	shalt  }
0x62: {  	_ =	shalt  }
0x63: {  	_ =	shalt  }
0x64: {  	_ =	shalt  }
0x65: {  	_ =	shalt  }
0x66: {  	_ =	shalt  }
0x67: {  	_ =	shalt  }
0x68: {  	_ =	shalt  }
0x69: {  	_ =	shalt  }
0x6a: {  	_ =	shalt  }
0x6b: {  	_ =	shalt  }
0x6c: {  	_ =	shalt  }
0x6d: {  	_ =	shalt  }
0x6e: {  	_ =	shalt  }
0x6f: {  	_ =	shalt  }
0x70: {  	_ =	shalt  }
0x71: {  	_ =	shalt  }
0x72: {  	_ =	shalt  }
0x73: {  	_ =	shalt  }
0x74: {  	_ =	shalt  }
0x75: {  	_ =	shalt  }
0x76: {  	_ =	shalt  }
0x77: {  	_ =	shalt  }
0x78: {  	_ =	shalt  }
0x79: {  	_ =	shalt  }
0x7a: {  	_ =	shalt  }
0x7b: {  	_ =	shalt  }
0x7c: {  	_ =	shalt  }
0x7d: {  	_ =	shalt  }
0x7e: {  	_ =	shalt  }
0x7f: {  	_ =	shalt  }
0x80: {  	_ =	shalt  }
0x81: {  	_ =	shalt  }
0x82: {  	_ =	shalt  }
0x83: {  	_ =	shalt  }
0x84: {  	_ =	shalt  }
0x85: {  	_ =	shalt  }
0x86: {  	_ =	shalt  }
0x87: {  	_ =	shalt  }
.Lfunc_end0:
.L_simem_size_0:
called_computation.1_lowered:
.L_overlay_start_0:
0x88: {  	s2 =	sld [smem:$0x3FD9]  }
0x89: {  	s3 =	sld [smem:$0x3FFE];
	_ =	sdelay $0x1  }
0x8a: {  	s1 =	srdreg.scid  }
0x8b: {  	s0 =	sand.u32 $0x1, s1  }
0x8c: {  	s14 =	sshll.u32 s0, $0xA;
	s2 =	sadd.s32 s3, s2  }
0x8d: {  	s2 =	sadd.s32 s2, s14  }
0x8e: {  	[smem:$0x3F96] =	sst s2  }
0x8f: {  	_ = 	snop  }
0x90: {  	s2 =	sld [smem:$0x3FD0];
	_ =	sdelay $0x2  }
0x91: {  	s15 =	simm.s32 $0xA;
	s4 =	simm.s32 $0x10  }
0x92: {  	[smem:s4], [sflag:s15] =	dma.local [hbm:s2], $0x1  }
0x93: {  	_ =	swait.eq [sflag:s15], $0x1  }
0x94: {  	[sflag:s15] =	ssyncset.done $0x0  }
0x95: {  	[sflag:s15] =	ssyncadd.s32 $0xFFFFFFFF  }
0x96: {  	s16 =	sld [smem:$0x10];
	(tm) =	ssettm $0x1  }
0x97: {  	s17 =	sld [smem:$0x3FFB];
	_ =	sdelay $0x3  }
0x98: {  	_ =	strace s17  }
0x99: {  	s3 =	sld [smem:$0x3FFC];
	_ =	sdelay $0x3  }
0x9a: {  	_ =	strace s3  }
0x9b: {  	s3 =	sld [smem:$0x3FFD];
	_ =	sdelay $0x3  }
0x9c: {  	_ =	strace s3  }
0x9d: {  	_ =	strace $0x8FFFFFFF  }
0x9e: {  	s18 =	sld [smem:$0x3FDB];
	_ =	sdelay $0x1  }
0x9f: {  	s19 =	simm.s32 $_scs_section_size  }
0xa0: {  	s5 =	simm.s32 $_size__tile_overlayer_lowered;
	s6 =	simm.s32 $_tile_overlayer_lowered  }
0xa1: {  	s22 =	simm.s32 $0x1BFF;
	s21 =	sshll.u32 s6, $0x1;
	s3 =	sadd.s32 s19, s18  }
0xa2: {  	s7 =	simm.s32 $0x0;
	s20 =	sshll.u32 s5, $0x1;
	s5 =	sadd.s32 s21, s3  }
0xa3: {  	[timem:s7], [sflag:s22] =	dma.local [hbm:s5], s20  }
0xa4: {  	_ =	swait.ge [sflag:s22], s20  }
0xa5: {  	s4 =	ssub.s32 $0x0, s20;
	[sflag:s22] =	ssyncset.done $0x0  }
0xa6: {  	[sflag:s22] =	ssyncadd.s32 s4;
	_ =	sdelay $0x1  }
0xa7: {  	s23 =	simm.s32 $0x1B8B  }
0xa8: {  	_ =	swait.ge [sflag:s23], $0x1  }
0xa9: {  	[sflag:s23] =	ssyncset.done $0x0  }
0xaa: {  	s25 =	simm.s32 $0x1B8E;
	s24 =	sld [smem:$0x3FFE];
	[sflag:s23] =	ssyncadd.s32 $0xFFFFFFFF  }
0xab: {  	s26 =	simm.s32 $execute0_lowered;
	[smem:$0x3FD2] =	sst s25  }
0xac: {  	s5 =	sshll.u32 s26, $0x1;
	_ =	strace $0x80000049;
	[dreg:$0x1] =	wrdreg $0xFFFFFFFF  }
0xad: {  	s28 =	simm.s32 $_size_execute0_lowered;
	s3 =	sadd.s32 s3, s5;
	[dreg:$0x0] =	wrdreg $0x0  }
0xae: {  	s5 =	sshll.u32 s28, $0x1;
	[dreg:$0x2] =	wrdreg s3  }
0xaf: {  	[dreg:$0x3] =	wrdreg s5  }
0xb0: {  	[dreg:$0x4] =	wrdreg $0xC0  }
0xb1: {  	_ =	task [dreg:s7], $0x5FFFF  }
0xb2: {  	[dreg:$0x1] =	wrdreg $0xFFFFFFFF  }
0xb3: {  	[dreg:$0x0] =	wrdreg $0x60  }
0xb4: {  	[dreg:$0x2] =	wrdreg s24  }
0xb5: {  	[dreg:$0x3] =	wrdreg s16  }
0xb6: {  	[dreg:$0x4] =	wrdreg $0x77600  }
0xb7: {  	[dreg:$0x5] =	wrdreg $0x9  }
0xb8: {  	_ =	task.clear_ibuf [dreg:s7], $0x6FFFF;
	_ =	strace $0x90000049  }
0xb9: {  	s29 =	simm.s32 $0x9;
	_ =	strace $0x8000004B  }
0xba: {  	_ =	swait.ge [sflag:s29], $0x1  }
0xbb: {  	[sflag:s29] =	ssyncadd.s32 $0xFFFFFFFF  }
0xbc: {  	_ =	strace $0x9000004B  }
0xbd: {  	_ =	sfence  }
0xbe: {  	s30 =	sld [smem:$0x0];
	_ =	sdelay $0x2  }
0xbf: {  	s31 =	sshll.u32 s1, $0xD;
	s1 =	sshrl.u32 s1, $0x2  }
0xc0: {  	s3 =	sand.u32 $0x4000, s31;
	s1 =	sadd.s32 s1, s30  }
0xc1: {  	s0 =	sor.u32 s3, s0;
	s1 =	sshll.u32 s1, $0x11  }
0xc2: {  	s0 =	sor.u32 s1, s0  }
0xc3: {  	s0 =	sadd.s32 $0x8F2B, s0  }
0xc4: {  	[sflag:s0] =	ssyncadd.remote.s32 $0x1  }
0xc5: {  	_ =	sfence.sel $0xFFFF  }
0xc6: {  	[dreg:$0x0] =	wrdreg $0xFFFFFFFF;
	(pc) =	sbr.abs _section_cstart, $3  }
0xc7: {  	[dreg:$0x1] =	wrdreg $0xFFFFFFFF  }
0xc8: {  	_ =	task.clear_ibuf [dreg:s7], $0x2FFFF;
	_ =	strace $0x9FFFFFFF  }
0xc9: {  	(tm) =	ssettm $0x7FFFFFFF  }
tec
execute0_lowered:
.L_overlay_start_1:
0x0: {  	(tag) =	ssettag $0x1  }
0x1: {  	s0 =	rddreg [dreg:$0x0]  }
0x2: {  	s1 =	rddreg [dreg:$0x1]  }
0x3: {  	s2 =	rddreg [dreg:$0x2]  }
0x4: {  	s3 =	simm.s32 $0x0;
	s11 =	stileid.u32;
	s8 =	srdreg.scid  }
0x5: {  	s22 =	simm.s32 $0x2760;
	s23 =	simm.s32 $0x1;
	s28 =	simm.s32 $0x26C0  }
0x6: {  	s29 =	simm.s32 $0x4F60;
	[smem:$0x7FF] =	sst s3;
	s7 =	smul.u32 $0x13880, s11  }
0x7: {  	s4 =	sadd.s32 $0x2B200, s0;
	s5 =	sadd.s32 $0x4000, s0;
	s15 =	sadd.s32 $0x5C000, s0  }
0x8: {  	s21 =	sand.u32 $0x1, s8;
	s24 =	sadd.s32 $0x8D000, s0;
	s12 =	smul.u32 $0x2710, s11  }
0x9: {  	s26 =	sshll.u32 s11, $0x6;
	_ =	strace $0x8000004A;
	[dreg:$0x4] =	wrdreg s24  }
0xa: {  	s9 =	ssub.s32 $0x2, s21;
	s11 =	sor.u32 $0x1C02, s26;
	p0 =	sne.s32 s21, $0x0  }
0xb: {  	s21 =	simm.s32 $0x2;
	s24 =	simm.s32 $0x2710;
	s26 =	simm.s32 $0x50  }
0xc: {  	s6 =	sshrl.u32 s7, $0x3;
	s25 =	sshrl.u32 s9, $0x1;
	s30 =	sshrl.u32 s12, $0x3  }
0xd: {  	s10 =	sadd.s32 s6, s0;
	s0 =	sadd.s32 $0xB4200, s0;
	s31 =	sadd.s32 s15, s30  }
0xe: {  	s17 =	sadd.s32 $0x4E20, s30;
	s18 =	sadd.s32 $0x276, s30;
	s19 =	sadd.s32 $0x5096, s30  }
.Ltmp0:
0xf: {  	s16 =	sadd.s32 s1, s30;
	[dreg:$0x5] =	wrdreg s0;
	(pc) =	sbr.rel .LBB2_1-.Ltmp0, $4  }
0x10: {  	s0 =	ssub.s32 s9, s25;
	s9 =	sadd.s32 s7, s2;
	s10 =	sadd.s32 $0x65E00, s10  }
0x11: {  	[dreg:$0x6] =	wrdreg s31;
	s13 =	sadd.s32 s15, s17;
	s14 =	sadd.s32 s15, s18  }
0x12: {  	s15 =	sadd.s32 s15, s19;
	s17 =	sadd.s32 s1, s17;
	s18 =	sadd.s32 s1, s18  }
0x13: {  	s19 =	sadd.s32 s1, s19;
	s25 =	simm.s32 $0x3;
	s20 =	smax.u32 s0, $0x1  }
.LBB2_11:
0x14: {  	[sflag:s7] =	ssyncadd.s32 $0xFFFFD800;
	s0 =	rddreg [dreg:$0x5]  }
.LBB2_12:
0x15: {  	_ =	swait.ge [sflag:s23], $0x2800  }
0x16: {  	[sflag:s23] =	ssyncset.done $0x0  }
0x17: {  	[sflag:s23] =	ssyncadd.s32 $0xFFFFD800  }
0x18: {  	[spmem:s2] =	stream.indirect.scatter.add.f32 [tilespmem:s29], [sflag:$0x2], $0x80, s28, s26, $0xb8;
	[tilespmem:$0x1AFE0] =	vst v63  }
0x19: {  	_ =	swait.ge [sflag:s21], $0x2800  }
0x1a: {  	s3 =	sadd.s32 $0x1, s3;
	[sflag:s21] =	ssyncset.done $0x0  }
0x1b: {  	p1 =	sne.s32 s3, s20;
	[sflag:s21] =	ssyncadd.s32 $0xFFFFD800  }
.Ltmp1:
0x1c: {  	s0 =	sadd.s32 s0, s6;
	[bflag:$0x0] =	sbarrier.arrive $0xFFFF;
	(pc) =	sbr.rel @!p1 .LBB2_13-.Ltmp1, $4  }
0x1d: {  	[hbm:s0], [sflag:s11] =	dma.local [spmem:s30], $0x2710  }
0x1e: {  	_ =	swait.ge [sflag:s21], $0x2710  }
0x1f: {  	[sflag:s21] =	ssyncset.done $0x0  }
0x20: {  	[sflag:s21] =	ssyncadd.s32 $0xFFFFD8F0  }
.LBB2_1:
0x21: {  	s30 =	sshrl.u32 s9, $0x3  }
0x22: {  	[spmem:s30], [sflag:s11] =	dma.local [hbm:s10], $0x2710  }
.Ltmp2:
0x23: {  	_ =	swait.ge [sflag:s21], $0x2710;
	(pc) =	sbr.rel @p0 .LBB2_7-.Ltmp2, $4  }
0x24: {  	[sflag:s21] =	ssyncset.done $0x0  }
0x25: {  	[sflag:s21] =	ssyncadd.s32 $0xFFFFD8F0  }
0x26: {  	[bflag:$0x0] =	sbarrier.arrive $0xFFFF  }
0x27: {  	s0 =	simm.s32 $0x0  }
0x28: {  	[tilespmem:s0], [sflag:$0x2] =	stream.linear.gather [hbm4b:s16+s0], $0x13B0, $0x38;
	[tilespmem:$0x1AFE0] =	vst v63  }
0x29: {  	_ =	swait.ge [sflag:s21], $0x13B0  }
0x2a: {  	[sflag:s21] =	ssyncset.done $0x0  }
0x2b: {  	s31 =	simm.s32 $0x13B0;
	[sflag:s21] =	ssyncadd.s32 $0xFFFFEC50  }
0x2c: {  	[tilespmem:s31], [sflag:$0x2] =	stream.linear.gather [hbm4b:s17+s0], $0x13B0, $0x38;
	[tilespmem:$0x1AFE0] =	vst v63  }
0x2d: {  	_ =	swait.ge [sflag:s21], $0x13B0  }
0x2e: {  	[sflag:s21] =	ssyncset.done $0x0  }
0x2f: {  	s1 =	simm.s32 $0x50;
	[sflag:s21] =	ssyncadd.s32 $0xFFFFEC50  }
0x30: {  	[tilespmem:s22], [sflag:$0x1] =	stream.indirect.gather [hbm4b:s4+s1], $0x80, s0, s1, $0xb8;
	[tilespmem:$0x1AFE0] =	vst v63  }
0x31: {  	s12 =	sand.u32 $0x1, s0;
	_ =	swait.ge [sflag:s23], $0x2800  }
0x32: {  	p1 =	seq.s32 s12, $0x1;
	[sflag:s23] =	ssyncset.done $0x0  }
0x33: {  	s7 =	simm.s32 @p1 $0x2760;
	s0 =	simm.s32 @p1 $0x50;
	[sflag:s23] =	ssyncadd.s32 $0xFFFFD800  }
0x34: {  	[tilespmem:s7], [sflag:$0x1] =	stream.indirect.gather @p1 [hbm4b:s4+s0], $0x80, s1, s0, $0xb8;
	[tilespmem:$0x1AFE0] =	vst v63  }
0x35: {  	s7 =	simm.s32 @p1 $0x4F60  }
0x36: {  	[spmem:s2] =	stream.indirect.scatter.add.f32 @p1 [tilespmem:s7], [sflag:$0x2], $0x80, s31, s0, $0xb8;
	[tilespmem:$0x1AFE0] =	vst v63  }
0x37: {  	s8 =	simm.s32 @!p1 $0x4F60;
	s7 =	simm.s32 @!p1 $0x3;
	s0 =	simm.s32 @!p1 $0x50  }
0x38: {  	[tilespmem:s8], [sflag:$0x1] =	stream.indirect.gather @!p1 [hbm4b:s4+s0], $0x80, s1, s0, $0xb8;
	[tilespmem:$0x1AFE0] =	vst v63  }
0x39: {  	s7 =	simm.s32 @p1 $0x2;
	s1 =	simm.s32 @!p1 $0x2760  }
0x3a: {  	[spmem:s2] =	stream.indirect.scatter.add.f32 @!p1 [tilespmem:s1], [sflag:$0x3], $0x80, s31, s0, $0xb8;
	[tilespmem:$0x1AFE0] =	vst v63  }
0x3b: {  	_ =	swait.ge [sflag:s7], $0x2800  }
0x3c: {  	s0 =	simm.s32 $0x1;
	s1 =	simm.s32 $0xA0;
	[sflag:s7] =	ssyncset.done $0x0  }
.LBB2_3:
0x3d: {  	[sflag:s7] =	ssyncadd.s32 $0xFFFFD800  }
0x3e: {  	s31 =	sadd.s32 $0x50, s31;
	s7 =	smov.u32 s0;
	s0 =	sadd.s32 $0x1, s0  }
0x3f: {  	p1 =	sne.s32 s0, $0x3E  }
0x40: {  	s7 =	sand.u32 $0x1, s7;
	_ =	swait.ge [sflag:s23], $0x2800  }
0x41: {  	p2 =	seq.s32 s7, $0x1;
	[sflag:s23] =	ssyncset.done $0x0  }
0x42: {  	s8 =	simm.s32 @p2 $0x50;
	s7 =	simm.s32 @p2 $0x2760;
	[sflag:s23] =	ssyncadd.s32 $0xFFFFD800  }
0x43: {  	[tilespmem:s7], [sflag:$0x1] =	stream.indirect.gather @p2 [hbm4b:s4+s8], $0x80, s1, s8, $0xb8;
	[tilespmem:$0x1AFE0] =	vst v63  }
0x44: {  	s12 =	simm.s32 @p2 $0x4F60;
	s7 =	simm.s32 @!p2 $0x3  }
0x45: {  	[spmem:s2] =	stream.indirect.scatter.add.f32 @p2 [tilespmem:s12], [sflag:$0x2], $0x80, s31, s8, $0xb8;
	[tilespmem:$0x1AFE0] =	vst v63  }
0x46: {  	s8 =	simm.s32 @!p2 $0x50;
	s12 =	simm.s32 @!p2 $0x4F60  }
0x47: {  	[tilespmem:s12], [sflag:$0x1] =	stream.indirect.gather @!p2 [hbm4b:s4+s8], $0x80, s1, s8, $0xb8;
	[tilespmem:$0x1AFE0] =	vst v63  }
.Ltmp3:
0x48: {  	_ = 	snop;
	(pc) =	sbr.rel @p1 .LBB2_3-.Ltmp3, $4  }
0x49: {  	s7 =	simm.s32 @p2 $0x2;
	s12 =	simm.s32 @!p2 $0x2760  }
0x4a: {  	[spmem:s2] =	stream.indirect.scatter.add.f32 @!p2 [tilespmem:s12], [sflag:$0x3], $0x80, s31, s8, $0xb8;
	[tilespmem:$0x1AFE0] =	vst v63  }
0x4b: {  	_ =	swait.ge [sflag:s7], $0x2800  }
0x4c: {  	s1 =	sadd.s32 $0x50, s1;
	[sflag:s7] =	ssyncset.done $0x0  }
0x4d: {  	[sflag:s7] =	ssyncadd.s32 $0xFFFFD800  }
0x4e: {  	_ =	swait.ge [sflag:s23], $0x2800  }
0x4f: {  	[sflag:s23] =	ssyncset.done $0x0  }
0x50: {  	s0 =	simm.s32 $0x50;
	[sflag:s23] =	ssyncadd.s32 $0xFFFFD800  }
0x51: {  	[spmem:s2] =	stream.indirect.scatter.add.f32 [tilespmem:s22], [sflag:$0x3], $0x80, s24, s0, $0xb8;
	[tilespmem:$0x1AFE0] =	vst v63  }
0x52: {  	_ =	swait.ge [sflag:s25], $0x2800  }
0x53: {  	[sflag:s25] =	ssyncset.done $0x0  }
0x54: {  	s1 =	simm.s32 $0x0;
	[sflag:s25] =	ssyncadd.s32 $0xFFFFD800  }
0x55: {  	[tilespmem:s1], [sflag:$0x2] =	stream.linear.gather [hbm4b:s18+s1], $0x1360, $0x38;
	[tilespmem:$0x1AFE0] =	vst v63  }
0x56: {  	_ =	swait.ge [sflag:s21], $0x1360  }
0x57: {  	[sflag:s21] =	ssyncset.done $0x0  }
0x58: {  	s31 =	simm.s32 $0x13B0;
	[sflag:s21] =	ssyncadd.s32 $0xFFFFECA0  }
0x59: {  	[tilespmem:s31], [sflag:$0x2] =	stream.linear.gather [hbm4b:s19+s1], $0x1360, $0x38;
	[tilespmem:$0x1AFE0] =	vst v63  }
0x5a: {  	_ =	swait.ge [sflag:s21], $0x1360  }
0x5b: {  	[sflag:s21] =	ssyncset.done $0x0  }
0x5c: {  	[sflag:s21] =	ssyncadd.s32 $0xFFFFECA0  }
0x5d: {  	[tilespmem:s22], [sflag:$0x1] =	stream.indirect.gather [hbm4b:s4+s0], $0x80, s1, s0, $0xb8;
	[tilespmem:$0x1AFE0] =	vst v63  }
0x5e: {  	s1 =	sand.u32 $0x1, s1;
	_ =	swait.ge [sflag:s23], $0x2800  }
0x5f: {  	p1 =	seq.s32 s1, $0x1;
	[sflag:s23] =	ssyncset.done $0x0  }
0x60: {  	s1 =	simm.s32 @p1 $0x50;
	s7 =	simm.s32 @p1 $0x2760;
	[sflag:s23] =	ssyncadd.s32 $0xFFFFD800  }
0x61: {  	[tilespmem:s7], [sflag:$0x1] =	stream.indirect.gather @p1 [hbm4b:s4+s1], $0x80, s0, s1, $0xb8;
	[tilespmem:$0x1AFE0] =	vst v63  }
0x62: {  	s7 =	simm.s32 @p1 $0x4F60  }
0x63: {  	[spmem:s2] =	stream.indirect.scatter.add.f32 @p1 [tilespmem:s7], [sflag:$0x2], $0x80, s31, s1, $0xb8;
	[tilespmem:$0x1AFE0] =	vst v63  }
0x64: {  	s8 =	simm.s32 @!p1 $0x4F60;
	s7 =	simm.s32 @!p1 $0x3;
	s1 =	simm.s32 @!p1 $0x50  }
0x65: {  	[tilespmem:s8], [sflag:$0x1] =	stream.indirect.gather @!p1 [hbm4b:s4+s1], $0x80, s0, s1, $0xb8;
	[tilespmem:$0x1AFE0] =	vst v63  }
0x66: {  	s7 =	simm.s32 @p1 $0x2;
	s0 =	simm.s32 @!p1 $0x2760  }
0x67: {  	[spmem:s2] =	stream.indirect.scatter.add.f32 @!p1 [tilespmem:s0], [sflag:$0x3], $0x80, s31, s1, $0xb8;
	[tilespmem:$0x1AFE0] =	vst v63  }
0x68: {  	_ =	swait.ge [sflag:s7], $0x2800  }
0x69: {  	s0 =	simm.s32 $0x1;
	s1 =	simm.s32 $0xA0;
	[sflag:s7] =	ssyncset.done $0x0  }
.LBB2_5:
0x6a: {  	[sflag:s7] =	ssyncadd.s32 $0xFFFFD800  }
0x6b: {  	s31 =	sadd.s32 $0x50, s31;
	s7 =	smov.u32 s0;
	s0 =	sadd.s32 $0x1, s0  }
0x6c: {  	p1 =	seq.s32 s0, $0x3D  }
0x6d: {  	s7 =	sand.u32 $0x1, s7;
	_ =	swait.ge [sflag:s23], $0x2800  }
0x6e: {  	p2 =	seq.s32 s7, $0x1;
	[sflag:s23] =	ssyncset.done $0x0  }
0x6f: {  	s8 =	simm.s32 @p2 $0x50;
	s7 =	simm.s32 @p2 $0x2760;
	[sflag:s23] =	ssyncadd.s32 $0xFFFFD800  }
0x70: {  	[tilespmem:s7], [sflag:$0x1] =	stream.indirect.gather @p2 [hbm4b:s4+s8], $0x80, s1, s8, $0xb8;
	[tilespmem:$0x1AFE0] =	vst v63  }
0x71: {  	s12 =	simm.s32 @p2 $0x4F60;
	s7 =	simm.s32 @!p2 $0x3  }
0x72: {  	[spmem:s2] =	stream.indirect.scatter.add.f32 @p2 [tilespmem:s12], [sflag:$0x2], $0x80, s31, s8, $0xb8;
	[tilespmem:$0x1AFE0] =	vst v63  }
0x73: {  	s8 =	simm.s32 @!p2 $0x50;
	s12 =	simm.s32 @!p2 $0x4F60  }
0x74: {  	[tilespmem:s12], [sflag:$0x1] =	stream.indirect.gather @!p2 [hbm4b:s4+s8], $0x80, s1, s8, $0xb8;
	[tilespmem:$0x1AFE0] =	vst v63  }
.Ltmp4:
0x75: {  	_ = 	snop;
	(pc) =	sbr.rel @!p1 .LBB2_5-.Ltmp4, $4  }
0x76: {  	s7 =	simm.s32 @p2 $0x2;
	s12 =	simm.s32 @!p2 $0x2760  }
0x77: {  	[spmem:s2] =	stream.indirect.scatter.add.f32 @!p2 [tilespmem:s12], [sflag:$0x3], $0x80, s31, s8, $0xb8;
	[tilespmem:$0x1AFE0] =	vst v63  }
0x78: {  	_ =	swait.ge [sflag:s7], $0x2800  }
0x79: {  	s1 =	sadd.s32 $0x50, s1;
	[sflag:s7] =	ssyncset.done $0x0  }
.Ltmp5:
0x7a: {  	(pc) =	sbr.rel .LBB2_12-.Ltmp5, $2  }
0x7b: {  	_ =	sdelay $0x2  }
0x7c: {  	[sflag:s7] =	ssyncadd.s32 $0xFFFFD800;
	s0 =	rddreg [dreg:$0x4]  }
.LBB2_7:
0x7d: {  	s1 =	rddreg [dreg:$0x6]  }
0x7e: {  	[tilespmem:s0], [sflag:$0x2] =	stream.linear.gather [hbm4b:s1+s0], $0x13B0, $0x38;
	[tilespmem:$0x1AFE0] =	vst v63  }
0x7f: {  	_ =	swait.ge [sflag:s21], $0x13B0  }
0x80: {  	[sflag:s21] =	ssyncset.done $0x0  }
0x81: {  	s31 =	simm.s32 $0x13B0;
	[sflag:s21] =	ssyncadd.s32 $0xFFFFEC50  }
0x82: {  	[tilespmem:s31], [sflag:$0x2] =	stream.linear.gather [hbm4b:s13+s0], $0x13B0, $0x38;
	[tilespmem:$0x1AFE0] =	vst v63  }
0x83: {  	_ =	swait.ge [sflag:s21], $0x13B0  }
0x84: {  	[sflag:s21] =	ssyncset.done $0x0  }
0x85: {  	s1 =	simm.s32 $0x50;
	[sflag:s21] =	ssyncadd.s32 $0xFFFFEC50  }
0x86: {  	[tilespmem:s22], [sflag:$0x1] =	stream.indirect.gather [hbm4b:s5+s1], $0x80, s0, s1, $0xb8;
	[tilespmem:$0x1AFE0] =	vst v63  }
0x87: {  	s12 =	sand.u32 $0x1, s0;
	_ =	swait.ge [sflag:s23], $0x2800  }
0x88: {  	p1 =	seq.s32 s12, $0x1;
	[sflag:s23] =	ssyncset.done $0x0  }
0x89: {  	s7 =	simm.s32 @p1 $0x2760;
	s0 =	simm.s32 @p1 $0x50;
	[sflag:s23] =	ssyncadd.s32 $0xFFFFD800  }
0x8a: {  	[tilespmem:s7], [sflag:$0x1] =	stream.indirect.gather @p1 [hbm4b:s5+s0], $0x80, s1, s0, $0xb8;
	[tilespmem:$0x1AFE0] =	vst v63  }
0x8b: {  	s7 =	simm.s32 @p1 $0x4F60  }
0x8c: {  	[spmem:s2] =	stream.indirect.scatter.add.f32 @p1 [tilespmem:s7], [sflag:$0x2], $0x80, s31, s0, $0xb8;
	[tilespmem:$0x1AFE0] =	vst v63  }
0x8d: {  	s8 =	simm.s32 @!p1 $0x4F60;
	s7 =	simm.s32 @!p1 $0x3;
	s0 =	simm.s32 @!p1 $0x50  }
0x8e: {  	[tilespmem:s8], [sflag:$0x1] =	stream.indirect.gather @!p1 [hbm4b:s5+s0], $0x80, s1, s0, $0xb8;
	[tilespmem:$0x1AFE0] =	vst v63  }
0x8f: {  	s7 =	simm.s32 @p1 $0x2;
	s1 =	simm.s32 @!p1 $0x2760  }
0x90: {  	[spmem:s2] =	stream.indirect.scatter.add.f32 @!p1 [tilespmem:s1], [sflag:$0x3], $0x80, s31, s0, $0xb8;
	[tilespmem:$0x1AFE0] =	vst v63  }
0x91: {  	_ =	swait.ge [sflag:s7], $0x2800  }
0x92: {  	s0 =	simm.s32 $0x1;
	s1 =	simm.s32 $0xA0;
	[sflag:s7] =	ssyncset.done $0x0  }
.LBB2_8:
0x93: {  	[sflag:s7] =	ssyncadd.s32 $0xFFFFD800  }
0x94: {  	s31 =	sadd.s32 $0x50, s31;
	s7 =	smov.u32 s0;
	s0 =	sadd.s32 $0x1, s0  }
0x95: {  	p1 =	sne.s32 s0, $0x3E  }
0x96: {  	s7 =	sand.u32 $0x1, s7;
	_ =	swait.ge [sflag:s23], $0x2800  }
0x97: {  	p2 =	seq.s32 s7, $0x1;
	[sflag:s23] =	ssyncset.done $0x0  }
0x98: {  	s8 =	simm.s32 @p2 $0x50;
	s7 =	simm.s32 @p2 $0x2760;
	[sflag:s23] =	ssyncadd.s32 $0xFFFFD800  }
0x99: {  	[tilespmem:s7], [sflag:$0x1] =	stream.indirect.gather @p2 [hbm4b:s5+s8], $0x80, s1, s8, $0xb8;
	[tilespmem:$0x1AFE0] =	vst v63  }
0x9a: {  	s12 =	simm.s32 @p2 $0x4F60;
	s7 =	simm.s32 @!p2 $0x3  }
0x9b: {  	[spmem:s2] =	stream.indirect.scatter.add.f32 @p2 [tilespmem:s12], [sflag:$0x2], $0x80, s31, s8, $0xb8;
	[tilespmem:$0x1AFE0] =	vst v63  }
0x9c: {  	s8 =	simm.s32 @!p2 $0x50;
	s12 =	simm.s32 @!p2 $0x4F60  }
0x9d: {  	[tilespmem:s12], [sflag:$0x1] =	stream.indirect.gather @!p2 [hbm4b:s5+s8], $0x80, s1, s8, $0xb8;
	[tilespmem:$0x1AFE0] =	vst v63  }
.Ltmp6:
0x9e: {  	_ = 	snop;
	(pc) =	sbr.rel @p1 .LBB2_8-.Ltmp6, $4  }
0x9f: {  	s7 =	simm.s32 @p2 $0x2;
	s12 =	simm.s32 @!p2 $0x2760  }
0xa0: {  	[spmem:s2] =	stream.indirect.scatter.add.f32 @!p2 [tilespmem:s12], [sflag:$0x3], $0x80, s31, s8, $0xb8;
	[tilespmem:$0x1AFE0] =	vst v63  }
0xa1: {  	_ =	swait.ge [sflag:s7], $0x2800  }
0xa2: {  	s1 =	sadd.s32 $0x50, s1;
	[sflag:s7] =	ssyncset.done $0x0  }
0xa3: {  	[sflag:s7] =	ssyncadd.s32 $0xFFFFD800  }
0xa4: {  	_ =	swait.ge [sflag:s23], $0x2800  }
0xa5: {  	[sflag:s23] =	ssyncset.done $0x0  }
0xa6: {  	s0 =	simm.s32 $0x50;
	[sflag:s23] =	ssyncadd.s32 $0xFFFFD800  }
0xa7: {  	[spmem:s2] =	stream.indirect.scatter.add.f32 [tilespmem:s22], [sflag:$0x3], $0x80, s24, s0, $0xb8;
	[tilespmem:$0x1AFE0] =	vst v63  }
0xa8: {  	_ =	swait.ge [sflag:s25], $0x2800  }
0xa9: {  	[sflag:s25] =	ssyncset.done $0x0  }
0xaa: {  	s1 =	simm.s32 $0x0;
	[sflag:s25] =	ssyncadd.s32 $0xFFFFD800  }
0xab: {  	[tilespmem:s1], [sflag:$0x2] =	stream.linear.gather [hbm4b:s14+s1], $0x1360, $0x38;
	[tilespmem:$0x1AFE0] =	vst v63  }
0xac: {  	_ =	swait.ge [sflag:s21], $0x1360  }
0xad: {  	[sflag:s21] =	ssyncset.done $0x0  }
0xae: {  	s31 =	simm.s32 $0x13B0;
	[sflag:s21] =	ssyncadd.s32 $0xFFFFECA0  }
0xaf: {  	[tilespmem:s31], [sflag:$0x2] =	stream.linear.gather [hbm4b:s15+s1], $0x1360, $0x38;
	[tilespmem:$0x1AFE0] =	vst v63  }
0xb0: {  	_ =	swait.ge [sflag:s21], $0x1360  }
0xb1: {  	[sflag:s21] =	ssyncset.done $0x0  }
0xb2: {  	[sflag:s21] =	ssyncadd.s32 $0xFFFFECA0  }
0xb3: {  	[tilespmem:s22], [sflag:$0x1] =	stream.indirect.gather [hbm4b:s5+s0], $0x80, s1, s0, $0xb8;
	[tilespmem:$0x1AFE0] =	vst v63  }
0xb4: {  	s1 =	sand.u32 $0x1, s1;
	_ =	swait.ge [sflag:s23], $0x2800  }
0xb5: {  	p1 =	seq.s32 s1, $0x1;
	[sflag:s23] =	ssyncset.done $0x0  }
0xb6: {  	s1 =	simm.s32 @p1 $0x50;
	s7 =	simm.s32 @p1 $0x2760;
	[sflag:s23] =	ssyncadd.s32 $0xFFFFD800  }
0xb7: {  	[tilespmem:s7], [sflag:$0x1] =	stream.indirect.gather @p1 [hbm4b:s5+s1], $0x80, s0, s1, $0xb8;
	[tilespmem:$0x1AFE0] =	vst v63  }
0xb8: {  	s7 =	simm.s32 @p1 $0x4F60  }
0xb9: {  	[spmem:s2] =	stream.indirect.scatter.add.f32 @p1 [tilespmem:s7], [sflag:$0x2], $0x80, s31, s1, $0xb8;
	[tilespmem:$0x1AFE0] =	vst v63  }
0xba: {  	s8 =	simm.s32 @!p1 $0x4F60;
	s7 =	simm.s32 @!p1 $0x3;
	s1 =	simm.s32 @!p1 $0x50  }
0xbb: {  	[tilespmem:s8], [sflag:$0x1] =	stream.indirect.gather @!p1 [hbm4b:s5+s1], $0x80, s0, s1, $0xb8;
	[tilespmem:$0x1AFE0] =	vst v63  }
0xbc: {  	s7 =	simm.s32 @p1 $0x2;
	s0 =	simm.s32 @!p1 $0x2760  }
0xbd: {  	[spmem:s2] =	stream.indirect.scatter.add.f32 @!p1 [tilespmem:s0], [sflag:$0x3], $0x80, s31, s1, $0xb8;
	[tilespmem:$0x1AFE0] =	vst v63  }
0xbe: {  	_ =	swait.ge [sflag:s7], $0x2800  }
0xbf: {  	s0 =	simm.s32 $0x1;
	s1 =	simm.s32 $0xA0;
	[sflag:s7] =	ssyncset.done $0x0  }
.LBB2_10:
0xc0: {  	[sflag:s7] =	ssyncadd.s32 $0xFFFFD800  }
0xc1: {  	s31 =	sadd.s32 $0x50, s31;
	s7 =	smov.u32 s0;
	s0 =	sadd.s32 $0x1, s0  }
0xc2: {  	p1 =	sne.s32 s0, $0x3D  }
0xc3: {  	s7 =	sand.u32 $0x1, s7;
	_ =	swait.ge [sflag:s23], $0x2800  }
0xc4: {  	p2 =	seq.s32 s7, $0x1;
	[sflag:s23] =	ssyncset.done $0x0  }
0xc5: {  	s8 =	simm.s32 @p2 $0x50;
	s7 =	simm.s32 @p2 $0x2760;
	[sflag:s23] =	ssyncadd.s32 $0xFFFFD800  }
0xc6: {  	[tilespmem:s7], [sflag:$0x1] =	stream.indirect.gather @p2 [hbm4b:s5+s8], $0x80, s1, s8, $0xb8;
	[tilespmem:$0x1AFE0] =	vst v63  }
0xc7: {  	s12 =	simm.s32 @p2 $0x4F60;
	s7 =	simm.s32 @!p2 $0x3  }
0xc8: {  	[spmem:s2] =	stream.indirect.scatter.add.f32 @p2 [tilespmem:s12], [sflag:$0x2], $0x80, s31, s8, $0xb8;
	[tilespmem:$0x1AFE0] =	vst v63  }
0xc9: {  	s8 =	simm.s32 @!p2 $0x50;
	s12 =	simm.s32 @!p2 $0x4F60  }
0xca: {  	[tilespmem:s12], [sflag:$0x1] =	stream.indirect.gather @!p2 [hbm4b:s5+s8], $0x80, s1, s8, $0xb8;
	[tilespmem:$0x1AFE0] =	vst v63  }
.Ltmp7:
0xcb: {  	_ = 	snop;
	(pc) =	sbr.rel @p1 .LBB2_10-.Ltmp7, $4  }
0xcc: {  	s7 =	simm.s32 @p2 $0x2;
	s12 =	simm.s32 @!p2 $0x2760  }
0xcd: {  	[spmem:s2] =	stream.indirect.scatter.add.f32 @!p2 [tilespmem:s12], [sflag:$0x3], $0x80, s31, s8, $0xb8;
	[tilespmem:$0x1AFE0] =	vst v63  }
0xce: {  	_ =	swait.ge [sflag:s7], $0x2800  }
0xcf: {  	s1 =	sadd.s32 $0x50, s1;
	[sflag:s7] =	ssyncset.done $0x0  }
.Ltmp8:
0xd0: {  	_ = 	snop;
	(pc) =	sbr.rel .LBB2_11-.Ltmp8, $1  }
0xd1: {  	_ =	sdelay $0x3  }
.LBB2_13:
0xd2: {  	_ =	sfence.sel $0x180000  }
0xd3: {  	[bflag:$0x0] =	sbarrier.arrive $0xFFFF  }
0xd4: {  	_ =	strace $0x9000004A  }
0xd5: {  	s0 =	stileid.u32;
	[bflag:$0x2] =	sbarrier.arrive $0xFFFF  }
0xd6: {  	p0 =	sne.s32 s0, $0x0;
	s0 =	rddreg [dreg:$0x3]  }
0xd7: {  	s0 =	sadd.s32 @!p0 $0x100000, s0  }
0xd8: {  	[sflag:s0] =	ssyncadd.tile.s32 @!p0 $0x1;
	_ =	shalt  }
.Lfunc_end2:
_tile_overlayer_lowered:
.L_overlay_start_2:
0xd9: {  	(tag) =	ssettag $0x2  }
0xda: {  	s0 =	rddreg [dreg:$0x0];
	s2 =	stileid.u32  }
0xdb: {  	s1 =	rddreg [dreg:$0x1];
	p0 =	sne.s32 s2, $0x0  }
0xdc: {  	s3 =	rddreg [dreg:$0x2];
	[bflag:$0x3] =	sbarrier.arrive $0xFFFF;
	s2 =	simm.s32 @!p0 $0x1C02  }
0xdd: {  	[timem:s3], [sflag:s2] =	dma.local @!p0 [hbm:s0], s1  }
0xde: {  	s0 =	simm.s32 @!p0 $0x2  }
0xdf: {  	_ =	swait.ge @!p0 [sflag:s0], s1  }
0xe0: {  	s1 =	ssub.s32 @!p0 $0x0, s1;
	[sflag:s0] =	ssyncset.done @!p0 $0x0  }
0xe1: {  	[sflag:s0] =	ssyncadd.s32 @!p0 s1  }
0xe2: {  	[bflag:$0x3] =	sbarrier.arrive $0xFFFF  }
0xe3: {  	_ =	shalt  }

</sc_bundles>
